<compile_context>
chip_gen: v7x
topology: tpu7x:2x2x1
jax: 0.10.2.dev20260603
libtpu: 0.0.44.dev20260713+nightly
codegen_flags: <defaults>
</compile_context>

<pallas_src>
import functools

import jax
import jax.numpy as jnp
from jax import lax
from jax.experimental import pallas as pl
from jax.experimental.pallas import tpu as pltpu
from jax.experimental.pallas import tpu_sc as plsc

_N = 1_000_000
_L = 16
_NTILES = 16
_CHUNK = 62_528
_TAIL = _N - 15 * _CHUNK
_VPW = _CHUNK // _L
_VPT = _TAIL // _L
_K = 120_000
_NB = 256
_HWORDS = _NB * _L
_CCAP = 4080

_mesh = plsc.VectorSubcoreMesh(
    core_axis_name="c", subcore_axis_name="s", num_cores=1
)


@functools.partial(
    pl.kernel,
    mesh=_mesh,
    out_type=jax.ShapeDtypeStruct((_N,), jnp.float32),
    scratch_types=[
        pltpu.VMEM((_CHUNK,), jnp.float32),
        pltpu.VMEM((_HWORDS,), jnp.int32),
        pltpu.VMEM((_HWORDS,), jnp.int32),
        pltpu.VMEM((_HWORDS,), jnp.int32),
        pltpu.VMEM((_CCAP + _L,), jnp.float32),
        pltpu.VMEM_SHARED((_NTILES, _HWORDS), jnp.int32),
        pltpu.SMEM((34,), jnp.int32),
        pltpu.SemaphoreType.DMA,
    ],
    compiler_params=pltpu.CompilerParams(needs_layout_passes=False),
)
def _topk_mask(
    x_hbm, out_hbm, data_v, hist_v, tmp_v, tmpb_v, cand_v, hist_sh, cnt_sm,
    dma_sem,
):
    tid = lax.axis_index("s")
    base = tid * _CHUNK
    nvec = jnp.where(tid == _NTILES - 1, _VPT, _VPW)

    @pl.when(tid == _NTILES - 1)
    def _load_tail():
        pltpu.sync_copy(x_hbm.at[pl.ds(base, _TAIL)], data_v.at[pl.ds(0, _TAIL)])

    @pl.when(tid != _NTILES - 1)
    def _load_full():
        pltpu.sync_copy(x_hbm.at[pl.ds(base, _CHUNK)], data_v)

    lanes = lax.iota(jnp.int32, _L)
    zeros_i = jnp.zeros((_L,), jnp.int32)
    zeros_f = jnp.zeros((_L,), jnp.float32)
    ones_i = jnp.ones((_L,), jnp.int32)

    @pl.when(tid == 0)
    def _zero_sm():
        def z(i, c):
            cnt_sm[i] = 0
            return c

        lax.fori_loop(0, 34, z, 0)

    @plsc.parallel_loop(0, _HWORDS // _L, unroll=8)
    def _zh(i):
        hist_v[pl.ds(i * _L, _L)] = zeros_i

    @plsc.parallel_loop(0, (_CCAP + _L) // _L, unroll=8)
    def _zc(i):
        cand_v[pl.ds(i * _L, _L)] = zeros_f

    @plsc.parallel_loop(0, nvec, unroll=8)
    def _hist(i):
        v = data_v[pl.ds(i * _L, _L)]
        idx = (v * 256.0).astype(jnp.int32) * _L + lanes
        plsc.addupdate_scatter(hist_v, [idx], ones_i)

    pltpu.sync_copy(hist_v, hist_sh.at[tid])
    plsc.subcore_barrier()

    bufs = (tmp_v, tmpb_v)
    cp = pltpu.async_copy(
        hist_sh.at[lax.rem(tid + 1, _NTILES)], bufs[0], dma_sem
    )
    for s in range(1, _NTILES):
        cp.wait()
        cur = bufs[(s - 1) % 2]
        if s < _NTILES - 1:
            cp = pltpu.async_copy(
                hist_sh.at[lax.rem(tid + s + 1, _NTILES)],
                bufs[s % 2],
                dma_sem,
            )

        @plsc.parallel_loop(0, _HWORDS // _L, unroll=8)
        def _acc(i, cur=cur):
            hist_v[pl.ds(i * _L, _L)] = (
                hist_v[pl.ds(i * _L, _L)] + cur[pl.ds(i * _L, _L)]
            )

    def scan_body(j, carry):
        s, b_win, above = carry
        b = _NB - 1 - j
        s_new = s + jnp.sum(hist_v[pl.ds(b * _L, _L)])
        hit = (s_new >= _K) & (s < _K)
        return (
            s_new,
            jnp.where(hit, b, b_win),
            jnp.where(hit, s, above),
        )

    _, b_win, above = plsc.parallel_loop(
        0, _NB, unroll=4,
        carry=(jnp.int32(0), jnp.int32(0), jnp.int32(0)),
    )(scan_body)
    kprime = _K - above
    bwin_v = jnp.full((_L,), b_win, dtype=jnp.int32)

    def compact_body(i, off_c):
        v = data_v[pl.ds(i * _L, _L)]
        m = (v * 256.0).astype(jnp.int32) == bwin_v
        m = m & jnp.full((_L,), off_c < _CCAP - _L, dtype=jnp.bool_)
        plsc.store_compressed(cand_v.at[pl.ds(off_c, _L)], v, mask=m)
        return off_c + plsc.all_reduce_population_count(m)[0]

    off = plsc.parallel_loop(0, nvec, unroll=8, carry=jnp.int32(0))(
        compact_body
    )
    nvc = (off + _L - 1) // _L

    def round_body(r, lohi):
        lo, hi = lohi
        mid = (lo + hi) // 2
        tvec = jnp.full(
            (_L,), lax.bitcast_convert_type(mid, jnp.float32), dtype=jnp.float32
        )

        def cnt(i, a):
            v = cand_v[pl.ds(i * _L, _L)]
            return a + plsc.all_reduce_population_count(v >= tvec)

        acc = lax.fori_loop(0, nvc, cnt, zeros_i)
        plsc.fetch_and_add(cnt_sm.at[r], acc[0], subcore_id=0)
        plsc.subcore_barrier()
        tot = plsc.fetch_and_add(cnt_sm.at[r], jnp.int32(0), subcore_id=0)
        ok = tot >= kprime
        return jnp.where(ok, mid, lo), jnp.where(ok, hi, mid)

    lo0 = jnp.where(
        b_win > 0,
        lax.bitcast_convert_type(b_win.astype(jnp.float32) * (1.0 / 256.0),
                                 jnp.int32),
        jnp.int32(0),
    )
    hi0 = lax.bitcast_convert_type(
        (b_win + 1).astype(jnp.float32) * (1.0 / 256.0), jnp.int32
    )
    nrounds = (
        lax.shift_right_logical(
            lax.bitcast_convert_type((hi0 - lo0).astype(jnp.float32), jnp.int32),
            23,
        )
        - 126
    )
    lo, _ = lax.fori_loop(0, nrounds, round_body, (lo0, hi0))
    tau = jnp.full(
        (_L,),
        lax.bitcast_convert_type(lo, jnp.float32) * 0.25,
        dtype=jnp.float32,
    )

    @plsc.parallel_loop(0, nvec, unroll=8)
    def _mask(i):
        v = data_v[pl.ds(i * _L, _L)]
        data_v[pl.ds(i * _L, _L)] = jnp.where(v * 0.25 >= tau, 1.0, 0.0)

    @pl.when(tid == _NTILES - 1)
    def _store_tail():
        pltpu.sync_copy(data_v.at[pl.ds(0, _TAIL)], out_hbm.at[pl.ds(base, _TAIL)])

    @pl.when(tid != _NTILES - 1)
    def _store_full():
        pltpu.sync_copy(data_v, out_hbm.at[pl.ds(base, _CHUNK)])


def kernel(strength):
    x = strength.reshape(-1)
    m = _topk_mask(x)
    return (m != 0.0).reshape(_N, 1)

# --- scband reference (transcript-rebuilt; emitter-appended) ---
"""Pipeline reference for scband-ghost-controller-54004918780395 (READ-ONLY COPY).

The authoritative reference and input builder live on the scoring server;
editing this copy changes nothing except your own understanding.
"""

import jax, jax.numpy as jnp
import numpy as np
import math

TOPK_RATIO = 0.12
EMA_ALPHA = 0.25
TEMPORAL = True
TAU_OFF_FRAC = 0.75
N = 1000000

def setup_inputs(seed: int = 0) -> dict:
    key = jax.random.key(seed)
    strength = jax.random.uniform(key, (N, 1), dtype=jnp.float32)
    return {"strength": strength}

def reference(strength):
    n = strength.shape[0]
    # fresh state (first call): ema = zeros, prev_mask = zeros(bool)
    ema = jnp.zeros((n, 1), dtype=jnp.float32)
    prev_mask = jnp.zeros((n, 1), dtype=bool)
    if TEMPORAL:
        ema = (1.0 - EMA_ALPHA) * ema + EMA_ALPHA * strength
        ref = ema
    else:
        ref = strength
    k = max(1, int(math.ceil(TOPK_RATIO * n)))
    vals, _ = jax.lax.top_k(ref.reshape(-1), k)
    tau_on = jnp.min(vals)
    tau_off = tau_on * TAU_OFF_FRAC
    on_now = ref >= tau_on
    keep_on = (ref >= tau_off) & prev_mask
    mask = on_now | keep_on
    return mask

if __name__ == "__main__":
    import jax
    _d = setup_inputs()
    print(jax.jit(kernel)(*tuple(_d.values())))

</pallas_src>

<mosaic_0001>
#map = affine_map<(d0, d1) -> (0)>
module attributes {stable_mosaic.version = 14 : i64} {
  func.func @_topk_mask(%arg0: i32, %arg1: i32, %arg2: memref<1000000xf32, #tpu.memory_space<hbm>>, %arg3: memref<1000000xf32, #tpu.memory_space<hbm>>, %arg4: memref<62528xf32, #tpu.memory_space<vmem>>, %arg5: memref<4096xi32, #tpu.memory_space<vmem>>, %arg6: memref<4096xi32, #tpu.memory_space<vmem>>, %arg7: memref<4096xi32, #tpu.memory_space<vmem>>, %arg8: memref<4096xf32, #tpu.memory_space<vmem>>, %arg9: memref<16x4096xi32, #tpu.memory_space<vmem_shared>>, %arg10: memref<34xi32, #tpu.memory_space<smem>>, %arg11: memref<!tpu.dma_semaphore, #tpu.memory_space<semaphore_mem>>) attributes {dimension_semantics = [#tpu.dimension_semantics<core_parallel>, #tpu.dimension_semantics<subcore_parallel>], iteration_bounds = array<i64: 1, 16>, scalar_prefetch = 0 : i64, scratch_operands = 8 : i64, tpu.core_type = #tpu.core_type<sc_vector_subcore>, window_params = [{transform_indices = #map}, {transform_indices = #map}]} {
    %mul3A = arith.constant 62528 : i32
    %mul3A_0 = arith.muli %arg1, %mul3A : i32
    %eq3A = arith.constant 15 : i32
    %eq3A_1 = arith.cmpi eq, %arg1, %eq3A : i32
    %jit3A = arith.constant 3880 : i32
    %jit3A_2 = arith.constant 3908 : i32
    %select_n3A = arith.select %eq3A_1, %jit3A, %jit3A_2 : i32
    %eq3A_3 = arith.constant 15 : i32
    %eq3A_4 = arith.cmpi eq, %arg1, %eq3A_3 : i32
    %convert_element_type3A = arith.extui %eq3A_4 : i1 to i32
    %cond3A = arith.constant 0 : i32
    %cond3A_5 = arith.cmpi ne, %convert_element_type3A, %cond3A : i32
    scf.if %cond3A_5 {
      "tpu.region"() ({
        %run_scoped3A = tpu.sem_alloc : memref<!tpu.dma_semaphore, #tpu.memory_space<semaphore_mem>>
        %dma_start3A_418 = arith.constant 0 : i32
        %dma_start3A_419 = tpu.memref_slice %arg4[%dma_start3A_418] : memref<62528xf32, #tpu.memory_space<vmem>> -> memref<62080xf32, #tpu.memory_space<vmem>>
        %dma_start3A_420 = tpu.memref_slice %arg2[%mul3A_0] : memref<1000000xf32, #tpu.memory_space<hbm>> -> memref<62080xf32, #tpu.memory_space<hbm>>
        %dma_start3A_421 = arith.constant 0 : i32
        %dma_start3A_422 = tpu.memref_slice %arg4[%dma_start3A_421] : memref<62528xf32, #tpu.memory_space<vmem>> -> memref<62080xf32, #tpu.memory_space<vmem>>
        %dma_start3A_423 = tpu.memref_slice %arg2[%mul3A_0] : memref<1000000xf32, #tpu.memory_space<hbm>> -> memref<62080xf32, #tpu.memory_space<hbm>>
        tpu.enqueue_dma source(%dma_start3A_423 : memref<62080xf32, #tpu.memory_space<hbm>>) target(%dma_start3A_422 : memref<62080xf32, #tpu.memory_space<vmem>>) target_semaphore(%run_scoped3A : memref<!tpu.dma_semaphore, #tpu.memory_space<semaphore_mem>>)
        %dma_wait3A_424 = arith.constant 0 : i32
        %dma_wait3A_425 = tpu.memref_slice %arg4[%dma_wait3A_424] : memref<62528xf32, #tpu.memory_space<vmem>> -> memref<62080xf32, #tpu.memory_space<vmem>>
        %dma_wait3A_426 = tpu.memref_slice %arg2[%mul3A_0] : memref<1000000xf32, #tpu.memory_space<hbm>> -> memref<62080xf32, #tpu.memory_space<hbm>>
        %dma_wait3A_427 = arith.constant 0 : i32
        %dma_wait3A_428 = tpu.memref_slice %arg4[%dma_wait3A_427] : memref<62528xf32, #tpu.memory_space<vmem>> -> memref<62080xf32, #tpu.memory_space<vmem>>
        %dma_wait3A_429 = tpu.memref_slice %arg2[%mul3A_0] : memref<1000000xf32, #tpu.memory_space<hbm>> -> memref<62080xf32, #tpu.memory_space<hbm>>
        tpu.wait_dma2 semaphore(%run_scoped3A : memref<!tpu.dma_semaphore, #tpu.memory_space<semaphore_mem>>) src(%dma_wait3A_429 : memref<62080xf32, #tpu.memory_space<hbm>>) dst(%dma_wait3A_428 : memref<62080xf32, #tpu.memory_space<vmem>>)
        tpu.yield
      }) : () -> ()
    } else {
    }
    %ne3A = arith.constant 15 : i32
    %ne3A_6 = arith.cmpi ne, %arg1, %ne3A : i32
    %convert_element_type3A_7 = arith.extui %ne3A_6 : i1 to i32
    %cond3A_8 = arith.constant 0 : i32
    %cond3A_9 = arith.cmpi ne, %convert_element_type3A_7, %cond3A_8 : i32
    scf.if %cond3A_9 {
      "tpu.region"() ({
        %run_scoped3A = tpu.sem_alloc : memref<!tpu.dma_semaphore, #tpu.memory_space<semaphore_mem>>
        %dma_start3A_418 = tpu.memref_slice %arg2[%mul3A_0] : memref<1000000xf32, #tpu.memory_space<hbm>> -> memref<62528xf32, #tpu.memory_space<hbm>>
        %dma_start3A_419 = tpu.memref_slice %arg2[%mul3A_0] : memref<1000000xf32, #tpu.memory_space<hbm>> -> memref<62528xf32, #tpu.memory_space<hbm>>
        tpu.enqueue_dma source(%dma_start3A_419 : memref<62528xf32, #tpu.memory_space<hbm>>) target(%arg4 : memref<62528xf32, #tpu.memory_space<vmem>>) target_semaphore(%run_scoped3A : memref<!tpu.dma_semaphore, #tpu.memory_space<semaphore_mem>>)
        %dma_wait3A_420 = tpu.memref_slice %arg2[%mul3A_0] : memref<1000000xf32, #tpu.memory_space<hbm>> -> memref<62528xf32, #tpu.memory_space<hbm>>
        %dma_wait3A_421 = tpu.memref_slice %arg2[%mul3A_0] : memref<1000000xf32, #tpu.memory_space<hbm>> -> memref<62528xf32, #tpu.memory_space<hbm>>
        tpu.wait_dma2 semaphore(%run_scoped3A : memref<!tpu.dma_semaphore, #tpu.memory_space<semaphore_mem>>) src(%dma_wait3A_421 : memref<62528xf32, #tpu.memory_space<hbm>>) dst(%arg4 : memref<62528xf32, #tpu.memory_space<vmem>>)
        tpu.yield
      }) : () -> ()
    } else {
    }
    %iota3A = tpu.iota {dimensions = array<i32: 0>} : vector<16xi32>
    %broadcast_in_dim3A = arith.constant 0 : i32
    %broadcast_in_dim3A_10 = vector.broadcast %broadcast_in_dim3A : i32 to vector<16xi32>
    %broadcast_in_dim3A_11 = arith.constant 0.000000e+00 : f32
    %broadcast_in_dim3A_12 = vector.broadcast %broadcast_in_dim3A_11 : f32 to vector<16xf32>
    %broadcast_in_dim3A_13 = arith.constant 1 : i32
    %broadcast_in_dim3A_14 = vector.broadcast %broadcast_in_dim3A_13 : i32 to vector<16xi32>
    %eq3A_15 = arith.constant 0 : i32
    %eq3A_16 = arith.cmpi eq, %arg1, %eq3A_15 : i32
    %convert_element_type3A_17 = arith.extui %eq3A_16 : i1 to i32
    %cond3A_18 = arith.constant 0 : i32
    %cond3A_19 = arith.cmpi ne, %convert_element_type3A_17, %cond3A_18 : i32
    scf.if %cond3A_19 {
      %scan3A = arith.constant 0 : i32
      %scan3A_418 = arith.constant 0 : i32
      %scan3A_419 = arith.constant 34 : i32
      %scan3A_420 = arith.addi %scan3A_418, %scan3A_419 : i32
      %scan3A_421 = arith.constant 1 : i32
      scf.for %scan3A_423 = %scan3A_418 to %scan3A_420 step %scan3A_421  : i32 {
        %swap3A = arith.constant 0 : i32
        %swap3A_424 = arith.index_cast %scan3A_423 : i32 to index
        %swap3A_425 = memref.load %arg10[%swap3A_424] : memref<34xi32, #tpu.memory_space<smem>>
        memref.store %swap3A, %arg10[%swap3A_424] : memref<34xi32, #tpu.memory_space<smem>>
      }
      %scan3A_422 = arith.constant 34 : i32
    } else {
    }
    %parallel_loop3A = arith.constant 0 : i32
    %parallel_loop3A_20 = arith.constant 256 : i32
    %parallel_loop3A_21 = arith.constant 1 : i32
    scf.for %parallel_loop3A_418 = %parallel_loop3A to %parallel_loop3A_20 step %parallel_loop3A_21  : i32 {
      %parallel_loop3A_419 = arith.constant 16 : i32
      %parallel_loop3A_420 = arith.muli %parallel_loop3A_418, %parallel_loop3A_419 : i32
      %parallel_loop3A_421 = arith.index_cast %parallel_loop3A_420 : i32 to index
      %parallel_loop3A_422 = tpu.vector_load %arg5[%parallel_loop3A_421] {strides = array<i32>} : memref<4096xi32, #tpu.memory_space<vmem>>, vector<16xi32>,
      tpu.vector_store %arg5[%parallel_loop3A_421], %broadcast_in_dim3A_10 {strides = array<i32>} : memref<4096xi32, #tpu.memory_space<vmem>>, vector<16xi32>,
    } {sc.loop_unroll_factor = 8 : i64, sc.parallel_access}
    %parallel_loop3A_22 = arith.constant 0 : i32
    %parallel_loop3A_23 = arith.constant 256 : i32
    %parallel_loop3A_24 = arith.constant 1 : i32
    scf.for %parallel_loop3A_418 = %parallel_loop3A_22 to %parallel_loop3A_23 step %parallel_loop3A_24  : i32 {
      %parallel_loop3A_419 = arith.constant 16 : i32
      %parallel_loop3A_420 = arith.muli %parallel_loop3A_418, %parallel_loop3A_419 : i32
      %parallel_loop3A_421 = arith.index_cast %parallel_loop3A_420 : i32 to index
      %parallel_loop3A_422 = tpu.vector_load %arg8[%parallel_loop3A_421] {strides = array<i32>} : memref<4096xf32, #tpu.memory_space<vmem>>, vector<16xf32>,
      tpu.vector_store %arg8[%parallel_loop3A_421], %broadcast_in_dim3A_12 {strides = array<i32>} : memref<4096xf32, #tpu.memory_space<vmem>>, vector<16xf32>,
    } {sc.loop_unroll_factor = 8 : i64, sc.parallel_access}
    %parallel_loop3A_25 = arith.constant 0 : i32
    %parallel_loop3A_26 = arith.constant 1 : i32
    scf.for %parallel_loop3A_418 = %parallel_loop3A_25 to %select_n3A step %parallel_loop3A_26  : i32 {
      %parallel_loop3A_419 = arith.constant 16 : i32
      %parallel_loop3A_420 = arith.muli %parallel_loop3A_418, %parallel_loop3A_419 : i32
      %parallel_loop3A_421 = arith.index_cast %parallel_loop3A_420 : i32 to index
      %parallel_loop3A_422 = tpu.vector_load %arg4[%parallel_loop3A_421] {strides = array<i32>} : memref<62528xf32, #tpu.memory_space<vmem>>, vector<16xf32>,
      %parallel_loop3A_423 = arith.constant 2.560000e+02 : f32
      %parallel_loop3A_424 = vector.broadcast %parallel_loop3A_423 : f32 to vector<16xf32>
      %parallel_loop3A_425 = arith.mulf %parallel_loop3A_422, %parallel_loop3A_424 : vector<16xf32>
      %parallel_loop3A_426 = arith.fptosi %parallel_loop3A_425 : vector<16xf32> to vector<16xi32>
      %parallel_loop3A_427 = arith.constant 16 : i32
      %parallel_loop3A_428 = vector.broadcast %parallel_loop3A_427 : i32 to vector<16xi32>
      %parallel_loop3A_429 = arith.muli %parallel_loop3A_426, %parallel_loop3A_428 : vector<16xi32>
      %parallel_loop3A_430 = arith.addi %parallel_loop3A_429, %iota3A : vector<16xi32>
      tpu.vector_store_idx %arg5[%parallel_loop3A_430], %broadcast_in_dim3A_14 {add = true} : memref<4096xi32, #tpu.memory_space<vmem>>[vector<16xi32>], vector<16xi32>,
    } {sc.loop_unroll_factor = 8 : i64, sc.parallel_access}
    "tpu.region"() ({
      %run_scoped3A = tpu.sem_alloc : memref<!tpu.dma_semaphore, #tpu.memory_space<semaphore_mem>>
      %dma_start3A_418 = arith.constant 0 : i32
      %dma_start3A_419 = tpu.memref_slice %arg9[%arg1, %dma_start3A_418] : memref<16x4096xi32, #tpu.memory_space<vmem_shared>> -> memref<1x4096xi32, #tpu.memory_space<vmem_shared>>
      %dma_start3A_420 = tpu.memref_squeeze %dma_start3A_419 : memref<1x4096xi32, #tpu.memory_space<vmem_shared>> -> memref<4096xi32, #tpu.memory_space<vmem_shared>>
      %dma_start3A_421 = arith.constant 0 : i32
      %dma_start3A_422 = tpu.memref_slice %arg9[%arg1, %dma_start3A_421] : memref<16x4096xi32, #tpu.memory_space<vmem_shared>> -> memref<1x4096xi32, #tpu.memory_space<vmem_shared>>
      %dma_start3A_423 = tpu.memref_squeeze %dma_start3A_422 : memref<1x4096xi32, #tpu.memory_space<vmem_shared>> -> memref<4096xi32, #tpu.memory_space<vmem_shared>>
      tpu.enqueue_dma source(%arg5 : memref<4096xi32, #tpu.memory_space<vmem>>) target(%dma_start3A_423 : memref<4096xi32, #tpu.memory_space<vmem_shared>>) target_semaphore(%run_scoped3A : memref<!tpu.dma_semaphore, #tpu.memory_space<semaphore_mem>>)
      %dma_wait3A_424 = arith.constant 0 : i32
      %dma_wait3A_425 = tpu.memref_slice %arg9[%arg1, %dma_wait3A_424] : memref<16x4096xi32, #tpu.memory_space<vmem_shared>> -> memref<1x4096xi32, #tpu.memory_space<vmem_shared>>
      %dma_wait3A_426 = tpu.memref_squeeze %dma_wait3A_425 : memref<1x4096xi32, #tpu.memory_space<vmem_shared>> -> memref<4096xi32, #tpu.memory_space<vmem_shared>>
      %dma_wait3A_427 = arith.constant 0 : i32
      %dma_wait3A_428 = tpu.memref_slice %arg9[%arg1, %dma_wait3A_427] : memref<16x4096xi32, #tpu.memory_space<vmem_shared>> -> memref<1x4096xi32, #tpu.memory_space<vmem_shared>>
      %dma_wait3A_429 = tpu.memref_squeeze %dma_wait3A_428 : memref<1x4096xi32, #tpu.memory_space<vmem_shared>> -> memref<4096xi32, #tpu.memory_space<vmem_shared>>
      tpu.wait_dma2 semaphore(%run_scoped3A : memref<!tpu.dma_semaphore, #tpu.memory_space<semaphore_mem>>) src(%arg5 : memref<4096xi32, #tpu.memory_space<vmem>>) dst(%dma_wait3A_429 : memref<4096xi32, #tpu.memory_space<vmem_shared>>)
      tpu.yield
    }) : () -> ()
    %barrier3A = arith.constant 0 : index
    tpu.barrier barrier_id(%barrier3A)
    %add3A = arith.constant 1 : i32
    %add3A_27 = arith.addi %arg1, %add3A : i32
    %rem3A = arith.constant 16 : i32
    %rem3A_28 = arith.remsi %add3A_27, %rem3A : i32
    %dma_start3A = arith.constant 0 : i32
    %dma_start3A_29 = tpu.memref_slice %arg9[%rem3A_28, %dma_start3A] : memref<16x4096xi32, #tpu.memory_space<vmem_shared>> -> memref<1x4096xi32, #tpu.memory_space<vmem_shared>>
    %dma_start3A_30 = tpu.memref_squeeze %dma_start3A_29 : memref<1x4096xi32, #tpu.memory_space<vmem_shared>> -> memref<4096xi32, #tpu.memory_space<vmem_shared>>
    %dma_start3A_31 = arith.constant 0 : i32
    %dma_start3A_32 = tpu.memref_slice %arg9[%rem3A_28, %dma_start3A_31] : memref<16x4096xi32, #tpu.memory_space<vmem_shared>> -> memref<1x4096xi32, #tpu.memory_space<vmem_shared>>
    %dma_start3A_33 = tpu.memref_squeeze %dma_start3A_32 : memref<1x4096xi32, #tpu.memory_space<vmem_shared>> -> memref<4096xi32, #tpu.memory_space<vmem_shared>>
    tpu.enqueue_dma source(%dma_start3A_33 : memref<4096xi32, #tpu.memory_space<vmem_shared>>) target(%arg6 : memref<4096xi32, #tpu.memory_space<vmem>>) target_semaphore(%arg11 : memref<!tpu.dma_semaphore, #tpu.memory_space<semaphore_mem>>)
    %dma_wait3A = arith.constant 0 : i32
    %dma_wait3A_34 = tpu.memref_slice %arg9[%rem3A_28, %dma_wait3A] : memref<16x4096xi32, #tpu.memory_space<vmem_shared>> -> memref<1x4096xi32, #tpu.memory_space<vmem_shared>>
    %dma_wait3A_35 = tpu.memref_squeeze %dma_wait3A_34 : memref<1x4096xi32, #tpu.memory_space<vmem_shared>> -> memref<4096xi32, #tpu.memory_space<vmem_shared>>
    %dma_wait3A_36 = arith.constant 0 : i32
    %dma_wait3A_37 = tpu.memref_slice %arg9[%rem3A_28, %dma_wait3A_36] : memref<16x4096xi32, #tpu.memory_space<vmem_shared>> -> memref<1x4096xi32, #tpu.memory_space<vmem_shared>>
    %dma_wait3A_38 = tpu.memref_squeeze %dma_wait3A_37 : memref<1x4096xi32, #tpu.memory_space<vmem_shared>> -> memref<4096xi32, #tpu.memory_space<vmem_shared>>
    tpu.wait_dma2 semaphore(%arg11 : memref<!tpu.dma_semaphore, #tpu.memory_space<semaphore_mem>>) src(%dma_wait3A_38 : memref<4096xi32, #tpu.memory_space<vmem_shared>>) dst(%arg6 : memref<4096xi32, #tpu.memory_space<vmem>>)
    %add3A_39 = arith.constant 1 : i32
    %add3A_40 = arith.addi %arg1, %add3A_39 : i32
    %add3A_41 = arith.constant 1 : i32
    %add3A_42 = arith.addi %add3A_40, %add3A_41 : i32
    %rem3A_43 = arith.constant 16 : i32
    %rem3A_44 = arith.remsi %add3A_42, %rem3A_43 : i32
    %dma_start3A_45 = arith.constant 0 : i32
    %dma_start3A_46 = tpu.memref_slice %arg9[%rem3A_44, %dma_start3A_45] : memref<16x4096xi32, #tpu.memory_space<vmem_shared>> -> memref<1x4096xi32, #tpu.memory_space<vmem_shared>>
    %dma_start3A_47 = tpu.memref_squeeze %dma_start3A_46 : memref<1x4096xi32, #tpu.memory_space<vmem_shared>> -> memref<4096xi32, #tpu.memory_space<vmem_shared>>
    %dma_start3A_48 = arith.constant 0 : i32
    %dma_start3A_49 = tpu.memref_slice %arg9[%rem3A_44, %dma_start3A_48] : memref<16x4096xi32, #tpu.memory_space<vmem_shared>> -> memref<1x4096xi32, #tpu.memory_space<vmem_shared>>
    %dma_start3A_50 = tpu.memref_squeeze %dma_start3A_49 : memref<1x4096xi32, #tpu.memory_space<vmem_shared>> -> memref<4096xi32, #tpu.memory_space<vmem_shared>>
    tpu.enqueue_dma source(%dma_start3A_50 : memref<4096xi32, #tpu.memory_space<vmem_shared>>) target(%arg7 : memref<4096xi32, #tpu.memory_space<vmem>>) target_semaphore(%arg11 : memref<!tpu.dma_semaphore, #tpu.memory_space<semaphore_mem>>)
    %parallel_loop3A_51 = arith.constant 0 : i32
    %parallel_loop3A_52 = arith.constant 256 : i32
    %parallel_loop3A_53 = arith.constant 1 : i32
    scf.for %parallel_loop3A_418 = %parallel_loop3A_51 to %parallel_loop3A_52 step %parallel_loop3A_53  : i32 {
      %parallel_loop3A_419 = arith.constant 16 : i32
      %parallel_loop3A_420 = arith.muli %parallel_loop3A_418, %parallel_loop3A_419 : i32
      %parallel_loop3A_421 = arith.index_cast %parallel_loop3A_420 : i32 to index
      %parallel_loop3A_422 = tpu.vector_load %arg5[%parallel_loop3A_421] {strides = array<i32>} : memref<4096xi32, #tpu.memory_space<vmem>>, vector<16xi32>,
      %parallel_loop3A_423 = arith.constant 16 : i32
      %parallel_loop3A_424 = arith.muli %parallel_loop3A_418, %parallel_loop3A_423 : i32
      %parallel_loop3A_425 = arith.index_cast %parallel_loop3A_424 : i32 to index
      %parallel_loop3A_426 = tpu.vector_load %arg6[%parallel_loop3A_425] {strides = array<i32>} : memref<4096xi32, #tpu.memory_space<vmem>>, vector<16xi32>,
      %parallel_loop3A_427 = arith.addi %parallel_loop3A_422, %parallel_loop3A_426 : vector<16xi32>
      %parallel_loop3A_428 = arith.constant 16 : i32
      %parallel_loop3A_429 = arith.muli %parallel_loop3A_418, %parallel_loop3A_428 : i32
      %parallel_loop3A_430 = arith.index_cast %parallel_loop3A_429 : i32 to index
      %parallel_loop3A_431 = tpu.vector_load %arg5[%parallel_loop3A_430] {strides = array<i32>} : memref<4096xi32, #tpu.memory_space<vmem>>, vector<16xi32>,
      tpu.vector_store %arg5[%parallel_loop3A_430], %parallel_loop3A_427 {strides = array<i32>} : memref<4096xi32, #tpu.memory_space<vmem>>, vector<16xi32>,
    } {sc.loop_unroll_factor = 8 : i64, sc.parallel_access}
    %dma_wait3A_54 = arith.constant 0 : i32
    %dma_wait3A_55 = tpu.memref_slice %arg9[%rem3A_44, %dma_wait3A_54] : memref<16x4096xi32, #tpu.memory_space<vmem_shared>> -> memref<1x4096xi32, #tpu.memory_space<vmem_shared>>
    %dma_wait3A_56 = tpu.memref_squeeze %dma_wait3A_55 : memref<1x4096xi32, #tpu.memory_space<vmem_shared>> -> memref<4096xi32, #tpu.memory_space<vmem_shared>>
    %dma_wait3A_57 = arith.constant 0 : i32
    %dma_wait3A_58 = tpu.memref_slice %arg9[%rem3A_44, %dma_wait3A_57] : memref<16x4096xi32, #tpu.memory_space<vmem_shared>> -> memref<1x4096xi32, #tpu.memory_space<vmem_shared>>
    %dma_wait3A_59 = tpu.memref_squeeze %dma_wait3A_58 : memref<1x4096xi32, #tpu.memory_space<vmem_shared>> -> memref<4096xi32, #tpu.memory_space<vmem_shared>>
    tpu.wait_dma2 semaphore(%arg11 : memref<!tpu.dma_semaphore, #tpu.memory_space<semaphore_mem>>) src(%dma_wait3A_59 : memref<4096xi32, #tpu.memory_space<vmem_shared>>) dst(%arg7 : memref<4096xi32, #tpu.memory_space<vmem>>)
    %add3A_60 = arith.constant 2 : i32
    %add3A_61 = arith.addi %arg1, %add3A_60 : i32
    %add3A_62 = arith.constant 1 : i32
    %add3A_63 = arith.addi %add3A_61, %add3A_62 : i32
    %rem3A_64 = arith.constant 16 : i32
    %rem3A_65 = arith.remsi %add3A_63, %rem3A_64 : i32
    %dma_start3A_66 = arith.constant 0 : i32
    %dma_start3A_67 = tpu.memref_slice %arg9[%rem3A_65, %dma_start3A_66] : memref<16x4096xi32, #tpu.memory_space<vmem_shared>> -> memref<1x4096xi32, #tpu.memory_space<vmem_shared>>
    %dma_start3A_68 = tpu.memref_squeeze %dma_start3A_67 : memref<1x4096xi32, #tpu.memory_space<vmem_shared>> -> memref<4096xi32, #tpu.memory_space<vmem_shared>>
    %dma_start3A_69 = arith.constant 0 : i32
    %dma_start3A_70 = tpu.memref_slice %arg9[%rem3A_65, %dma_start3A_69] : memref<16x4096xi32, #tpu.memory_space<vmem_shared>> -> memref<1x4096xi32, #tpu.memory_space<vmem_shared>>
    %dma_start3A_71 = tpu.memref_squeeze %dma_start3A_70 : memref<1x4096xi32, #tpu.memory_space<vmem_shared>> -> memref<4096xi32, #tpu.memory_space<vmem_shared>>
    tpu.enqueue_dma source(%dma_start3A_71 : memref<4096xi32, #tpu.memory_space<vmem_shared>>) target(%arg6 : memref<4096xi32, #tpu.memory_space<vmem>>) target_semaphore(%arg11 : memref<!tpu.dma_semaphore, #tpu.memory_space<semaphore_mem>>)
    %parallel_loop3A_72 = arith.constant 0 : i32
    %parallel_loop3A_73 = arith.constant 256 : i32
    %parallel_loop3A_74 = arith.constant 1 : i32
    scf.for %parallel_loop3A_418 = %parallel_loop3A_72 to %parallel_loop3A_73 step %parallel_loop3A_74  : i32 {
      %parallel_loop3A_419 = arith.constant 16 : i32
      %parallel_loop3A_420 = arith.muli %parallel_loop3A_418, %parallel_loop3A_419 : i32
      %parallel_loop3A_421 = arith.index_cast %parallel_loop3A_420 : i32 to index
      %parallel_loop3A_422 = tpu.vector_load %arg5[%parallel_loop3A_421] {strides = array<i32>} : memref<4096xi32, #tpu.memory_space<vmem>>, vector<16xi32>,
      %parallel_loop3A_423 = arith.constant 16 : i32
      %parallel_loop3A_424 = arith.muli %parallel_loop3A_418, %parallel_loop3A_423 : i32
      %parallel_loop3A_425 = arith.index_cast %parallel_loop3A_424 : i32 to index
      %parallel_loop3A_426 = tpu.vector_load %arg7[%parallel_loop3A_425] {strides = array<i32>} : memref<4096xi32, #tpu.memory_space<vmem>>, vector<16xi32>,
      %parallel_loop3A_427 = arith.addi %parallel_loop3A_422, %parallel_loop3A_426 : vector<16xi32>
      %parallel_loop3A_428 = arith.constant 16 : i32
      %parallel_loop3A_429 = arith.muli %parallel_loop3A_418, %parallel_loop3A_428 : i32
      %parallel_loop3A_430 = arith.index_cast %parallel_loop3A_429 : i32 to index
      %parallel_loop3A_431 = tpu.vector_load %arg5[%parallel_loop3A_430] {strides = array<i32>} : memref<4096xi32, #tpu.memory_space<vmem>>, vector<16xi32>,
      tpu.vector_store %arg5[%parallel_loop3A_430], %parallel_loop3A_427 {strides = array<i32>} : memref<4096xi32, #tpu.memory_space<vmem>>, vector<16xi32>,
    } {sc.loop_unroll_factor = 8 : i64, sc.parallel_access}
    %dma_wait3A_75 = arith.constant 0 : i32
    %dma_wait3A_76 = tpu.memref_slice %arg9[%rem3A_65, %dma_wait3A_75] : memref<16x4096xi32, #tpu.memory_space<vmem_shared>> -> memref<1x4096xi32, #tpu.memory_space<vmem_shared>>
    %dma_wait3A_77 = tpu.memref_squeeze %dma_wait3A_76 : memref<1x4096xi32, #tpu.memory_space<vmem_shared>> -> memref<4096xi32, #tpu.memory_space<vmem_shared>>
    %dma_wait3A_78 = arith.constant 0 : i32
    %dma_wait3A_79 = tpu.memref_slice %arg9[%rem3A_65, %dma_wait3A_78] : memref<16x4096xi32, #tpu.memory_space<vmem_shared>> -> memref<1x4096xi32, #tpu.memory_space<vmem_shared>>
    %dma_wait3A_80 = tpu.memref_squeeze %dma_wait3A_79 : memref<1x4096xi32, #tpu.memory_space<vmem_shared>> -> memref<4096xi32, #tpu.memory_space<vmem_shared>>
    tpu.wait_dma2 semaphore(%arg11 : memref<!tpu.dma_semaphore, #tpu.memory_space<semaphore_mem>>) src(%dma_wait3A_80 : memref<4096xi32, #tpu.memory_space<vmem_shared>>) dst(%arg6 : memref<4096xi32, #tpu.memory_space<vmem>>)
    %add3A_81 = arith.constant 3 : i32
    %add3A_82 = arith.addi %arg1, %add3A_81 : i32
    %add3A_83 = arith.constant 1 : i32
    %add3A_84 = arith.addi %add3A_82, %add3A_83 : i32
    %rem3A_85 = arith.constant 16 : i32
    %rem3A_86 = arith.remsi %add3A_84, %rem3A_85 : i32
    %dma_start3A_87 = arith.constant 0 : i32
    %dma_start3A_88 = tpu.memref_slice %arg9[%rem3A_86, %dma_start3A_87] : memref<16x4096xi32, #tpu.memory_space<vmem_shared>> -> memref<1x4096xi32, #tpu.memory_space<vmem_shared>>
    %dma_start3A_89 = tpu.memref_squeeze %dma_start3A_88 : memref<1x4096xi32, #tpu.memory_space<vmem_shared>> -> memref<4096xi32, #tpu.memory_space<vmem_shared>>
    %dma_start3A_90 = arith.constant 0 : i32
    %dma_start3A_91 = tpu.memref_slice %arg9[%rem3A_86, %dma_start3A_90] : memref<16x4096xi32, #tpu.memory_space<vmem_shared>> -> memref<1x4096xi32, #tpu.memory_space<vmem_shared>>
    %dma_start3A_92 = tpu.memref_squeeze %dma_start3A_91 : memref<1x4096xi32, #tpu.memory_space<vmem_shared>> -> memref<4096xi32, #tpu.memory_space<vmem_shared>>
    tpu.enqueue_dma source(%dma_start3A_92 : memref<4096xi32, #tpu.memory_space<vmem_shared>>) target(%arg7 : memref<4096xi32, #tpu.memory_space<vmem>>) target_semaphore(%arg11 : memref<!tpu.dma_semaphore, #tpu.memory_space<semaphore_mem>>)
    %parallel_loop3A_93 = arith.constant 0 : i32
    %parallel_loop3A_94 = arith.constant 256 : i32
    %parallel_loop3A_95 = arith.constant 1 : i32
    scf.for %parallel_loop3A_418 = %parallel_loop3A_93 to %parallel_loop3A_94 step %parallel_loop3A_95  : i32 {
      %parallel_loop3A_419 = arith.constant 16 : i32
      %parallel_loop3A_420 = arith.muli %parallel_loop3A_418, %parallel_loop3A_419 : i32
      %parallel_loop3A_421 = arith.index_cast %parallel_loop3A_420 : i32 to index
      %parallel_loop3A_422 = tpu.vector_load %arg5[%parallel_loop3A_421] {strides = array<i32>} : memref<4096xi32, #tpu.memory_space<vmem>>, vector<16xi32>,
      %parallel_loop3A_423 = arith.constant 16 : i32
      %parallel_loop3A_424 = arith.muli %parallel_loop3A_418, %parallel_loop3A_423 : i32
      %parallel_loop3A_425 = arith.index_cast %parallel_loop3A_424 : i32 to index
      %parallel_loop3A_426 = tpu.vector_load %arg6[%parallel_loop3A_425] {strides = array<i32>} : memref<4096xi32, #tpu.memory_space<vmem>>, vector<16xi32>,
      %parallel_loop3A_427 = arith.addi %parallel_loop3A_422, %parallel_loop3A_426 : vector<16xi32>
      %parallel_loop3A_428 = arith.constant 16 : i32
      %parallel_loop3A_429 = arith.muli %parallel_loop3A_418, %parallel_loop3A_428 : i32
      %parallel_loop3A_430 = arith.index_cast %parallel_loop3A_429 : i32 to index
      %parallel_loop3A_431 = tpu.vector_load %arg5[%parallel_loop3A_430] {strides = array<i32>} : memref<4096xi32, #tpu.memory_space<vmem>>, vector<16xi32>,
      tpu.vector_store %arg5[%parallel_loop3A_430], %parallel_loop3A_427 {strides = array<i32>} : memref<4096xi32, #tpu.memory_space<vmem>>, vector<16xi32>,
    } {sc.loop_unroll_factor = 8 : i64, sc.parallel_access}
    %dma_wait3A_96 = arith.constant 0 : i32
    %dma_wait3A_97 = tpu.memref_slice %arg9[%rem3A_86, %dma_wait3A_96] : memref<16x4096xi32, #tpu.memory_space<vmem_shared>> -> memref<1x4096xi32, #tpu.memory_space<vmem_shared>>
    %dma_wait3A_98 = tpu.memref_squeeze %dma_wait3A_97 : memref<1x4096xi32, #tpu.memory_space<vmem_shared>> -> memref<4096xi32, #tpu.memory_space<vmem_shared>>
    %dma_wait3A_99 = arith.constant 0 : i32
    %dma_wait3A_100 = tpu.memref_slice %arg9[%rem3A_86, %dma_wait3A_99] : memref<16x4096xi32, #tpu.memory_space<vmem_shared>> -> memref<1x4096xi32, #tpu.memory_space<vmem_shared>>
    %dma_wait3A_101 = tpu.memref_squeeze %dma_wait3A_100 : memref<1x4096xi32, #tpu.memory_space<vmem_shared>> -> memref<4096xi32, #tpu.memory_space<vmem_shared>>
    tpu.wait_dma2 semaphore(%arg11 : memref<!tpu.dma_semaphore, #tpu.memory_space<semaphore_mem>>) src(%dma_wait3A_101 : memref<4096xi32, #tpu.memory_space<vmem_shared>>) dst(%arg7 : memref<4096xi32, #tpu.memory_space<vmem>>)
    %add3A_102 = arith.constant 4 : i32
    %add3A_103 = arith.addi %arg1, %add3A_102 : i32
    %add3A_104 = arith.constant 1 : i32
    %add3A_105 = arith.addi %add3A_103, %add3A_104 : i32
    %rem3A_106 = arith.constant 16 : i32
    %rem3A_107 = arith.remsi %add3A_105, %rem3A_106 : i32
    %dma_start3A_108 = arith.constant 0 : i32
    %dma_start3A_109 = tpu.memref_slice %arg9[%rem3A_107, %dma_start3A_108] : memref<16x4096xi32, #tpu.memory_space<vmem_shared>> -> memref<1x4096xi32, #tpu.memory_space<vmem_shared>>
    %dma_start3A_110 = tpu.memref_squeeze %dma_start3A_109 : memref<1x4096xi32, #tpu.memory_space<vmem_shared>> -> memref<4096xi32, #tpu.memory_space<vmem_shared>>
    %dma_start3A_111 = arith.constant 0 : i32
    %dma_start3A_112 = tpu.memref_slice %arg9[%rem3A_107, %dma_start3A_111] : memref<16x4096xi32, #tpu.memory_space<vmem_shared>> -> memref<1x4096xi32, #tpu.memory_space<vmem_shared>>
    %dma_start3A_113 = tpu.memref_squeeze %dma_start3A_112 : memref<1x4096xi32, #tpu.memory_space<vmem_shared>> -> memref<4096xi32, #tpu.memory_space<vmem_shared>>
    tpu.enqueue_dma source(%dma_start3A_113 : memref<4096xi32, #tpu.memory_space<vmem_shared>>) target(%arg6 : memref<4096xi32, #tpu.memory_space<vmem>>) target_semaphore(%arg11 : memref<!tpu.dma_semaphore, #tpu.memory_space<semaphore_mem>>)
    %parallel_loop3A_114 = arith.constant 0 : i32
    %parallel_loop3A_115 = arith.constant 256 : i32
    %parallel_loop3A_116 = arith.constant 1 : i32
    scf.for %parallel_loop3A_418 = %parallel_loop3A_114 to %parallel_loop3A_115 step %parallel_loop3A_116  : i32 {
      %parallel_loop3A_419 = arith.constant 16 : i32
      %parallel_loop3A_420 = arith.muli %parallel_loop3A_418, %parallel_loop3A_419 : i32
      %parallel_loop3A_421 = arith.index_cast %parallel_loop3A_420 : i32 to index
      %parallel_loop3A_422 = tpu.vector_load %arg5[%parallel_loop3A_421] {strides = array<i32>} : memref<4096xi32, #tpu.memory_space<vmem>>, vector<16xi32>,
      %parallel_loop3A_423 = arith.constant 16 : i32
      %parallel_loop3A_424 = arith.muli %parallel_loop3A_418, %parallel_loop3A_423 : i32
      %parallel_loop3A_425 = arith.index_cast %parallel_loop3A_424 : i32 to index
      %parallel_loop3A_426 = tpu.vector_load %arg7[%parallel_loop3A_425] {strides = array<i32>} : memref<4096xi32, #tpu.memory_space<vmem>>, vector<16xi32>,
      %parallel_loop3A_427 = arith.addi %parallel_loop3A_422, %parallel_loop3A_426 : vector<16xi32>
      %parallel_loop3A_428 = arith.constant 16 : i32
      %parallel_loop3A_429 = arith.muli %parallel_loop3A_418, %parallel_loop3A_428 : i32
      %parallel_loop3A_430 = arith.index_cast %parallel_loop3A_429 : i32 to index
      %parallel_loop3A_431 = tpu.vector_load %arg5[%parallel_loop3A_430] {strides = array<i32>} : memref<4096xi32, #tpu.memory_space<vmem>>, vector<16xi32>,
      tpu.vector_store %arg5[%parallel_loop3A_430], %parallel_loop3A_427 {strides = array<i32>} : memref<4096xi32, #tpu.memory_space<vmem>>, vector<16xi32>,
    } {sc.loop_unroll_factor = 8 : i64, sc.parallel_access}
    %dma_wait3A_117 = arith.constant 0 : i32
    %dma_wait3A_118 = tpu.memref_slice %arg9[%rem3A_107, %dma_wait3A_117] : memref<16x4096xi32, #tpu.memory_space<vmem_shared>> -> memref<1x4096xi32, #tpu.memory_space<vmem_shared>>
    %dma_wait3A_119 = tpu.memref_squeeze %dma_wait3A_118 : memref<1x4096xi32, #tpu.memory_space<vmem_shared>> -> memref<4096xi32, #tpu.memory_space<vmem_shared>>
    %dma_wait3A_120 = arith.constant 0 : i32
    %dma_wait3A_121 = tpu.memref_slice %arg9[%rem3A_107, %dma_wait3A_120] : memref<16x4096xi32, #tpu.memory_space<vmem_shared>> -> memref<1x4096xi32, #tpu.memory_space<vmem_shared>>
    %dma_wait3A_122 = tpu.memref_squeeze %dma_wait3A_121 : memref<1x4096xi32, #tpu.memory_space<vmem_shared>> -> memref<4096xi32, #tpu.memory_space<vmem_shared>>
    tpu.wait_dma2 semaphore(%arg11 : memref<!tpu.dma_semaphore, #tpu.memory_space<semaphore_mem>>) src(%dma_wait3A_122 : memref<4096xi32, #tpu.memory_space<vmem_shared>>) dst(%arg6 : memref<4096xi32, #tpu.memory_space<vmem>>)
    %add3A_123 = arith.constant 5 : i32
    %add3A_124 = arith.addi %arg1, %add3A_123 : i32
    %add3A_125 = arith.constant 1 : i32
    %add3A_126 = arith.addi %add3A_124, %add3A_125 : i32
    %rem3A_127 = arith.constant 16 : i32
    %rem3A_128 = arith.remsi %add3A_126, %rem3A_127 : i32
    %dma_start3A_129 = arith.constant 0 : i32
    %dma_start3A_130 = tpu.memref_slice %arg9[%rem3A_128, %dma_start3A_129] : memref<16x4096xi32, #tpu.memory_space<vmem_shared>> -> memref<1x4096xi32, #tpu.memory_space<vmem_shared>>
    %dma_start3A_131 = tpu.memref_squeeze %dma_start3A_130 : memref<1x4096xi32, #tpu.memory_space<vmem_shared>> -> memref<4096xi32, #tpu.memory_space<vmem_shared>>
    %dma_start3A_132 = arith.constant 0 : i32
    %dma_start3A_133 = tpu.memref_slice %arg9[%rem3A_128, %dma_start3A_132] : memref<16x4096xi32, #tpu.memory_space<vmem_shared>> -> memref<1x4096xi32, #tpu.memory_space<vmem_shared>>
    %dma_start3A_134 = tpu.memref_squeeze %dma_start3A_133 : memref<1x4096xi32, #tpu.memory_space<vmem_shared>> -> memref<4096xi32, #tpu.memory_space<vmem_shared>>
    tpu.enqueue_dma source(%dma_start3A_134 : memref<4096xi32, #tpu.memory_space<vmem_shared>>) target(%arg7 : memref<4096xi32, #tpu.memory_space<vmem>>) target_semaphore(%arg11 : memref<!tpu.dma_semaphore, #tpu.memory_space<semaphore_mem>>)
    %parallel_loop3A_135 = arith.constant 0 : i32
    %parallel_loop3A_136 = arith.constant 256 : i32
    %parallel_loop3A_137 = arith.constant 1 : i32
    scf.for %parallel_loop3A_418 = %parallel_loop3A_135 to %parallel_loop3A_136 step %parallel_loop3A_137  : i32 {
      %parallel_loop3A_419 = arith.constant 16 : i32
      %parallel_loop3A_420 = arith.muli %parallel_loop3A_418, %parallel_loop3A_419 : i32
      %parallel_loop3A_421 = arith.index_cast %parallel_loop3A_420 : i32 to index
      %parallel_loop3A_422 = tpu.vector_load %arg5[%parallel_loop3A_421] {strides = array<i32>} : memref<4096xi32, #tpu.memory_space<vmem>>, vector<16xi32>,
      %parallel_loop3A_423 = arith.constant 16 : i32
      %parallel_loop3A_424 = arith.muli %parallel_loop3A_418, %parallel_loop3A_423 : i32
      %parallel_loop3A_425 = arith.index_cast %parallel_loop3A_424 : i32 to index
      %parallel_loop3A_426 = tpu.vector_load %arg6[%parallel_loop3A_425] {strides = array<i32>} : memref<4096xi32, #tpu.memory_space<vmem>>, vector<16xi32>,
      %parallel_loop3A_427 = arith.addi %parallel_loop3A_422, %parallel_loop3A_426 : vector<16xi32>
      %parallel_loop3A_428 = arith.constant 16 : i32
      %parallel_loop3A_429 = arith.muli %parallel_loop3A_418, %parallel_loop3A_428 : i32
      %parallel_loop3A_430 = arith.index_cast %parallel_loop3A_429 : i32 to index
      %parallel_loop3A_431 = tpu.vector_load %arg5[%parallel_loop3A_430] {strides = array<i32>} : memref<4096xi32, #tpu.memory_space<vmem>>, vector<16xi32>,
      tpu.vector_store %arg5[%parallel_loop3A_430], %parallel_loop3A_427 {strides = array<i32>} : memref<4096xi32, #tpu.memory_space<vmem>>, vector<16xi32>,
    } {sc.loop_unroll_factor = 8 : i64, sc.parallel_access}
    %dma_wait3A_138 = arith.constant 0 : i32
    %dma_wait3A_139 = tpu.memref_slice %arg9[%rem3A_128, %dma_wait3A_138] : memref<16x4096xi32, #tpu.memory_space<vmem_shared>> -> memref<1x4096xi32, #tpu.memory_space<vmem_shared>>
    %dma_wait3A_140 = tpu.memref_squeeze %dma_wait3A_139 : memref<1x4096xi32, #tpu.memory_space<vmem_shared>> -> memref<4096xi32, #tpu.memory_space<vmem_shared>>
    %dma_wait3A_141 = arith.constant 0 : i32
    %dma_wait3A_142 = tpu.memref_slice %arg9[%rem3A_128, %dma_wait3A_141] : memref<16x4096xi32, #tpu.memory_space<vmem_shared>> -> memref<1x4096xi32, #tpu.memory_space<vmem_shared>>
    %dma_wait3A_143 = tpu.memref_squeeze %dma_wait3A_142 : memref<1x4096xi32, #tpu.memory_space<vmem_shared>> -> memref<4096xi32, #tpu.memory_space<vmem_shared>>
    tpu.wait_dma2 semaphore(%arg11 : memref<!tpu.dma_semaphore, #tpu.memory_space<semaphore_mem>>) src(%dma_wait3A_143 : memref<4096xi32, #tpu.memory_space<vmem_shared>>) dst(%arg7 : memref<4096xi32, #tpu.memory_space<vmem>>)
    %add3A_144 = arith.constant 6 : i32
    %add3A_145 = arith.addi %arg1, %add3A_144 : i32
    %add3A_146 = arith.constant 1 : i32
    %add3A_147 = arith.addi %add3A_145, %add3A_146 : i32
    %rem3A_148 = arith.constant 16 : i32
    %rem3A_149 = arith.remsi %add3A_147, %rem3A_148 : i32
    %dma_start3A_150 = arith.constant 0 : i32
    %dma_start3A_151 = tpu.memref_slice %arg9[%rem3A_149, %dma_start3A_150] : memref<16x4096xi32, #tpu.memory_space<vmem_shared>> -> memref<1x4096xi32, #tpu.memory_space<vmem_shared>>
    %dma_start3A_152 = tpu.memref_squeeze %dma_start3A_151 : memref<1x4096xi32, #tpu.memory_space<vmem_shared>> -> memref<4096xi32, #tpu.memory_space<vmem_shared>>
    %dma_start3A_153 = arith.constant 0 : i32
    %dma_start3A_154 = tpu.memref_slice %arg9[%rem3A_149, %dma_start3A_153] : memref<16x4096xi32, #tpu.memory_space<vmem_shared>> -> memref<1x4096xi32, #tpu.memory_space<vmem_shared>>
    %dma_start3A_155 = tpu.memref_squeeze %dma_start3A_154 : memref<1x4096xi32, #tpu.memory_space<vmem_shared>> -> memref<4096xi32, #tpu.memory_space<vmem_shared>>
    tpu.enqueue_dma source(%dma_start3A_155 : memref<4096xi32, #tpu.memory_space<vmem_shared>>) target(%arg6 : memref<4096xi32, #tpu.memory_space<vmem>>) target_semaphore(%arg11 : memref<!tpu.dma_semaphore, #tpu.memory_space<semaphore_mem>>)
    %parallel_loop3A_156 = arith.constant 0 : i32
    %parallel_loop3A_157 = arith.constant 256 : i32
    %parallel_loop3A_158 = arith.constant 1 : i32
    scf.for %parallel_loop3A_418 = %parallel_loop3A_156 to %parallel_loop3A_157 step %parallel_loop3A_158  : i32 {
      %parallel_loop3A_419 = arith.constant 16 : i32
      %parallel_loop3A_420 = arith.muli %parallel_loop3A_418, %parallel_loop3A_419 : i32
      %parallel_loop3A_421 = arith.index_cast %parallel_loop3A_420 : i32 to index
      %parallel_loop3A_422 = tpu.vector_load %arg5[%parallel_loop3A_421] {strides = array<i32>} : memref<4096xi32, #tpu.memory_space<vmem>>, vector<16xi32>,
      %parallel_loop3A_423 = arith.constant 16 : i32
      %parallel_loop3A_424 = arith.muli %parallel_loop3A_418, %parallel_loop3A_423 : i32
      %parallel_loop3A_425 = arith.index_cast %parallel_loop3A_424 : i32 to index
      %parallel_loop3A_426 = tpu.vector_load %arg7[%parallel_loop3A_425] {strides = array<i32>} : memref<4096xi32, #tpu.memory_space<vmem>>, vector<16xi32>,
      %parallel_loop3A_427 = arith.addi %parallel_loop3A_422, %parallel_loop3A_426 : vector<16xi32>
      %parallel_loop3A_428 = arith.constant 16 : i32
      %parallel_loop3A_429 = arith.muli %parallel_loop3A_418, %parallel_loop3A_428 : i32
      %parallel_loop3A_430 = arith.index_cast %parallel_loop3A_429 : i32 to index
      %parallel_loop3A_431 = tpu.vector_load %arg5[%parallel_loop3A_430] {strides = array<i32>} : memref<4096xi32, #tpu.memory_space<vmem>>, vector<16xi32>,
      tpu.vector_store %arg5[%parallel_loop3A_430], %parallel_loop3A_427 {strides = array<i32>} : memref<4096xi32, #tpu.memory_space<vmem>>, vector<16xi32>,
    } {sc.loop_unroll_factor = 8 : i64, sc.parallel_access}
    %dma_wait3A_159 = arith.constant 0 : i32
    %dma_wait3A_160 = tpu.memref_slice %arg9[%rem3A_149, %dma_wait3A_159] : memref<16x4096xi32, #tpu.memory_space<vmem_shared>> -> memref<1x4096xi32, #tpu.memory_space<vmem_shared>>
    %dma_wait3A_161 = tpu.memref_squeeze %dma_wait3A_160 : memref<1x4096xi32, #tpu.memory_space<vmem_shared>> -> memref<4096xi32, #tpu.memory_space<vmem_shared>>
    %dma_wait3A_162 = arith.constant 0 : i32
    %dma_wait3A_163 = tpu.memref_slice %arg9[%rem3A_149, %dma_wait3A_162] : memref<16x4096xi32, #tpu.memory_space<vmem_shared>> -> memref<1x4096xi32, #tpu.memory_space<vmem_shared>>
    %dma_wait3A_164 = tpu.memref_squeeze %dma_wait3A_163 : memref<1x4096xi32, #tpu.memory_space<vmem_shared>> -> memref<4096xi32, #tpu.memory_space<vmem_shared>>
    tpu.wait_dma2 semaphore(%arg11 : memref<!tpu.dma_semaphore, #tpu.memory_space<semaphore_mem>>) src(%dma_wait3A_164 : memref<4096xi32, #tpu.memory_space<vmem_shared>>) dst(%arg6 : memref<4096xi32, #tpu.memory_space<vmem>>)
    %add3A_165 = arith.constant 7 : i32
    %add3A_166 = arith.addi %arg1, %add3A_165 : i32
    %add3A_167 = arith.constant 1 : i32
    %add3A_168 = arith.addi %add3A_166, %add3A_167 : i32
    %rem3A_169 = arith.constant 16 : i32
    %rem3A_170 = arith.remsi %add3A_168, %rem3A_169 : i32
    %dma_start3A_171 = arith.constant 0 : i32
    %dma_start3A_172 = tpu.memref_slice %arg9[%rem3A_170, %dma_start3A_171] : memref<16x4096xi32, #tpu.memory_space<vmem_shared>> -> memref<1x4096xi32, #tpu.memory_space<vmem_shared>>
    %dma_start3A_173 = tpu.memref_squeeze %dma_start3A_172 : memref<1x4096xi32, #tpu.memory_space<vmem_shared>> -> memref<4096xi32, #tpu.memory_space<vmem_shared>>
    %dma_start3A_174 = arith.constant 0 : i32
    %dma_start3A_175 = tpu.memref_slice %arg9[%rem3A_170, %dma_start3A_174] : memref<16x4096xi32, #tpu.memory_space<vmem_shared>> -> memref<1x4096xi32, #tpu.memory_space<vmem_shared>>
    %dma_start3A_176 = tpu.memref_squeeze %dma_start3A_175 : memref<1x4096xi32, #tpu.memory_space<vmem_shared>> -> memref<4096xi32, #tpu.memory_space<vmem_shared>>
    tpu.enqueue_dma source(%dma_start3A_176 : memref<4096xi32, #tpu.memory_space<vmem_shared>>) target(%arg7 : memref<4096xi32, #tpu.memory_space<vmem>>) target_semaphore(%arg11 : memref<!tpu.dma_semaphore, #tpu.memory_space<semaphore_mem>>)
    %parallel_loop3A_177 = arith.constant 0 : i32
    %parallel_loop3A_178 = arith.constant 256 : i32
    %parallel_loop3A_179 = arith.constant 1 : i32
    scf.for %parallel_loop3A_418 = %parallel_loop3A_177 to %parallel_loop3A_178 step %parallel_loop3A_179  : i32 {
      %parallel_loop3A_419 = arith.constant 16 : i32
      %parallel_loop3A_420 = arith.muli %parallel_loop3A_418, %parallel_loop3A_419 : i32
      %parallel_loop3A_421 = arith.index_cast %parallel_loop3A_420 : i32 to index
      %parallel_loop3A_422 = tpu.vector_load %arg5[%parallel_loop3A_421] {strides = array<i32>} : memref<4096xi32, #tpu.memory_space<vmem>>, vector<16xi32>,
      %parallel_loop3A_423 = arith.constant 16 : i32
      %parallel_loop3A_424 = arith.muli %parallel_loop3A_418, %parallel_loop3A_423 : i32
      %parallel_loop3A_425 = arith.index_cast %parallel_loop3A_424 : i32 to index
      %parallel_loop3A_426 = tpu.vector_load %arg6[%parallel_loop3A_425] {strides = array<i32>} : memref<4096xi32, #tpu.memory_space<vmem>>, vector<16xi32>,
      %parallel_loop3A_427 = arith.addi %parallel_loop3A_422, %parallel_loop3A_426 : vector<16xi32>
      %parallel_loop3A_428 = arith.constant 16 : i32
      %parallel_loop3A_429 = arith.muli %parallel_loop3A_418, %parallel_loop3A_428 : i32
      %parallel_loop3A_430 = arith.index_cast %parallel_loop3A_429 : i32 to index
      %parallel_loop3A_431 = tpu.vector_load %arg5[%parallel_loop3A_430] {strides = array<i32>} : memref<4096xi32, #tpu.memory_space<vmem>>, vector<16xi32>,
      tpu.vector_store %arg5[%parallel_loop3A_430], %parallel_loop3A_427 {strides = array<i32>} : memref<4096xi32, #tpu.memory_space<vmem>>, vector<16xi32>,
    } {sc.loop_unroll_factor = 8 : i64, sc.parallel_access}
    %dma_wait3A_180 = arith.constant 0 : i32
    %dma_wait3A_181 = tpu.memref_slice %arg9[%rem3A_170, %dma_wait3A_180] : memref<16x4096xi32, #tpu.memory_space<vmem_shared>> -> memref<1x4096xi32, #tpu.memory_space<vmem_shared>>
    %dma_wait3A_182 = tpu.memref_squeeze %dma_wait3A_181 : memref<1x4096xi32, #tpu.memory_space<vmem_shared>> -> memref<4096xi32, #tpu.memory_space<vmem_shared>>
    %dma_wait3A_183 = arith.constant 0 : i32
    %dma_wait3A_184 = tpu.memref_slice %arg9[%rem3A_170, %dma_wait3A_183] : memref<16x4096xi32, #tpu.memory_space<vmem_shared>> -> memref<1x4096xi32, #tpu.memory_space<vmem_shared>>
    %dma_wait3A_185 = tpu.memref_squeeze %dma_wait3A_184 : memref<1x4096xi32, #tpu.memory_space<vmem_shared>> -> memref<4096xi32, #tpu.memory_space<vmem_shared>>
    tpu.wait_dma2 semaphore(%arg11 : memref<!tpu.dma_semaphore, #tpu.memory_space<semaphore_mem>>) src(%dma_wait3A_185 : memref<4096xi32, #tpu.memory_space<vmem_shared>>) dst(%arg7 : memref<4096xi32, #tpu.memory_space<vmem>>)
    %add3A_186 = arith.constant 8 : i32
    %add3A_187 = arith.addi %arg1, %add3A_186 : i32
    %add3A_188 = arith.constant 1 : i32
    %add3A_189 = arith.addi %add3A_187, %add3A_188 : i32
    %rem3A_190 = arith.constant 16 : i32
    %rem3A_191 = arith.remsi %add3A_189, %rem3A_190 : i32
    %dma_start3A_192 = arith.constant 0 : i32
    %dma_start3A_193 = tpu.memref_slice %arg9[%rem3A_191, %dma_start3A_192] : memref<16x4096xi32, #tpu.memory_space<vmem_shared>> -> memref<1x4096xi32, #tpu.memory_space<vmem_shared>>
    %dma_start3A_194 = tpu.memref_squeeze %dma_start3A_193 : memref<1x4096xi32, #tpu.memory_space<vmem_shared>> -> memref<4096xi32, #tpu.memory_space<vmem_shared>>
    %dma_start3A_195 = arith.constant 0 : i32
    %dma_start3A_196 = tpu.memref_slice %arg9[%rem3A_191, %dma_start3A_195] : memref<16x4096xi32, #tpu.memory_space<vmem_shared>> -> memref<1x4096xi32, #tpu.memory_space<vmem_shared>>
    %dma_start3A_197 = tpu.memref_squeeze %dma_start3A_196 : memref<1x4096xi32, #tpu.memory_space<vmem_shared>> -> memref<4096xi32, #tpu.memory_space<vmem_shared>>
    tpu.enqueue_dma source(%dma_start3A_197 : memref<4096xi32, #tpu.memory_space<vmem_shared>>) target(%arg6 : memref<4096xi32, #tpu.memory_space<vmem>>) target_semaphore(%arg11 : memref<!tpu.dma_semaphore, #tpu.memory_space<semaphore_mem>>)
    %parallel_loop3A_198 = arith.constant 0 : i32
    %parallel_loop3A_199 = arith.constant 256 : i32
    %parallel_loop3A_200 = arith.constant 1 : i32
    scf.for %parallel_loop3A_418 = %parallel_loop3A_198 to %parallel_loop3A_199 step %parallel_loop3A_200  : i32 {
      %parallel_loop3A_419 = arith.constant 16 : i32
      %parallel_loop3A_420 = arith.muli %parallel_loop3A_418, %parallel_loop3A_419 : i32
      %parallel_loop3A_421 = arith.index_cast %parallel_loop3A_420 : i32 to index
      %parallel_loop3A_422 = tpu.vector_load %arg5[%parallel_loop3A_421] {strides = array<i32>} : memref<4096xi32, #tpu.memory_space<vmem>>, vector<16xi32>,
      %parallel_loop3A_423 = arith.constant 16 : i32
      %parallel_loop3A_424 = arith.muli %parallel_loop3A_418, %parallel_loop3A_423 : i32
      %parallel_loop3A_425 = arith.index_cast %parallel_loop3A_424 : i32 to index
      %parallel_loop3A_426 = tpu.vector_load %arg7[%parallel_loop3A_425] {strides = array<i32>} : memref<4096xi32, #tpu.memory_space<vmem>>, vector<16xi32>,
      %parallel_loop3A_427 = arith.addi %parallel_loop3A_422, %parallel_loop3A_426 : vector<16xi32>
      %parallel_loop3A_428 = arith.constant 16 : i32
      %parallel_loop3A_429 = arith.muli %parallel_loop3A_418, %parallel_loop3A_428 : i32
      %parallel_loop3A_430 = arith.index_cast %parallel_loop3A_429 : i32 to index
      %parallel_loop3A_431 = tpu.vector_load %arg5[%parallel_loop3A_430] {strides = array<i32>} : memref<4096xi32, #tpu.memory_space<vmem>>, vector<16xi32>,
      tpu.vector_store %arg5[%parallel_loop3A_430], %parallel_loop3A_427 {strides = array<i32>} : memref<4096xi32, #tpu.memory_space<vmem>>, vector<16xi32>,
    } {sc.loop_unroll_factor = 8 : i64, sc.parallel_access}
    %dma_wait3A_201 = arith.constant 0 : i32
    %dma_wait3A_202 = tpu.memref_slice %arg9[%rem3A_191, %dma_wait3A_201] : memref<16x4096xi32, #tpu.memory_space<vmem_shared>> -> memref<1x4096xi32, #tpu.memory_space<vmem_shared>>
    %dma_wait3A_203 = tpu.memref_squeeze %dma_wait3A_202 : memref<1x4096xi32, #tpu.memory_space<vmem_shared>> -> memref<4096xi32, #tpu.memory_space<vmem_shared>>
    %dma_wait3A_204 = arith.constant 0 : i32
    %dma_wait3A_205 = tpu.memref_slice %arg9[%rem3A_191, %dma_wait3A_204] : memref<16x4096xi32, #tpu.memory_space<vmem_shared>> -> memref<1x4096xi32, #tpu.memory_space<vmem_shared>>
    %dma_wait3A_206 = tpu.memref_squeeze %dma_wait3A_205 : memref<1x4096xi32, #tpu.memory_space<vmem_shared>> -> memref<4096xi32, #tpu.memory_space<vmem_shared>>
    tpu.wait_dma2 semaphore(%arg11 : memref<!tpu.dma_semaphore, #tpu.memory_space<semaphore_mem>>) src(%dma_wait3A_206 : memref<4096xi32, #tpu.memory_space<vmem_shared>>) dst(%arg6 : memref<4096xi32, #tpu.memory_space<vmem>>)
    %add3A_207 = arith.constant 9 : i32
    %add3A_208 = arith.addi %arg1, %add3A_207 : i32
    %add3A_209 = arith.constant 1 : i32
    %add3A_210 = arith.addi %add3A_208, %add3A_209 : i32
    %rem3A_211 = arith.constant 16 : i32
    %rem3A_212 = arith.remsi %add3A_210, %rem3A_211 : i32
    %dma_start3A_213 = arith.constant 0 : i32
    %dma_start3A_214 = tpu.memref_slice %arg9[%rem3A_212, %dma_start3A_213] : memref<16x4096xi32, #tpu.memory_space<vmem_shared>> -> memref<1x4096xi32, #tpu.memory_space<vmem_shared>>
    %dma_start3A_215 = tpu.memref_squeeze %dma_start3A_214 : memref<1x4096xi32, #tpu.memory_space<vmem_shared>> -> memref<4096xi32, #tpu.memory_space<vmem_shared>>
    %dma_start3A_216 = arith.constant 0 : i32
    %dma_start3A_217 = tpu.memref_slice %arg9[%rem3A_212, %dma_start3A_216] : memref<16x4096xi32, #tpu.memory_space<vmem_shared>> -> memref<1x4096xi32, #tpu.memory_space<vmem_shared>>
    %dma_start3A_218 = tpu.memref_squeeze %dma_start3A_217 : memref<1x4096xi32, #tpu.memory_space<vmem_shared>> -> memref<4096xi32, #tpu.memory_space<vmem_shared>>
    tpu.enqueue_dma source(%dma_start3A_218 : memref<4096xi32, #tpu.memory_space<vmem_shared>>) target(%arg7 : memref<4096xi32, #tpu.memory_space<vmem>>) target_semaphore(%arg11 : memref<!tpu.dma_semaphore, #tpu.memory_space<semaphore_mem>>)
    %parallel_loop3A_219 = arith.constant 0 : i32
    %parallel_loop3A_220 = arith.constant 256 : i32
    %parallel_loop3A_221 = arith.constant 1 : i32
    scf.for %parallel_loop3A_418 = %parallel_loop3A_219 to %parallel_loop3A_220 step %parallel_loop3A_221  : i32 {
      %parallel_loop3A_419 = arith.constant 16 : i32
      %parallel_loop3A_420 = arith.muli %parallel_loop3A_418, %parallel_loop3A_419 : i32
      %parallel_loop3A_421 = arith.index_cast %parallel_loop3A_420 : i32 to index
      %parallel_loop3A_422 = tpu.vector_load %arg5[%parallel_loop3A_421] {strides = array<i32>} : memref<4096xi32, #tpu.memory_space<vmem>>, vector<16xi32>,
      %parallel_loop3A_423 = arith.constant 16 : i32
      %parallel_loop3A_424 = arith.muli %parallel_loop3A_418, %parallel_loop3A_423 : i32
      %parallel_loop3A_425 = arith.index_cast %parallel_loop3A_424 : i32 to index
      %parallel_loop3A_426 = tpu.vector_load %arg6[%parallel_loop3A_425] {strides = array<i32>} : memref<4096xi32, #tpu.memory_space<vmem>>, vector<16xi32>,
      %parallel_loop3A_427 = arith.addi %parallel_loop3A_422, %parallel_loop3A_426 : vector<16xi32>
      %parallel_loop3A_428 = arith.constant 16 : i32
      %parallel_loop3A_429 = arith.muli %parallel_loop3A_418, %parallel_loop3A_428 : i32
      %parallel_loop3A_430 = arith.index_cast %parallel_loop3A_429 : i32 to index
      %parallel_loop3A_431 = tpu.vector_load %arg5[%parallel_loop3A_430] {strides = array<i32>} : memref<4096xi32, #tpu.memory_space<vmem>>, vector<16xi32>,
      tpu.vector_store %arg5[%parallel_loop3A_430], %parallel_loop3A_427 {strides = array<i32>} : memref<4096xi32, #tpu.memory_space<vmem>>, vector<16xi32>,
    } {sc.loop_unroll_factor = 8 : i64, sc.parallel_access}
    %dma_wait3A_222 = arith.constant 0 : i32
    %dma_wait3A_223 = tpu.memref_slice %arg9[%rem3A_212, %dma_wait3A_222] : memref<16x4096xi32, #tpu.memory_space<vmem_shared>> -> memref<1x4096xi32, #tpu.memory_space<vmem_shared>>
    %dma_wait3A_224 = tpu.memref_squeeze %dma_wait3A_223 : memref<1x4096xi32, #tpu.memory_space<vmem_shared>> -> memref<4096xi32, #tpu.memory_space<vmem_shared>>
    %dma_wait3A_225 = arith.constant 0 : i32
    %dma_wait3A_226 = tpu.memref_slice %arg9[%rem3A_212, %dma_wait3A_225] : memref<16x4096xi32, #tpu.memory_space<vmem_shared>> -> memref<1x4096xi32, #tpu.memory_space<vmem_shared>>
    %dma_wait3A_227 = tpu.memref_squeeze %dma_wait3A_226 : memref<1x4096xi32, #tpu.memory_space<vmem_shared>> -> memref<4096xi32, #tpu.memory_space<vmem_shared>>
    tpu.wait_dma2 semaphore(%arg11 : memref<!tpu.dma_semaphore, #tpu.memory_space<semaphore_mem>>) src(%dma_wait3A_227 : memref<4096xi32, #tpu.memory_space<vmem_shared>>) dst(%arg7 : memref<4096xi32, #tpu.memory_space<vmem>>)
    %add3A_228 = arith.constant 10 : i32
    %add3A_229 = arith.addi %arg1, %add3A_228 : i32
    %add3A_230 = arith.constant 1 : i32
    %add3A_231 = arith.addi %add3A_229, %add3A_230 : i32
    %rem3A_232 = arith.constant 16 : i32
    %rem3A_233 = arith.remsi %add3A_231, %rem3A_232 : i32
    %dma_start3A_234 = arith.constant 0 : i32
    %dma_start3A_235 = tpu.memref_slice %arg9[%rem3A_233, %dma_start3A_234] : memref<16x4096xi32, #tpu.memory_space<vmem_shared>> -> memref<1x4096xi32, #tpu.memory_space<vmem_shared>>
    %dma_start3A_236 = tpu.memref_squeeze %dma_start3A_235 : memref<1x4096xi32, #tpu.memory_space<vmem_shared>> -> memref<4096xi32, #tpu.memory_space<vmem_shared>>
    %dma_start3A_237 = arith.constant 0 : i32
    %dma_start3A_238 = tpu.memref_slice %arg9[%rem3A_233, %dma_start3A_237] : memref<16x4096xi32, #tpu.memory_space<vmem_shared>> -> memref<1x4096xi32, #tpu.memory_space<vmem_shared>>
    %dma_start3A_239 = tpu.memref_squeeze %dma_start3A_238 : memref<1x4096xi32, #tpu.memory_space<vmem_shared>> -> memref<4096xi32, #tpu.memory_space<vmem_shared>>
    tpu.enqueue_dma source(%dma_start3A_239 : memref<4096xi32, #tpu.memory_space<vmem_shared>>) target(%arg6 : memref<4096xi32, #tpu.memory_space<vmem>>) target_semaphore(%arg11 : memref<!tpu.dma_semaphore, #tpu.memory_space<semaphore_mem>>)
    %parallel_loop3A_240 = arith.constant 0 : i32
    %parallel_loop3A_241 = arith.constant 256 : i32
    %parallel_loop3A_242 = arith.constant 1 : i32
    scf.for %parallel_loop3A_418 = %parallel_loop3A_240 to %parallel_loop3A_241 step %parallel_loop3A_242  : i32 {
      %parallel_loop3A_419 = arith.constant 16 : i32
      %parallel_loop3A_420 = arith.muli %parallel_loop3A_418, %parallel_loop3A_419 : i32
      %parallel_loop3A_421 = arith.index_cast %parallel_loop3A_420 : i32 to index
      %parallel_loop3A_422 = tpu.vector_load %arg5[%parallel_loop3A_421] {strides = array<i32>} : memref<4096xi32, #tpu.memory_space<vmem>>, vector<16xi32>,
      %parallel_loop3A_423 = arith.constant 16 : i32
      %parallel_loop3A_424 = arith.muli %parallel_loop3A_418, %parallel_loop3A_423 : i32
      %parallel_loop3A_425 = arith.index_cast %parallel_loop3A_424 : i32 to index
      %parallel_loop3A_426 = tpu.vector_load %arg7[%parallel_loop3A_425] {strides = array<i32>} : memref<4096xi32, #tpu.memory_space<vmem>>, vector<16xi32>,
      %parallel_loop3A_427 = arith.addi %parallel_loop3A_422, %parallel_loop3A_426 : vector<16xi32>
      %parallel_loop3A_428 = arith.constant 16 : i32
      %parallel_loop3A_429 = arith.muli %parallel_loop3A_418, %parallel_loop3A_428 : i32
      %parallel_loop3A_430 = arith.index_cast %parallel_loop3A_429 : i32 to index
      %parallel_loop3A_431 = tpu.vector_load %arg5[%parallel_loop3A_430] {strides = array<i32>} : memref<4096xi32, #tpu.memory_space<vmem>>, vector<16xi32>,
      tpu.vector_store %arg5[%parallel_loop3A_430], %parallel_loop3A_427 {strides = array<i32>} : memref<4096xi32, #tpu.memory_space<vmem>>, vector<16xi32>,
    } {sc.loop_unroll_factor = 8 : i64, sc.parallel_access}
    %dma_wait3A_243 = arith.constant 0 : i32
    %dma_wait3A_244 = tpu.memref_slice %arg9[%rem3A_233, %dma_wait3A_243] : memref<16x4096xi32, #tpu.memory_space<vmem_shared>> -> memref<1x4096xi32, #tpu.memory_space<vmem_shared>>
    %dma_wait3A_245 = tpu.memref_squeeze %dma_wait3A_244 : memref<1x4096xi32, #tpu.memory_space<vmem_shared>> -> memref<4096xi32, #tpu.memory_space<vmem_shared>>
    %dma_wait3A_246 = arith.constant 0 : i32
    %dma_wait3A_247 = tpu.memref_slice %arg9[%rem3A_233, %dma_wait3A_246] : memref<16x4096xi32, #tpu.memory_space<vmem_shared>> -> memref<1x4096xi32, #tpu.memory_space<vmem_shared>>
    %dma_wait3A_248 = tpu.memref_squeeze %dma_wait3A_247 : memref<1x4096xi32, #tpu.memory_space<vmem_shared>> -> memref<4096xi32, #tpu.memory_space<vmem_shared>>
    tpu.wait_dma2 semaphore(%arg11 : memref<!tpu.dma_semaphore, #tpu.memory_space<semaphore_mem>>) src(%dma_wait3A_248 : memref<4096xi32, #tpu.memory_space<vmem_shared>>) dst(%arg6 : memref<4096xi32, #tpu.memory_space<vmem>>)
    %add3A_249 = arith.constant 11 : i32
    %add3A_250 = arith.addi %arg1, %add3A_249 : i32
    %add3A_251 = arith.constant 1 : i32
    %add3A_252 = arith.addi %add3A_250, %add3A_251 : i32
    %rem3A_253 = arith.constant 16 : i32
    %rem3A_254 = arith.remsi %add3A_252, %rem3A_253 : i32
    %dma_start3A_255 = arith.constant 0 : i32
    %dma_start3A_256 = tpu.memref_slice %arg9[%rem3A_254, %dma_start3A_255] : memref<16x4096xi32, #tpu.memory_space<vmem_shared>> -> memref<1x4096xi32, #tpu.memory_space<vmem_shared>>
    %dma_start3A_257 = tpu.memref_squeeze %dma_start3A_256 : memref<1x4096xi32, #tpu.memory_space<vmem_shared>> -> memref<4096xi32, #tpu.memory_space<vmem_shared>>
    %dma_start3A_258 = arith.constant 0 : i32
    %dma_start3A_259 = tpu.memref_slice %arg9[%rem3A_254, %dma_start3A_258] : memref<16x4096xi32, #tpu.memory_space<vmem_shared>> -> memref<1x4096xi32, #tpu.memory_space<vmem_shared>>
    %dma_start3A_260 = tpu.memref_squeeze %dma_start3A_259 : memref<1x4096xi32, #tpu.memory_space<vmem_shared>> -> memref<4096xi32, #tpu.memory_space<vmem_shared>>
    tpu.enqueue_dma source(%dma_start3A_260 : memref<4096xi32, #tpu.memory_space<vmem_shared>>) target(%arg7 : memref<4096xi32, #tpu.memory_space<vmem>>) target_semaphore(%arg11 : memref<!tpu.dma_semaphore, #tpu.memory_space<semaphore_mem>>)
    %parallel_loop3A_261 = arith.constant 0 : i32
    %parallel_loop3A_262 = arith.constant 256 : i32
    %parallel_loop3A_263 = arith.constant 1 : i32
    scf.for %parallel_loop3A_418 = %parallel_loop3A_261 to %parallel_loop3A_262 step %parallel_loop3A_263  : i32 {
      %parallel_loop3A_419 = arith.constant 16 : i32
      %parallel_loop3A_420 = arith.muli %parallel_loop3A_418, %parallel_loop3A_419 : i32
      %parallel_loop3A_421 = arith.index_cast %parallel_loop3A_420 : i32 to index
      %parallel_loop3A_422 = tpu.vector_load %arg5[%parallel_loop3A_421] {strides = array<i32>} : memref<4096xi32, #tpu.memory_space<vmem>>, vector<16xi32>,
      %parallel_loop3A_423 = arith.constant 16 : i32
      %parallel_loop3A_424 = arith.muli %parallel_loop3A_418, %parallel_loop3A_423 : i32
      %parallel_loop3A_425 = arith.index_cast %parallel_loop3A_424 : i32 to index
      %parallel_loop3A_426 = tpu.vector_load %arg6[%parallel_loop3A_425] {strides = array<i32>} : memref<4096xi32, #tpu.memory_space<vmem>>, vector<16xi32>,
      %parallel_loop3A_427 = arith.addi %parallel_loop3A_422, %parallel_loop3A_426 : vector<16xi32>
      %parallel_loop3A_428 = arith.constant 16 : i32
      %parallel_loop3A_429 = arith.muli %parallel_loop3A_418, %parallel_loop3A_428 : i32
      %parallel_loop3A_430 = arith.index_cast %parallel_loop3A_429 : i32 to index
      %parallel_loop3A_431 = tpu.vector_load %arg5[%parallel_loop3A_430] {strides = array<i32>} : memref<4096xi32, #tpu.memory_space<vmem>>, vector<16xi32>,
      tpu.vector_store %arg5[%parallel_loop3A_430], %parallel_loop3A_427 {strides = array<i32>} : memref<4096xi32, #tpu.memory_space<vmem>>, vector<16xi32>,
    } {sc.loop_unroll_factor = 8 : i64, sc.parallel_access}
    %dma_wait3A_264 = arith.constant 0 : i32
    %dma_wait3A_265 = tpu.memref_slice %arg9[%rem3A_254, %dma_wait3A_264] : memref<16x4096xi32, #tpu.memory_space<vmem_shared>> -> memref<1x4096xi32, #tpu.memory_space<vmem_shared>>
    %dma_wait3A_266 = tpu.memref_squeeze %dma_wait3A_265 : memref<1x4096xi32, #tpu.memory_space<vmem_shared>> -> memref<4096xi32, #tpu.memory_space<vmem_shared>>
    %dma_wait3A_267 = arith.constant 0 : i32
    %dma_wait3A_268 = tpu.memref_slice %arg9[%rem3A_254, %dma_wait3A_267] : memref<16x4096xi32, #tpu.memory_space<vmem_shared>> -> memref<1x4096xi32, #tpu.memory_space<vmem_shared>>
    %dma_wait3A_269 = tpu.memref_squeeze %dma_wait3A_268 : memref<1x4096xi32, #tpu.memory_space<vmem_shared>> -> memref<4096xi32, #tpu.memory_space<vmem_shared>>
    tpu.wait_dma2 semaphore(%arg11 : memref<!tpu.dma_semaphore, #tpu.memory_space<semaphore_mem>>) src(%dma_wait3A_269 : memref<4096xi32, #tpu.memory_space<vmem_shared>>) dst(%arg7 : memref<4096xi32, #tpu.memory_space<vmem>>)
    %add3A_270 = arith.constant 12 : i32
    %add3A_271 = arith.addi %arg1, %add3A_270 : i32
    %add3A_272 = arith.constant 1 : i32
    %add3A_273 = arith.addi %add3A_271, %add3A_272 : i32
    %rem3A_274 = arith.constant 16 : i32
    %rem3A_275 = arith.remsi %add3A_273, %rem3A_274 : i32
    %dma_start3A_276 = arith.constant 0 : i32
    %dma_start3A_277 = tpu.memref_slice %arg9[%rem3A_275, %dma_start3A_276] : memref<16x4096xi32, #tpu.memory_space<vmem_shared>> -> memref<1x4096xi32, #tpu.memory_space<vmem_shared>>
    %dma_start3A_278 = tpu.memref_squeeze %dma_start3A_277 : memref<1x4096xi32, #tpu.memory_space<vmem_shared>> -> memref<4096xi32, #tpu.memory_space<vmem_shared>>
    %dma_start3A_279 = arith.constant 0 : i32
    %dma_start3A_280 = tpu.memref_slice %arg9[%rem3A_275, %dma_start3A_279] : memref<16x4096xi32, #tpu.memory_space<vmem_shared>> -> memref<1x4096xi32, #tpu.memory_space<vmem_shared>>
    %dma_start3A_281 = tpu.memref_squeeze %dma_start3A_280 : memref<1x4096xi32, #tpu.memory_space<vmem_shared>> -> memref<4096xi32, #tpu.memory_space<vmem_shared>>
    tpu.enqueue_dma source(%dma_start3A_281 : memref<4096xi32, #tpu.memory_space<vmem_shared>>) target(%arg6 : memref<4096xi32, #tpu.memory_space<vmem>>) target_semaphore(%arg11 : memref<!tpu.dma_semaphore, #tpu.memory_space<semaphore_mem>>)
    %parallel_loop3A_282 = arith.constant 0 : i32
    %parallel_loop3A_283 = arith.constant 256 : i32
    %parallel_loop3A_284 = arith.constant 1 : i32
    scf.for %parallel_loop3A_418 = %parallel_loop3A_282 to %parallel_loop3A_283 step %parallel_loop3A_284  : i32 {
      %parallel_loop3A_419 = arith.constant 16 : i32
      %parallel_loop3A_420 = arith.muli %parallel_loop3A_418, %parallel_loop3A_419 : i32
      %parallel_loop3A_421 = arith.index_cast %parallel_loop3A_420 : i32 to index
      %parallel_loop3A_422 = tpu.vector_load %arg5[%parallel_loop3A_421] {strides = array<i32>} : memref<4096xi32, #tpu.memory_space<vmem>>, vector<16xi32>,
      %parallel_loop3A_423 = arith.constant 16 : i32
      %parallel_loop3A_424 = arith.muli %parallel_loop3A_418, %parallel_loop3A_423 : i32
      %parallel_loop3A_425 = arith.index_cast %parallel_loop3A_424 : i32 to index
      %parallel_loop3A_426 = tpu.vector_load %arg7[%parallel_loop3A_425] {strides = array<i32>} : memref<4096xi32, #tpu.memory_space<vmem>>, vector<16xi32>,
      %parallel_loop3A_427 = arith.addi %parallel_loop3A_422, %parallel_loop3A_426 : vector<16xi32>
      %parallel_loop3A_428 = arith.constant 16 : i32
      %parallel_loop3A_429 = arith.muli %parallel_loop3A_418, %parallel_loop3A_428 : i32
      %parallel_loop3A_430 = arith.index_cast %parallel_loop3A_429 : i32 to index
      %parallel_loop3A_431 = tpu.vector_load %arg5[%parallel_loop3A_430] {strides = array<i32>} : memref<4096xi32, #tpu.memory_space<vmem>>, vector<16xi32>,
      tpu.vector_store %arg5[%parallel_loop3A_430], %parallel_loop3A_427 {strides = array<i32>} : memref<4096xi32, #tpu.memory_space<vmem>>, vector<16xi32>,
    } {sc.loop_unroll_factor = 8 : i64, sc.parallel_access}
    %dma_wait3A_285 = arith.constant 0 : i32
    %dma_wait3A_286 = tpu.memref_slice %arg9[%rem3A_275, %dma_wait3A_285] : memref<16x4096xi32, #tpu.memory_space<vmem_shared>> -> memref<1x4096xi32, #tpu.memory_space<vmem_shared>>
    %dma_wait3A_287 = tpu.memref_squeeze %dma_wait3A_286 : memref<1x4096xi32, #tpu.memory_space<vmem_shared>> -> memref<4096xi32, #tpu.memory_space<vmem_shared>>
    %dma_wait3A_288 = arith.constant 0 : i32
    %dma_wait3A_289 = tpu.memref_slice %arg9[%rem3A_275, %dma_wait3A_288] : memref<16x4096xi32, #tpu.memory_space<vmem_shared>> -> memref<1x4096xi32, #tpu.memory_space<vmem_shared>>
    %dma_wait3A_290 = tpu.memref_squeeze %dma_wait3A_289 : memref<1x4096xi32, #tpu.memory_space<vmem_shared>> -> memref<4096xi32, #tpu.memory_space<vmem_shared>>
    tpu.wait_dma2 semaphore(%arg11 : memref<!tpu.dma_semaphore, #tpu.memory_space<semaphore_mem>>) src(%dma_wait3A_290 : memref<4096xi32, #tpu.memory_space<vmem_shared>>) dst(%arg6 : memref<4096xi32, #tpu.memory_space<vmem>>)
    %add3A_291 = arith.constant 13 : i32
    %add3A_292 = arith.addi %arg1, %add3A_291 : i32
    %add3A_293 = arith.constant 1 : i32
    %add3A_294 = arith.addi %add3A_292, %add3A_293 : i32
    %rem3A_295 = arith.constant 16 : i32
    %rem3A_296 = arith.remsi %add3A_294, %rem3A_295 : i32
    %dma_start3A_297 = arith.constant 0 : i32
    %dma_start3A_298 = tpu.memref_slice %arg9[%rem3A_296, %dma_start3A_297] : memref<16x4096xi32, #tpu.memory_space<vmem_shared>> -> memref<1x4096xi32, #tpu.memory_space<vmem_shared>>
    %dma_start3A_299 = tpu.memref_squeeze %dma_start3A_298 : memref<1x4096xi32, #tpu.memory_space<vmem_shared>> -> memref<4096xi32, #tpu.memory_space<vmem_shared>>
    %dma_start3A_300 = arith.constant 0 : i32
    %dma_start3A_301 = tpu.memref_slice %arg9[%rem3A_296, %dma_start3A_300] : memref<16x4096xi32, #tpu.memory_space<vmem_shared>> -> memref<1x4096xi32, #tpu.memory_space<vmem_shared>>
    %dma_start3A_302 = tpu.memref_squeeze %dma_start3A_301 : memref<1x4096xi32, #tpu.memory_space<vmem_shared>> -> memref<4096xi32, #tpu.memory_space<vmem_shared>>
    tpu.enqueue_dma source(%dma_start3A_302 : memref<4096xi32, #tpu.memory_space<vmem_shared>>) target(%arg7 : memref<4096xi32, #tpu.memory_space<vmem>>) target_semaphore(%arg11 : memref<!tpu.dma_semaphore, #tpu.memory_space<semaphore_mem>>)
    %parallel_loop3A_303 = arith.constant 0 : i32
    %parallel_loop3A_304 = arith.constant 256 : i32
    %parallel_loop3A_305 = arith.constant 1 : i32
    scf.for %parallel_loop3A_418 = %parallel_loop3A_303 to %parallel_loop3A_304 step %parallel_loop3A_305  : i32 {
      %parallel_loop3A_419 = arith.constant 16 : i32
      %parallel_loop3A_420 = arith.muli %parallel_loop3A_418, %parallel_loop3A_419 : i32
      %parallel_loop3A_421 = arith.index_cast %parallel_loop3A_420 : i32 to index
      %parallel_loop3A_422 = tpu.vector_load %arg5[%parallel_loop3A_421] {strides = array<i32>} : memref<4096xi32, #tpu.memory_space<vmem>>, vector<16xi32>,
      %parallel_loop3A_423 = arith.constant 16 : i32
      %parallel_loop3A_424 = arith.muli %parallel_loop3A_418, %parallel_loop3A_423 : i32
      %parallel_loop3A_425 = arith.index_cast %parallel_loop3A_424 : i32 to index
      %parallel_loop3A_426 = tpu.vector_load %arg6[%parallel_loop3A_425] {strides = array<i32>} : memref<4096xi32, #tpu.memory_space<vmem>>, vector<16xi32>,
      %parallel_loop3A_427 = arith.addi %parallel_loop3A_422, %parallel_loop3A_426 : vector<16xi32>
      %parallel_loop3A_428 = arith.constant 16 : i32
      %parallel_loop3A_429 = arith.muli %parallel_loop3A_418, %parallel_loop3A_428 : i32
      %parallel_loop3A_430 = arith.index_cast %parallel_loop3A_429 : i32 to index
      %parallel_loop3A_431 = tpu.vector_load %arg5[%parallel_loop3A_430] {strides = array<i32>} : memref<4096xi32, #tpu.memory_space<vmem>>, vector<16xi32>,
      tpu.vector_store %arg5[%parallel_loop3A_430], %parallel_loop3A_427 {strides = array<i32>} : memref<4096xi32, #tpu.memory_space<vmem>>, vector<16xi32>,
    } {sc.loop_unroll_factor = 8 : i64, sc.parallel_access}
    %dma_wait3A_306 = arith.constant 0 : i32
    %dma_wait3A_307 = tpu.memref_slice %arg9[%rem3A_296, %dma_wait3A_306] : memref<16x4096xi32, #tpu.memory_space<vmem_shared>> -> memref<1x4096xi32, #tpu.memory_space<vmem_shared>>
    %dma_wait3A_308 = tpu.memref_squeeze %dma_wait3A_307 : memref<1x4096xi32, #tpu.memory_space<vmem_shared>> -> memref<4096xi32, #tpu.memory_space<vmem_shared>>
    %dma_wait3A_309 = arith.constant 0 : i32
    %dma_wait3A_310 = tpu.memref_slice %arg9[%rem3A_296, %dma_wait3A_309] : memref<16x4096xi32, #tpu.memory_space<vmem_shared>> -> memref<1x4096xi32, #tpu.memory_space<vmem_shared>>
    %dma_wait3A_311 = tpu.memref_squeeze %dma_wait3A_310 : memref<1x4096xi32, #tpu.memory_space<vmem_shared>> -> memref<4096xi32, #tpu.memory_space<vmem_shared>>
    tpu.wait_dma2 semaphore(%arg11 : memref<!tpu.dma_semaphore, #tpu.memory_space<semaphore_mem>>) src(%dma_wait3A_311 : memref<4096xi32, #tpu.memory_space<vmem_shared>>) dst(%arg7 : memref<4096xi32, #tpu.memory_space<vmem>>)
    %add3A_312 = arith.constant 14 : i32
    %add3A_313 = arith.addi %arg1, %add3A_312 : i32
    %add3A_314 = arith.constant 1 : i32
    %add3A_315 = arith.addi %add3A_313, %add3A_314 : i32
    %rem3A_316 = arith.constant 16 : i32
    %rem3A_317 = arith.remsi %add3A_315, %rem3A_316 : i32
    %dma_start3A_318 = arith.constant 0 : i32
    %dma_start3A_319 = tpu.memref_slice %arg9[%rem3A_317, %dma_start3A_318] : memref<16x4096xi32, #tpu.memory_space<vmem_shared>> -> memref<1x4096xi32, #tpu.memory_space<vmem_shared>>
    %dma_start3A_320 = tpu.memref_squeeze %dma_start3A_319 : memref<1x4096xi32, #tpu.memory_space<vmem_shared>> -> memref<4096xi32, #tpu.memory_space<vmem_shared>>
    %dma_start3A_321 = arith.constant 0 : i32
    %dma_start3A_322 = tpu.memref_slice %arg9[%rem3A_317, %dma_start3A_321] : memref<16x4096xi32, #tpu.memory_space<vmem_shared>> -> memref<1x4096xi32, #tpu.memory_space<vmem_shared>>
    %dma_start3A_323 = tpu.memref_squeeze %dma_start3A_322 : memref<1x4096xi32, #tpu.memory_space<vmem_shared>> -> memref<4096xi32, #tpu.memory_space<vmem_shared>>
    tpu.enqueue_dma source(%dma_start3A_323 : memref<4096xi32, #tpu.memory_space<vmem_shared>>) target(%arg6 : memref<4096xi32, #tpu.memory_space<vmem>>) target_semaphore(%arg11 : memref<!tpu.dma_semaphore, #tpu.memory_space<semaphore_mem>>)
    %parallel_loop3A_324 = arith.constant 0 : i32
    %parallel_loop3A_325 = arith.constant 256 : i32
    %parallel_loop3A_326 = arith.constant 1 : i32
    scf.for %parallel_loop3A_418 = %parallel_loop3A_324 to %parallel_loop3A_325 step %parallel_loop3A_326  : i32 {
      %parallel_loop3A_419 = arith.constant 16 : i32
      %parallel_loop3A_420 = arith.muli %parallel_loop3A_418, %parallel_loop3A_419 : i32
      %parallel_loop3A_421 = arith.index_cast %parallel_loop3A_420 : i32 to index
      %parallel_loop3A_422 = tpu.vector_load %arg5[%parallel_loop3A_421] {strides = array<i32>} : memref<4096xi32, #tpu.memory_space<vmem>>, vector<16xi32>,
      %parallel_loop3A_423 = arith.constant 16 : i32
      %parallel_loop3A_424 = arith.muli %parallel_loop3A_418, %parallel_loop3A_423 : i32
      %parallel_loop3A_425 = arith.index_cast %parallel_loop3A_424 : i32 to index
      %parallel_loop3A_426 = tpu.vector_load %arg7[%parallel_loop3A_425] {strides = array<i32>} : memref<4096xi32, #tpu.memory_space<vmem>>, vector<16xi32>,
      %parallel_loop3A_427 = arith.addi %parallel_loop3A_422, %parallel_loop3A_426 : vector<16xi32>
      %parallel_loop3A_428 = arith.constant 16 : i32
      %parallel_loop3A_429 = arith.muli %parallel_loop3A_418, %parallel_loop3A_428 : i32
      %parallel_loop3A_430 = arith.index_cast %parallel_loop3A_429 : i32 to index
      %parallel_loop3A_431 = tpu.vector_load %arg5[%parallel_loop3A_430] {strides = array<i32>} : memref<4096xi32, #tpu.memory_space<vmem>>, vector<16xi32>,
      tpu.vector_store %arg5[%parallel_loop3A_430], %parallel_loop3A_427 {strides = array<i32>} : memref<4096xi32, #tpu.memory_space<vmem>>, vector<16xi32>,
    } {sc.loop_unroll_factor = 8 : i64, sc.parallel_access}
    %dma_wait3A_327 = arith.constant 0 : i32
    %dma_wait3A_328 = tpu.memref_slice %arg9[%rem3A_317, %dma_wait3A_327] : memref<16x4096xi32, #tpu.memory_space<vmem_shared>> -> memref<1x4096xi32, #tpu.memory_space<vmem_shared>>
    %dma_wait3A_329 = tpu.memref_squeeze %dma_wait3A_328 : memref<1x4096xi32, #tpu.memory_space<vmem_shared>> -> memref<4096xi32, #tpu.memory_space<vmem_shared>>
    %dma_wait3A_330 = arith.constant 0 : i32
    %dma_wait3A_331 = tpu.memref_slice %arg9[%rem3A_317, %dma_wait3A_330] : memref<16x4096xi32, #tpu.memory_space<vmem_shared>> -> memref<1x4096xi32, #tpu.memory_space<vmem_shared>>
    %dma_wait3A_332 = tpu.memref_squeeze %dma_wait3A_331 : memref<1x4096xi32, #tpu.memory_space<vmem_shared>> -> memref<4096xi32, #tpu.memory_space<vmem_shared>>
    tpu.wait_dma2 semaphore(%arg11 : memref<!tpu.dma_semaphore, #tpu.memory_space<semaphore_mem>>) src(%dma_wait3A_332 : memref<4096xi32, #tpu.memory_space<vmem_shared>>) dst(%arg6 : memref<4096xi32, #tpu.memory_space<vmem>>)
    %parallel_loop3A_333 = arith.constant 0 : i32
    %parallel_loop3A_334 = arith.constant 256 : i32
    %parallel_loop3A_335 = arith.constant 1 : i32
    scf.for %parallel_loop3A_418 = %parallel_loop3A_333 to %parallel_loop3A_334 step %parallel_loop3A_335  : i32 {
      %parallel_loop3A_419 = arith.constant 16 : i32
      %parallel_loop3A_420 = arith.muli %parallel_loop3A_418, %parallel_loop3A_419 : i32
      %parallel_loop3A_421 = arith.index_cast %parallel_loop3A_420 : i32 to index
      %parallel_loop3A_422 = tpu.vector_load %arg5[%parallel_loop3A_421] {strides = array<i32>} : memref<4096xi32, #tpu.memory_space<vmem>>, vector<16xi32>,
      %parallel_loop3A_423 = arith.constant 16 : i32
      %parallel_loop3A_424 = arith.muli %parallel_loop3A_418, %parallel_loop3A_423 : i32
      %parallel_loop3A_425 = arith.index_cast %parallel_loop3A_424 : i32 to index
      %parallel_loop3A_426 = tpu.vector_load %arg6[%parallel_loop3A_425] {strides = array<i32>} : memref<4096xi32, #tpu.memory_space<vmem>>, vector<16xi32>,
      %parallel_loop3A_427 = arith.addi %parallel_loop3A_422, %parallel_loop3A_426 : vector<16xi32>
      %parallel_loop3A_428 = arith.constant 16 : i32
      %parallel_loop3A_429 = arith.muli %parallel_loop3A_418, %parallel_loop3A_428 : i32
      %parallel_loop3A_430 = arith.index_cast %parallel_loop3A_429 : i32 to index
      %parallel_loop3A_431 = tpu.vector_load %arg5[%parallel_loop3A_430] {strides = array<i32>} : memref<4096xi32, #tpu.memory_space<vmem>>, vector<16xi32>,
      tpu.vector_store %arg5[%parallel_loop3A_430], %parallel_loop3A_427 {strides = array<i32>} : memref<4096xi32, #tpu.memory_space<vmem>>, vector<16xi32>,
    } {sc.loop_unroll_factor = 8 : i64, sc.parallel_access}
    %parallel_loop3A_336 = arith.constant 0 : i32
    %parallel_loop3A_337 = arith.constant 256 : i32
    %parallel_loop3A_338 = arith.constant 1 : i32
    %parallel_loop3A_339 = arith.constant 0 : i32
    %parallel_loop3A_340 = arith.constant 0 : i32
    %parallel_loop3A_341 = arith.constant 0 : i32
    %parallel_loop3A_342:3 = scf.for %parallel_loop3A_418 = %parallel_loop3A_336 to %parallel_loop3A_337 step %parallel_loop3A_338 iter_args(%parallel_loop3A_419 = %parallel_loop3A_339, %parallel_loop3A_420 = %parallel_loop3A_340, %parallel_loop3A_421 = %parallel_loop3A_341) -> (i32, i32, i32)  : i32 {
      %parallel_loop3A_422 = arith.constant 255 : i32
      %parallel_loop3A_423 = arith.subi %parallel_loop3A_422, %parallel_loop3A_418 : i32
      %parallel_loop3A_424 = arith.constant 16 : i32
      %parallel_loop3A_425 = arith.muli %parallel_loop3A_423, %parallel_loop3A_424 : i32
      %parallel_loop3A_426 = arith.index_cast %parallel_loop3A_425 : i32 to index
      %parallel_loop3A_427 = tpu.vector_load %arg5[%parallel_loop3A_426] {strides = array<i32>} : memref<4096xi32, #tpu.memory_space<vmem>>, vector<16xi32>,
      %parallel_loop3A_428 = arith.constant true
      %parallel_loop3A_429 = vector.broadcast %parallel_loop3A_428 : i1 to vector<16xi1>
      %parallel_loop3A_430 = tpu.scan <sum>, %parallel_loop3A_427 masked %parallel_loop3A_429 : vector<16xi32>, vector<16xi1> -> vector<16xi32>
      %parallel_loop3A_431 = vector.extract %parallel_loop3A_430[15] : i32 from vector<16xi32>
      %parallel_loop3A_432 = arith.addi %parallel_loop3A_419, %parallel_loop3A_431 : i32
      %parallel_loop3A_433 = arith.constant 120000 : i32
      %parallel_loop3A_434 = arith.cmpi sge, %parallel_loop3A_432, %parallel_loop3A_433 : i32
      %parallel_loop3A_435 = arith.constant 120000 : i32
      %parallel_loop3A_436 = arith.cmpi slt, %parallel_loop3A_419, %parallel_loop3A_435 : i32
      %parallel_loop3A_437 = arith.andi %parallel_loop3A_434, %parallel_loop3A_436 : i1
      %parallel_loop3A_438 = arith.select %parallel_loop3A_437, %parallel_loop3A_423, %parallel_loop3A_420 : i32
      %parallel_loop3A_439 = arith.select %parallel_loop3A_437, %parallel_loop3A_419, %parallel_loop3A_421 : i32
      scf.yield %parallel_loop3A_432, %parallel_loop3A_438, %parallel_loop3A_439 : i32, i32, i32
    } {sc.loop_unroll_factor = 4 : i64, sc.parallel_access}
    %sub3A = arith.constant 120000 : i32
    %sub3A_343 = arith.subi %sub3A, %parallel_loop3A_342#2 : i32
    %broadcast_in_dim3A_344 = vector.broadcast %parallel_loop3A_342#1 : i32 to vector<16xi32>
    %parallel_loop3A_345 = arith.constant 0 : i32
    %parallel_loop3A_346 = arith.constant 1 : i32
    %parallel_loop3A_347 = arith.constant 0 : i32
    %parallel_loop3A_348 = scf.for %parallel_loop3A_418 = %parallel_loop3A_345 to %select_n3A step %parallel_loop3A_346 iter_args(%parallel_loop3A_419 = %parallel_loop3A_347) -> (i32)  : i32 {
      %parallel_loop3A_420 = arith.constant 16 : i32
      %parallel_loop3A_421 = arith.muli %parallel_loop3A_418, %parallel_loop3A_420 : i32
      %parallel_loop3A_422 = arith.index_cast %parallel_loop3A_421 : i32 to index
      %parallel_loop3A_423 = tpu.vector_load %arg4[%parallel_loop3A_422] {strides = array<i32>} : memref<62528xf32, #tpu.memory_space<vmem>>, vector<16xf32>,
      %parallel_loop3A_424 = arith.constant 2.560000e+02 : f32
      %parallel_loop3A_425 = vector.broadcast %parallel_loop3A_424 : f32 to vector<16xf32>
      %parallel_loop3A_426 = arith.mulf %parallel_loop3A_423, %parallel_loop3A_425 : vector<16xf32>
      %parallel_loop3A_427 = arith.fptosi %parallel_loop3A_426 : vector<16xf32> to vector<16xi32>
      %parallel_loop3A_428 = arith.cmpi eq, %parallel_loop3A_427, %broadcast_in_dim3A_344 : vector<16xi32>
      %parallel_loop3A_429 = arith.constant 4064 : i32
      %parallel_loop3A_430 = arith.cmpi slt, %parallel_loop3A_419, %parallel_loop3A_429 : i32
      %parallel_loop3A_431 = vector.broadcast %parallel_loop3A_430 : i1 to vector<16xi1>
      %parallel_loop3A_432 = arith.andi %parallel_loop3A_428, %parallel_loop3A_431 : vector<16xi1>
      %parallel_loop3A_433 = arith.index_cast %parallel_loop3A_419 : i32 to index
      %parallel_loop3A_434 = tpu.vector_load %arg8[%parallel_loop3A_433] masked %parallel_loop3A_432 {strides = array<i32>} : memref<4096xf32, #tpu.memory_space<vmem>>, vector<16xf32>, vector<16xi1>
      tpu.vector_store %arg8[%parallel_loop3A_433], %parallel_loop3A_423 masked %parallel_loop3A_432 {strides = array<i32>} : memref<4096xf32, #tpu.memory_space<vmem>>, vector<16xf32>, vector<16xi1>
      %parallel_loop3A_435 = tpu.all_reduce %parallel_loop3A_432 {dim = 0 : i64, kind = #tpu.reduction_kind<sum>} : vector<16xi1> -> vector<16xi32>
      %parallel_loop3A_436 = vector.extract_strided_slice %parallel_loop3A_435 {offsets = [0], sizes = [1], strides = [1]} : vector<16xi32> to vector<1xi32>
      %parallel_loop3A_437 = vector.extract %parallel_loop3A_436[0] : i32 from vector<1xi32>
      %parallel_loop3A_438 = arith.addi %parallel_loop3A_419, %parallel_loop3A_437 : i32
      scf.yield %parallel_loop3A_438 : i32
    } {sc.loop_unroll_factor = 8 : i64, sc.parallel_access}
    %add3A_349 = arith.constant 16 : i32
    %add3A_350 = arith.addi %parallel_loop3A_348, %add3A_349 : i32
    %sub3A_351 = arith.constant 1 : i32
    %sub3A_352 = arith.subi %add3A_350, %sub3A_351 : i32
    %jit3A_353 = arith.constant 16 : i32
    %div3A = arith.divsi %sub3A_352, %jit3A_353 : i32
    %sign3A = arith.constant 0 : i32
    %sign3A_354 = arith.cmpi sgt, %sub3A_352, %sign3A : i32
    %sign3A_355 = arith.extui %sign3A_354 : i1 to i32
    %sign3A_356 = arith.constant 0 : i32
    %sign3A_357 = arith.cmpi slt, %sub3A_352, %sign3A_356 : i32
    %sign3A_358 = arith.extui %sign3A_357 : i1 to i32
    %sign3A_359 = arith.subi %sign3A_355, %sign3A_358 : i32
    %sign3A_360 = arith.constant 0 : i32
    %sign3A_361 = arith.cmpi sgt, %jit3A_353, %sign3A_360 : i32
    %sign3A_362 = arith.extui %sign3A_361 : i1 to i32
    %sign3A_363 = arith.constant 0 : i32
    %sign3A_364 = arith.cmpi slt, %jit3A_353, %sign3A_363 : i32
    %sign3A_365 = arith.extui %sign3A_364 : i1 to i32
    %sign3A_366 = arith.subi %sign3A_362, %sign3A_365 : i32
    %ne3A_367 = arith.cmpi ne, %sign3A_359, %sign3A_366 : i32
    %rem3A_368 = arith.remsi %sub3A_352, %jit3A_353 : i32
    %ne3A_369 = arith.constant 0 : i32
    %ne3A_370 = arith.cmpi ne, %rem3A_368, %ne3A_369 : i32
    %and3A = arith.andi %ne3A_367, %ne3A_370 : i1
    %sub3A_371 = arith.constant 1 : i32
    %sub3A_372 = arith.subi %div3A, %sub3A_371 : i32
    %select_n3A_373 = arith.select %and3A, %sub3A_372, %div3A : i32
    %gt3A = arith.constant 0 : i32
    %gt3A_374 = arith.cmpi sgt, %parallel_loop3A_342#1, %gt3A : i32
    %convert_element_type3A_375 = arith.sitofp %parallel_loop3A_342#1 : i32 to f32
    %mul3A_376 = arith.constant 3.906250e-03 : f32
    %mul3A_377 = arith.mulf %convert_element_type3A_375, %mul3A_376 : f32
    %bitcast_convert_type3A = arith.bitcast %mul3A_377 : f32 to i32
    %jit3A_378 = arith.constant 0 : i32
    %select_n3A_379 = arith.select %gt3A_374, %bitcast_convert_type3A, %jit3A_378 : i32
    %add3A_380 = arith.constant 1 : i32
    %add3A_381 = arith.addi %parallel_loop3A_342#1, %add3A_380 : i32
    %convert_element_type3A_382 = arith.sitofp %add3A_381 : i32 to f32
    %mul3A_383 = arith.constant 3.906250e-03 : f32
    %mul3A_384 = arith.mulf %convert_element_type3A_382, %mul3A_383 : f32
    %bitcast_convert_type3A_385 = arith.bitcast %mul3A_384 : f32 to i32
    %sub3A_386 = arith.subi %bitcast_convert_type3A_385, %select_n3A_379 : i32
    %convert_element_type3A_387 = arith.sitofp %sub3A_386 : i32 to f32
    %bitcast_convert_type3A_388 = arith.bitcast %convert_element_type3A_387 : f32 to i32
    %shift_right_logical3A = arith.constant 23 : i32
    %shift_right_logical3A_389 = arith.shrui %bitcast_convert_type3A_388, %shift_right_logical3A : i32
    %sub3A_390 = arith.constant 126 : i32
    %sub3A_391 = arith.subi %shift_right_logical3A_389, %sub3A_390 : i32
    %while3A = arith.constant 0 : i32
    %while3A_392 = arith.subi %sub3A_391, %while3A : i32
    %while3A_393 = arith.addi %while3A, %while3A_392 : i32
    %while3A_394 = arith.constant 1 : i32
    %while3A_395 = arith.divsi %while3A_392, %while3A_394 : i32
    %while3A_396 = arith.muli %while3A_395, %while3A_394 : i32
    %while3A_397 = arith.addi %while3A, %while3A_396 : i32
    %while3A_398 = arith.constant 1 : i32
    %while3A_399:2 = scf.for %while3A_418 = %while3A to %while3A_397 step %while3A_398 iter_args(%while3A_419 = %select_n3A_379, %while3A_420 = %bitcast_convert_type3A_385) -> (i32, i32)  : i32 {
      %add3A_421 = arith.addi %while3A_419, %while3A_420 : i32
      %jit3A_422 = arith.constant 2 : i32
      %div3A_423 = arith.divsi %add3A_421, %jit3A_422 : i32
      %sign3A_424 = arith.constant 0 : i32
      %sign3A_425 = arith.cmpi sgt, %add3A_421, %sign3A_424 : i32
      %sign3A_426 = arith.extui %sign3A_425 : i1 to i32
      %sign3A_427 = arith.constant 0 : i32
      %sign3A_428 = arith.cmpi slt, %add3A_421, %sign3A_427 : i32
      %sign3A_429 = arith.extui %sign3A_428 : i1 to i32
      %sign3A_430 = arith.subi %sign3A_426, %sign3A_429 : i32
      %sign3A_431 = arith.constant 0 : i32
      %sign3A_432 = arith.cmpi sgt, %jit3A_422, %sign3A_431 : i32
      %sign3A_433 = arith.extui %sign3A_432 : i1 to i32
      %sign3A_434 = arith.constant 0 : i32
      %sign3A_435 = arith.cmpi slt, %jit3A_422, %sign3A_434 : i32
      %sign3A_436 = arith.extui %sign3A_435 : i1 to i32
      %sign3A_437 = arith.subi %sign3A_433, %sign3A_436 : i32
      %ne3A_438 = arith.cmpi ne, %sign3A_430, %sign3A_437 : i32
      %rem3A_439 = arith.remsi %add3A_421, %jit3A_422 : i32
      %ne3A_440 = arith.constant 0 : i32
      %ne3A_441 = arith.cmpi ne, %rem3A_439, %ne3A_440 : i32
      %and3A_442 = arith.andi %ne3A_438, %ne3A_441 : i1
      %sub3A_443 = arith.constant 1 : i32
      %sub3A_444 = arith.subi %div3A_423, %sub3A_443 : i32
      %select_n3A_445 = arith.select %and3A_442, %sub3A_444, %div3A_423 : i32
      %bitcast_convert_type3A_446 = arith.bitcast %select_n3A_445 : i32 to f32
      %broadcast_in_dim3A_447 = vector.broadcast %bitcast_convert_type3A_446 : f32 to vector<16xf32>
      %while3A_448 = arith.constant 0 : i32
      %while3A_449 = arith.subi %select_n3A_373, %while3A_448 : i32
      %while3A_450 = arith.addi %while3A_448, %while3A_449 : i32
      %while3A_451 = arith.constant 1 : i32
      %while3A_452 = arith.divsi %while3A_449, %while3A_451 : i32
      %while3A_453 = arith.muli %while3A_452, %while3A_451 : i32
      %while3A_454 = arith.addi %while3A_448, %while3A_453 : i32
      %while3A_455 = arith.constant 1 : i32
      %while3A_456 = scf.for %while3A_466 = %while3A_448 to %while3A_454 step %while3A_455 iter_args(%while3A_467 = %broadcast_in_dim3A_10) -> (vector<16xi32>)  : i32 {
        %mul3A_468 = arith.constant 16 : i32
        %mul3A_469 = arith.muli %while3A_466, %mul3A_468 : i32
        %get3A = arith.index_cast %mul3A_469 : i32 to index
        %get3A_470 = tpu.vector_load %arg8[%get3A] {strides = array<i32>} : memref<4096xf32, #tpu.memory_space<vmem>>, vector<16xf32>,
        %ge3A_471 = arith.cmpf oge, %get3A_470, %broadcast_in_dim3A_447 : vector<16xf32>
        %all_reduce_population_count3A = tpu.all_reduce %ge3A_471 {dim = 0 : i64, kind = #tpu.reduction_kind<sum>} : vector<16xi1> -> vector<16xi32>
        %add3A_472 = arith.addi %while3A_467, %all_reduce_population_count3A : vector<16xi32>
        scf.yield %add3A_472 : vector<16xi32>
      }
      %while3A_457 = arith.constant 1 : i32
      %while3A_458 = scf.for %while3A_466 = %while3A_454 to %while3A_450 step %while3A_457 iter_args(%while3A_467 = %while3A_456) -> (vector<16xi32>)  : i32 {
        %mul3A_468 = arith.constant 16 : i32
        %mul3A_469 = arith.muli %while3A_466, %mul3A_468 : i32
        %get3A = arith.index_cast %mul3A_469 : i32 to index
        %get3A_470 = tpu.vector_load %arg8[%get3A] {strides = array<i32>} : memref<4096xf32, #tpu.memory_space<vmem>>, vector<16xf32>,
        %ge3A_471 = arith.cmpf oge, %get3A_470, %broadcast_in_dim3A_447 : vector<16xf32>
        %all_reduce_population_count3A = tpu.all_reduce %ge3A_471 {dim = 0 : i64, kind = #tpu.reduction_kind<sum>} : vector<16xi1> -> vector<16xi32>
        %add3A_472 = arith.addi %while3A_467, %all_reduce_population_count3A : vector<16xi32>
        scf.yield %add3A_472 : vector<16xi32>
      }
      %slice3A = vector.extract_strided_slice %while3A_458 {offsets = [0], sizes = [1], strides = [1]} : vector<16xi32> to vector<1xi32>
      %squeeze3A = vector.extract %slice3A[0] : i32 from vector<1xi32>
      %sc_fetch_and_add3A = arith.constant 0 : i32
      %sc_fetch_and_add3A_459 = tpu.fetch_and_add_sync %arg10[%while3A_418], %squeeze3A, %sc_fetch_and_add3A : memref<34xi32, #tpu.memory_space<smem>>, i32 -> i32
      %barrier3A_460 = arith.constant 0 : index
      tpu.barrier barrier_id(%barrier3A_460)
      %sc_fetch_and_add3A_461 = arith.constant 0 : i32
      %sc_fetch_and_add3A_462 = arith.constant 0 : i32
      %sc_fetch_and_add3A_463 = tpu.fetch_and_add_sync %arg10[%while3A_418], %sc_fetch_and_add3A_461, %sc_fetch_and_add3A_462 : memref<34xi32, #tpu.memory_space<smem>>, i32 -> i32
      %ge3A = arith.cmpi sge, %sc_fetch_and_add3A_463, %sub3A_343 : i32
      %select_n3A_464 = arith.select %ge3A, %select_n3A_445, %while3A_419 : i32
      %select_n3A_465 = arith.select %ge3A, %while3A_420, %select_n3A_445 : i32
      scf.yield %select_n3A_464, %select_n3A_465 : i32, i32
    }
    %while3A_400 = arith.constant 1 : i32
    %while3A_401:2 = scf.for %while3A_418 = %while3A_397 to %while3A_393 step %while3A_400 iter_args(%while3A_419 = %while3A_399#0, %while3A_420 = %while3A_399#1) -> (i32, i32)  : i32 {
      %add3A_421 = arith.addi %while3A_419, %while3A_420 : i32
      %jit3A_422 = arith.constant 2 : i32
      %div3A_423 = arith.divsi %add3A_421, %jit3A_422 : i32
      %sign3A_424 = arith.constant 0 : i32
      %sign3A_425 = arith.cmpi sgt, %add3A_421, %sign3A_424 : i32
      %sign3A_426 = arith.extui %sign3A_425 : i1 to i32
      %sign3A_427 = arith.constant 0 : i32
      %sign3A_428 = arith.cmpi slt, %add3A_421, %sign3A_427 : i32
      %sign3A_429 = arith.extui %sign3A_428 : i1 to i32
      %sign3A_430 = arith.subi %sign3A_426, %sign3A_429 : i32
      %sign3A_431 = arith.constant 0 : i32
      %sign3A_432 = arith.cmpi sgt, %jit3A_422, %sign3A_431 : i32
      %sign3A_433 = arith.extui %sign3A_432 : i1 to i32
      %sign3A_434 = arith.constant 0 : i32
      %sign3A_435 = arith.cmpi slt, %jit3A_422, %sign3A_434 : i32
      %sign3A_436 = arith.extui %sign3A_435 : i1 to i32
      %sign3A_437 = arith.subi %sign3A_433, %sign3A_436 : i32
      %ne3A_438 = arith.cmpi ne, %sign3A_430, %sign3A_437 : i32
      %rem3A_439 = arith.remsi %add3A_421, %jit3A_422 : i32
      %ne3A_440 = arith.constant 0 : i32
      %ne3A_441 = arith.cmpi ne, %rem3A_439, %ne3A_440 : i32
      %and3A_442 = arith.andi %ne3A_438, %ne3A_441 : i1
      %sub3A_443 = arith.constant 1 : i32
      %sub3A_444 = arith.subi %div3A_423, %sub3A_443 : i32
      %select_n3A_445 = arith.select %and3A_442, %sub3A_444, %div3A_423 : i32
      %bitcast_convert_type3A_446 = arith.bitcast %select_n3A_445 : i32 to f32
      %broadcast_in_dim3A_447 = vector.broadcast %bitcast_convert_type3A_446 : f32 to vector<16xf32>
      %while3A_448 = arith.constant 0 : i32
      %while3A_449 = arith.subi %select_n3A_373, %while3A_448 : i32
      %while3A_450 = arith.addi %while3A_448, %while3A_449 : i32
      %while3A_451 = arith.constant 1 : i32
      %while3A_452 = arith.divsi %while3A_449, %while3A_451 : i32
      %while3A_453 = arith.muli %while3A_452, %while3A_451 : i32
      %while3A_454 = arith.addi %while3A_448, %while3A_453 : i32
      %while3A_455 = arith.constant 1 : i32
      %while3A_456 = scf.for %while3A_466 = %while3A_448 to %while3A_454 step %while3A_455 iter_args(%while3A_467 = %broadcast_in_dim3A_10) -> (vector<16xi32>)  : i32 {
        %mul3A_468 = arith.constant 16 : i32
        %mul3A_469 = arith.muli %while3A_466, %mul3A_468 : i32
        %get3A = arith.index_cast %mul3A_469 : i32 to index
        %get3A_470 = tpu.vector_load %arg8[%get3A] {strides = array<i32>} : memref<4096xf32, #tpu.memory_space<vmem>>, vector<16xf32>,
        %ge3A_471 = arith.cmpf oge, %get3A_470, %broadcast_in_dim3A_447 : vector<16xf32>
        %all_reduce_population_count3A = tpu.all_reduce %ge3A_471 {dim = 0 : i64, kind = #tpu.reduction_kind<sum>} : vector<16xi1> -> vector<16xi32>
        %add3A_472 = arith.addi %while3A_467, %all_reduce_population_count3A : vector<16xi32>
        scf.yield %add3A_472 : vector<16xi32>
      }
      %while3A_457 = arith.constant 1 : i32
      %while3A_458 = scf.for %while3A_466 = %while3A_454 to %while3A_450 step %while3A_457 iter_args(%while3A_467 = %while3A_456) -> (vector<16xi32>)  : i32 {
        %mul3A_468 = arith.constant 16 : i32
        %mul3A_469 = arith.muli %while3A_466, %mul3A_468 : i32
        %get3A = arith.index_cast %mul3A_469 : i32 to index
        %get3A_470 = tpu.vector_load %arg8[%get3A] {strides = array<i32>} : memref<4096xf32, #tpu.memory_space<vmem>>, vector<16xf32>,
        %ge3A_471 = arith.cmpf oge, %get3A_470, %broadcast_in_dim3A_447 : vector<16xf32>
        %all_reduce_population_count3A = tpu.all_reduce %ge3A_471 {dim = 0 : i64, kind = #tpu.reduction_kind<sum>} : vector<16xi1> -> vector<16xi32>
        %add3A_472 = arith.addi %while3A_467, %all_reduce_population_count3A : vector<16xi32>
        scf.yield %add3A_472 : vector<16xi32>
      }
      %slice3A = vector.extract_strided_slice %while3A_458 {offsets = [0], sizes = [1], strides = [1]} : vector<16xi32> to vector<1xi32>
      %squeeze3A = vector.extract %slice3A[0] : i32 from vector<1xi32>
      %sc_fetch_and_add3A = arith.constant 0 : i32
      %sc_fetch_and_add3A_459 = tpu.fetch_and_add_sync %arg10[%while3A_418], %squeeze3A, %sc_fetch_and_add3A : memref<34xi32, #tpu.memory_space<smem>>, i32 -> i32
      %barrier3A_460 = arith.constant 0 : index
      tpu.barrier barrier_id(%barrier3A_460)
      %sc_fetch_and_add3A_461 = arith.constant 0 : i32
      %sc_fetch_and_add3A_462 = arith.constant 0 : i32
      %sc_fetch_and_add3A_463 = tpu.fetch_and_add_sync %arg10[%while3A_418], %sc_fetch_and_add3A_461, %sc_fetch_and_add3A_462 : memref<34xi32, #tpu.memory_space<smem>>, i32 -> i32
      %ge3A = arith.cmpi sge, %sc_fetch_and_add3A_463, %sub3A_343 : i32
      %select_n3A_464 = arith.select %ge3A, %select_n3A_445, %while3A_419 : i32
      %select_n3A_465 = arith.select %ge3A, %while3A_420, %select_n3A_445 : i32
      scf.yield %select_n3A_464, %select_n3A_465 : i32, i32
    }
    %bitcast_convert_type3A_402 = arith.bitcast %while3A_401#0 : i32 to f32
    %mul3A_403 = arith.constant 2.500000e-01 : f32
    %mul3A_404 = arith.mulf %bitcast_convert_type3A_402, %mul3A_403 : f32
    %broadcast_in_dim3A_405 = vector.broadcast %mul3A_404 : f32 to vector<16xf32>
    %parallel_loop3A_406 = arith.constant 0 : i32
    %parallel_loop3A_407 = arith.constant 1 : i32
    scf.for %parallel_loop3A_418 = %parallel_loop3A_406 to %select_n3A step %parallel_loop3A_407  : i32 {
      %parallel_loop3A_419 = arith.constant 16 : i32
      %parallel_loop3A_420 = arith.muli %parallel_loop3A_418, %parallel_loop3A_419 : i32
      %parallel_loop3A_421 = arith.index_cast %parallel_loop3A_420 : i32 to index
      %parallel_loop3A_422 = tpu.vector_load %arg4[%parallel_loop3A_421] {strides = array<i32>} : memref<62528xf32, #tpu.memory_space<vmem>>, vector<16xf32>,
      %parallel_loop3A_423 = arith.constant 2.500000e-01 : f32
      %parallel_loop3A_424 = vector.broadcast %parallel_loop3A_423 : f32 to vector<16xf32>
      %parallel_loop3A_425 = arith.mulf %parallel_loop3A_422, %parallel_loop3A_424 : vector<16xf32>
      %parallel_loop3A_426 = arith.cmpf oge, %parallel_loop3A_425, %broadcast_in_dim3A_405 : vector<16xf32>
      %parallel_loop3A_427 = arith.constant 1.000000e+00 : f32
      %parallel_loop3A_428 = arith.constant 0.000000e+00 : f32
      %parallel_loop3A_429 = vector.broadcast %parallel_loop3A_427 : f32 to vector<16xf32>
      %parallel_loop3A_430 = vector.broadcast %parallel_loop3A_428 : f32 to vector<16xf32>
      %parallel_loop3A_431 = arith.select %parallel_loop3A_426, %parallel_loop3A_429, %parallel_loop3A_430 : vector<16xi1>, vector<16xf32>
      %parallel_loop3A_432 = arith.constant 16 : i32
      %parallel_loop3A_433 = arith.muli %parallel_loop3A_418, %parallel_loop3A_432 : i32
      %parallel_loop3A_434 = arith.index_cast %parallel_loop3A_433 : i32 to index
      %parallel_loop3A_435 = tpu.vector_load %arg4[%parallel_loop3A_434] {strides = array<i32>} : memref<62528xf32, #tpu.memory_space<vmem>>, vector<16xf32>,
      tpu.vector_store %arg4[%parallel_loop3A_434], %parallel_loop3A_431 {strides = array<i32>} : memref<62528xf32, #tpu.memory_space<vmem>>, vector<16xf32>,
    } {sc.loop_unroll_factor = 8 : i64, sc.parallel_access}
    %eq3A_408 = arith.constant 15 : i32
    %eq3A_409 = arith.cmpi eq, %arg1, %eq3A_408 : i32
    %convert_element_type3A_410 = arith.extui %eq3A_409 : i1 to i32
    %cond3A_411 = arith.constant 0 : i32
    %cond3A_412 = arith.cmpi ne, %convert_element_type3A_410, %cond3A_411 : i32
    scf.if %cond3A_412 {
      "tpu.region"() ({
        %run_scoped3A = tpu.sem_alloc : memref<!tpu.dma_semaphore, #tpu.memory_space<semaphore_mem>>
        %dma_start3A_418 = arith.constant 0 : i32
        %dma_start3A_419 = tpu.memref_slice %arg4[%dma_start3A_418] : memref<62528xf32, #tpu.memory_space<vmem>> -> memref<62080xf32, #tpu.memory_space<vmem>>
        %dma_start3A_420 = tpu.memref_slice %arg3[%mul3A_0] : memref<1000000xf32, #tpu.memory_space<hbm>> -> memref<62080xf32, #tpu.memory_space<hbm>>
        %dma_start3A_421 = tpu.memref_slice %arg3[%mul3A_0] : memref<1000000xf32, #tpu.memory_space<hbm>> -> memref<62080xf32, #tpu.memory_space<hbm>>
        %dma_start3A_422 = arith.constant 0 : i32
        %dma_start3A_423 = tpu.memref_slice %arg4[%dma_start3A_422] : memref<62528xf32, #tpu.memory_space<vmem>> -> memref<62080xf32, #tpu.memory_space<vmem>>
        tpu.enqueue_dma source(%dma_start3A_423 : memref<62080xf32, #tpu.memory_space<vmem>>) target(%dma_start3A_421 : memref<62080xf32, #tpu.memory_space<hbm>>) target_semaphore(%run_scoped3A : memref<!tpu.dma_semaphore, #tpu.memory_space<semaphore_mem>>)
        %dma_wait3A_424 = arith.constant 0 : i32
        %dma_wait3A_425 = tpu.memref_slice %arg4[%dma_wait3A_424] : memref<62528xf32, #tpu.memory_space<vmem>> -> memref<62080xf32, #tpu.memory_space<vmem>>
        %dma_wait3A_426 = tpu.memref_slice %arg3[%mul3A_0] : memref<1000000xf32, #tpu.memory_space<hbm>> -> memref<62080xf32, #tpu.memory_space<hbm>>
        %dma_wait3A_427 = tpu.memref_slice %arg3[%mul3A_0] : memref<1000000xf32, #tpu.memory_space<hbm>> -> memref<62080xf32, #tpu.memory_space<hbm>>
        %dma_wait3A_428 = arith.constant 0 : i32
        %dma_wait3A_429 = tpu.memref_slice %arg4[%dma_wait3A_428] : memref<62528xf32, #tpu.memory_space<vmem>> -> memref<62080xf32, #tpu.memory_space<vmem>>
        tpu.wait_dma2 semaphore(%run_scoped3A : memref<!tpu.dma_semaphore, #tpu.memory_space<semaphore_mem>>) src(%dma_wait3A_429 : memref<62080xf32, #tpu.memory_space<vmem>>) dst(%dma_wait3A_427 : memref<62080xf32, #tpu.memory_space<hbm>>)
        tpu.yield
      }) : () -> ()
    } else {
    }
    %ne3A_413 = arith.constant 15 : i32
    %ne3A_414 = arith.cmpi ne, %arg1, %ne3A_413 : i32
    %convert_element_type3A_415 = arith.extui %ne3A_414 : i1 to i32
    %cond3A_416 = arith.constant 0 : i32
    %cond3A_417 = arith.cmpi ne, %convert_element_type3A_415, %cond3A_416 : i32
    scf.if %cond3A_417 {
      "tpu.region"() ({
        %run_scoped3A = tpu.sem_alloc : memref<!tpu.dma_semaphore, #tpu.memory_space<semaphore_mem>>
        %dma_start3A_418 = tpu.memref_slice %arg3[%mul3A_0] : memref<1000000xf32, #tpu.memory_space<hbm>> -> memref<62528xf32, #tpu.memory_space<hbm>>
        %dma_start3A_419 = tpu.memref_slice %arg3[%mul3A_0] : memref<1000000xf32, #tpu.memory_space<hbm>> -> memref<62528xf32, #tpu.memory_space<hbm>>
        tpu.enqueue_dma source(%arg4 : memref<62528xf32, #tpu.memory_space<vmem>>) target(%dma_start3A_419 : memref<62528xf32, #tpu.memory_space<hbm>>) target_semaphore(%run_scoped3A : memref<!tpu.dma_semaphore, #tpu.memory_space<semaphore_mem>>)
        %dma_wait3A_420 = tpu.memref_slice %arg3[%mul3A_0] : memref<1000000xf32, #tpu.memory_space<hbm>> -> memref<62528xf32, #tpu.memory_space<hbm>>
        %dma_wait3A_421 = tpu.memref_slice %arg3[%mul3A_0] : memref<1000000xf32, #tpu.memory_space<hbm>> -> memref<62528xf32, #tpu.memory_space<hbm>>
        tpu.wait_dma2 semaphore(%run_scoped3A : memref<!tpu.dma_semaphore, #tpu.memory_space<semaphore_mem>>) src(%arg4 : memref<62528xf32, #tpu.memory_space<vmem>>) dst(%dma_wait3A_421 : memref<62528xf32, #tpu.memory_space<hbm>>)
        tpu.yield
      }) : () -> ()
    } else {
    }
    return
  }
}

</mosaic_0001>

<sc_bundles>
// kernel: kernel.3.cloned.1.call-start
scs
__scs_entry_jumppad:
0x0: {  	(pc) =	sbr.rel $0x88, $3  }
0x1: {  	(tag) =	ssettag $0x0;
	lr =	simm.s32 $0x1  }
0x2: {  	[smem:$0x3FA0] =	sst lr;
	_ =	strace $0xD0000000  }
0x3: {  	_ = 	snop  }
0x4: {  	_ = 	snop  }
0x5: {  	_ = 	snop  }
0x6: {  	_ = 	snop  }
0x7: {  	_ = 	snop  }
__scs_overlays_trampoline_lowered:
0x8: {  	[smem:$0x3FAF] =	sst s0  }
0x9: {  	[smem:$0x3FB0] =	sst s1  }
0xa: {  	[smem:$0x3FB1] =	sst s2  }
0xb: {  	[smem:$0x3FB2] =	sst s3  }
0xc: {  	[smem:$0x3FB3] =	sst s4  }
0xd: {  	[smem:$0x3FB4] =	sst s5  }
0xe: {  	[smem:$0x3FB5] =	sst s6  }
0xf: {  	[smem:$0x3FB6] =	sst s7  }
0x10: {  	[smem:$0x3FB7] =	sst s8  }
0x11: {  	[smem:$0x3FB8] =	sst s9;
	s0 =	simm.s32 @!p0 $0x0  }
0x12: {  	s1 =	sld [smem:$0x3F9E];
	s0 =	simm.s32 @p0 $0x1  }
0x13: {  	[smem:$0x3FB9] =	sst s0;
	s0 =	simm.s32 @!p1 $0x0  }
0x14: {  	s2 =	sld [smem:$0x3F9D];
	s0 =	simm.s32 @p1 $0x1  }
0x15: {  	[smem:$0x3FBA] =	sst s0;
	s0 =	simm.s32 @!p2 $0x0  }
0x16: {  	s3 =	sld [smem:$0x3FDB];
	s0 =	simm.s32 @p2 $0x1  }
0x17: {  	s4 =	simm.s32 $0x1BF5;
	[smem:$0x3FBC] =	sst s0  }
0x18: {  	s0 =	sld [smem:$0x3F9F];
	_ =	swait.ge [sflag:s4], $0x0  }
0x19: {  	s7 =	sld [smem:$0x3FA0]  }
0x1a: {  	s8 =	sadd.s32 $0xFFFFE003, lr  }
0x1b: {  	s9 =	sadd.s32 $0xFFFFFEF7, lr;
	s5 =	simm.s32 $0xFFFFFFFF;
	p2 =	slt.u32 s8, $0xFFFFF086  }
0x1c: {  	p1 =	slt.u32 s9, $0xF7A;
	s5 =	simm.s32 @!p2 $0x0  }
0x1d: {  	s5 =	simm.s32 @p1 $0x1;
	p0 =	seq.s32 s7, s2  }
0x1e: {  	s7 =	smul.u32 @!p0 $0xF7A, s2;
	p2 =	seq.s32 @!p0 s5, $0x0  }
0x1f: {  	s9 =	smul.u32 $0xF7A, s1;
	s8 =	simm.s32 @!p0 $0x1BF5;
	p2 =	por !p2, p0  }
0x20: {  	[sflag:s8] =	ssyncset.s32 @!p0 $0xFFFFF086;
	s6 =	sadd.s32 @!p0 s3, s7;
	s7 =	simm.s32 @!p0 $0x108  }
0x21: {  	s3 =	sadd.s32 s3, s9;
	s6 =	sadd.s32 @!p0 $0x88, s6;
	s7 =	simm.s32 @p2 $0x1082  }
0x22: {  	[simem:s7], [sflag:s8] =	dma.local @!p0 [hbm:s6], $0xF7A  }
0x23: {  	s9 =	sor.u32 $0xD0000000, s2;
	s6 =	simm.s32 $0x108;
	_ =	swait.ge @!p0 [sflag:s8], $0x0  }
0x24: {  	s3 =	sadd.s32 $0x88, s3;
	s6 =	simm.s32 @!p1 $0x1082;
	[sflag:s4] =	ssyncset.s32 $0xFFFFF086  }
0x25: {  	[simem:s6], [sflag:s4] =	dma.local [hbm:s3], $0xF7A  }
0x26: {  	[smem:$0x3FA0] =	sst s1;
	(tag) =	ssettag s2;
	_ =	strace s9  }
0x27: {  	s1 =	sld [smem:$0x3FB0]  }
0x28: {  	s2 =	sld [smem:$0x3FB1]  }
0x29: {  	s4 =	sld [smem:$0x3FB3]  }
0x2a: {  	p0 =	seq.s32 s5, $0x0;
	s5 =	sld [smem:$0x3FB4]  }
0x2b: {  	s6 =	sld [smem:$0x3FB5]  }
0x2c: {  	s7 =	sld [smem:$0x3FB6]  }
0x2d: {  	s3 =	simm.s32 $0x108;
	s8 =	sld [smem:$0x3FB7]  }
0x2e: {  	s3 =	simm.s32 @!p0 $0x1082;
	s9 =	sld [smem:$0x3FB8]  }
0x2f: {  	lr =	sadd.s32 s0, s3;
	s0 =	sld [smem:$0x3FAF]  }
0x30: {  	s3 =	sld [smem:$0x3FB2]  }
0x31: {  	[smem:$0x3FBB] =	sst s10  }
0x32: {  	s10 =	sld [smem:$0x3FB9];
	_ =	sdelay $0x3  }
0x33: {  	p0 =	seq.s32 s10, $0x1;
	s10 =	sld [smem:$0x3FBB];
	_ =	sdelay $0x3  }
0x34: {  	[smem:$0x3FBB] =	sst s10  }
0x35: {  	s10 =	sld [smem:$0x3FBA];
	_ =	sdelay $0x3  }
0x36: {  	p1 =	seq.s32 s10, $0x1;
	s10 =	sld [smem:$0x3FBB];
	_ =	sdelay $0x3  }
0x37: {  	[smem:$0x3FBB] =	sst s10  }
0x38: {  	s10 =	sld [smem:$0x3FBC]  }
0x39: {  	_ = 	snop;
	(pc) =	sbr.ind lr, $3  }
0x3a: {  	_ = 	snop  }
0x3b: {  	_ = 	snop  }
0x3c: {  	p2 =	seq.s32 s10, $0x1;
	s10 =	sld [smem:$0x3FBB]  }
0x3d: {  	_ =	shalt  }
0x3e: {  	_ =	shalt  }
0x3f: {  	_ =	shalt  }
0x40: {  	_ =	shalt  }
0x41: {  	_ =	shalt  }
0x42: {  	_ =	shalt  }
0x43: {  	_ =	shalt  }
0x44: {  	_ =	shalt  }
0x45: {  	_ =	shalt  }
0x46: {  	_ =	shalt  }
0x47: {  	_ =	shalt  }
0x48: {  	_ =	shalt  }
0x49: {  	_ =	shalt  }
0x4a: {  	_ =	shalt  }
0x4b: {  	_ =	shalt  }
0x4c: {  	_ =	shalt  }
0x4d: {  	_ =	shalt  }
0x4e: {  	_ =	shalt  }
0x4f: {  	_ =	shalt  }
0x50: {  	_ =	shalt  }
0x51: {  	_ =	shalt  }
0x52: {  	_ =	shalt  }
0x53: {  	_ =	shalt  }
0x54: {  	_ =	shalt  }
0x55: {  	_ =	shalt  }
0x56: {  	_ =	shalt  }
0x57: {  	_ =	shalt  }
0x58: {  	_ =	shalt  }
0x59: {  	_ =	shalt  }
0x5a: {  	_ =	shalt  }
0x5b: {  	_ =	shalt  }
0x5c: {  	_ =	shalt  }
0x5d: {  	_ =	shalt  }
0x5e: {  	_ =	shalt  }
0x5f: {  	_ =	shalt  }
0x60: {  	_ =	shalt  }
0x61: {  	_ =	shalt  }
0x62: {  	_ =	shalt  }
0x63: {  	_ =	shalt  }
0x64: {  	_ =	shalt  }
0x65: {  	_ =	shalt  }
0x66: {  	_ =	shalt  }
0x67: {  	_ =	shalt  }
0x68: {  	_ =	shalt  }
0x69: {  	_ =	shalt  }
0x6a: {  	_ =	shalt  }
0x6b: {  	_ =	shalt  }
0x6c: {  	_ =	shalt  }
0x6d: {  	_ =	shalt  }
0x6e: {  	_ =	shalt  }
0x6f: {  	_ =	shalt  }
0x70: {  	_ =	shalt  }
0x71: {  	_ =	shalt  }
0x72: {  	_ =	shalt  }
0x73: {  	_ =	shalt  }
0x74: {  	_ =	shalt  }
0x75: {  	_ =	shalt  }
0x76: {  	_ =	shalt  }
0x77: {  	_ =	shalt  }
0x78: {  	_ =	shalt  }
0x79: {  	_ =	shalt  }
0x7a: {  	_ =	shalt  }
0x7b: {  	_ =	shalt  }
0x7c: {  	_ =	shalt  }
0x7d: {  	_ =	shalt  }
0x7e: {  	_ =	shalt  }
0x7f: {  	_ =	shalt  }
0x80: {  	_ =	shalt  }
0x81: {  	_ =	shalt  }
0x82: {  	_ =	shalt  }
0x83: {  	_ =	shalt  }
0x84: {  	_ =	shalt  }
0x85: {  	_ =	shalt  }
0x86: {  	_ =	shalt  }
0x87: {  	_ =	shalt  }
.Lfunc_end0:
.L_simem_size_0:
called_computation_lowered:
.L_overlay_start_0:
0x88: {  	s0 =	sld [smem:$0x3FD9]  }
0x89: {  	s1 =	sld [smem:$0x3FFE];
	_ =	sdelay $0x3  }
0x8a: {  	s0 =	sadd.s32 s1, s0  }
0x8b: {  	[smem:$0x3FC7] =	sst s0  }
0x8c: {  	_ = 	snop  }
0x8d: {  	(tm) =	ssettm $0x1  }
0x8e: {  	s15 =	sld [smem:$0x3FFB];
	_ =	sdelay $0x3  }
0x8f: {  	_ =	strace s15  }
0x90: {  	s0 =	sld [smem:$0x3FFC];
	_ =	sdelay $0x3  }
0x91: {  	_ =	strace s0  }
0x92: {  	s0 =	sld [smem:$0x3FFD];
	_ =	sdelay $0x3  }
0x93: {  	_ =	strace s0  }
0x94: {  	_ =	strace $0x8FFFFFFF  }
0x95: {  	s16 =	sld [smem:$0x3FDB];
	_ =	sdelay $0x1  }
0x96: {  	s17 =	simm.s32 $_scs_section_size  }
0x97: {  	s2 =	simm.s32 $_size__tile_overlayer_lowered;
	s3 =	simm.s32 $_tile_overlayer_lowered  }
0x98: {  	s20 =	simm.s32 $0x1BFF;
	s19 =	sshll.u32 s3, $0x1;
	s0 =	sadd.s32 s17, s16  }
0x99: {  	s4 =	simm.s32 $0x0;
	s18 =	sshll.u32 s2, $0x1;
	s2 =	sadd.s32 s19, s0  }
0x9a: {  	[timem:s4], [sflag:s20] =	dma.local [hbm:s2], s18  }
0x9b: {  	_ =	swait.ge [sflag:s20], s18  }
0x9c: {  	s1 =	ssub.s32 $0x0, s18;
	[sflag:s20] =	ssyncset.done $0x0  }
0x9d: {  	[sflag:s20] =	ssyncadd.s32 s1;
	_ =	sdelay $0x1  }
0x9e: {  	s21 =	simm.s32 $0x1B8B  }
0x9f: {  	_ =	swait.ge [sflag:s21], $0x1  }
0xa0: {  	[sflag:s21] =	ssyncset.done $0x0  }
0xa1: {  	s23 =	simm.s32 $0x1B8E;
	s22 =	sld [smem:$0x3FFE];
	[sflag:s21] =	ssyncadd.s32 $0xFFFFFFFF  }
0xa2: {  	s24 =	simm.s32 $execute0_lowered;
	[smem:$0x3FD2] =	sst s23  }
0xa3: {  	s2 =	sshll.u32 s24, $0x1;
	_ =	strace $0x80000046;
	[dreg:$0x1] =	wrdreg $0xFFFFFFFF  }
0xa4: {  	s25 =	simm.s32 $_size_execute0_lowered;
	s0 =	sadd.s32 s0, s2;
	[dreg:$0x0] =	wrdreg $0x0  }
0xa5: {  	s2 =	sshll.u32 s25, $0x1;
	[dreg:$0x2] =	wrdreg s0  }
0xa6: {  	[dreg:$0x3] =	wrdreg s2  }
0xa7: {  	[dreg:$0x4] =	wrdreg $0xC0  }
0xa8: {  	_ =	task [dreg:s4], $0x5FFFF  }
0xa9: {  	[dreg:$0x1] =	wrdreg $0xFFFFFFFF  }
0xaa: {  	[dreg:$0x0] =	wrdreg $0x60  }
0xab: {  	[dreg:$0x2] =	wrdreg s22  }
0xac: {  	[dreg:$0x3] =	wrdreg $0x134800  }
0xad: {  	[dreg:$0x4] =	wrdreg $0x9  }
0xae: {  	_ =	task.clear_ibuf [dreg:s4], $0x5FFFF;
	_ =	strace $0x90000046  }
0xaf: {  	s26 =	simm.s32 $0x9;
	_ =	strace $0x80000048  }
0xb0: {  	_ =	swait.ge [sflag:s26], $0x1  }
0xb1: {  	[sflag:s26] =	ssyncadd.s32 $0xFFFFFFFF  }
0xb2: {  	_ =	strace $0x90000048  }
0xb3: {  	_ =	sfence  }
0xb4: {  	s28 =	sld [smem:$0x0];
	_ =	sdelay $0x1  }
0xb5: {  	s29 =	srdreg.scid  }
0xb6: {  	s30 =	sshll.u32 s29, $0xD;
	s31 =	sshrl.u32 s29, $0x2  }
0xb7: {  	s1 =	sand.u32 $0x1, s29;
	s2 =	sand.u32 $0x4000, s30;
	s0 =	sadd.s32 s31, s28  }
0xb8: {  	s1 =	sor.u32 s2, s1;
	s0 =	sshll.u32 s0, $0x11  }
0xb9: {  	s0 =	sor.u32 s0, s1  }
0xba: {  	s0 =	sadd.s32 $0x8F2B, s0  }
0xbb: {  	[sflag:s0] =	ssyncadd.remote.s32 $0x1  }
0xbc: {  	_ =	sfence.sel $0xFFFF  }
0xbd: {  	[dreg:$0x0] =	wrdreg $0xFFFFFFFF;
	(pc) =	sbr.abs _section_cstart, $3  }
0xbe: {  	[dreg:$0x1] =	wrdreg $0xFFFFFFFF  }
0xbf: {  	_ =	task.clear_ibuf [dreg:s4], $0x2FFFF;
	_ =	strace $0x9FFFFFFF  }
0xc0: {  	(tm) =	ssettm $0x7FFFFFFF  }
0xc1: {  	_ =	shalt  }
tec
execute0_lowered:
.L_overlay_start_1:
0x0: {  	(tag) =	ssettag $0x1  }
0x1: {  	s3 =	rddreg [dreg:$0x0]  }
0x2: {  	s4 =	rddreg [dreg:$0x1]  }
0x3: {  	s1 =	stileid.u32;
	s0 =	rddreg [dreg:$0x2];
	s2 =	simm.s32 $0x0  }
0x4: {  	s6 =	smul.u32 $0x1E88, s1;
	[smem:$0x7FF] =	sst s2  }
0x5: {  	p0 =	sne.s32 s1, $0xF;
	p1 =	seq.s32 s1, $0xF;
	s2 =	simm.s32 $0xF28  }
0x6: {  	s7 =	sshll.u32 s1, $0xC;
	s9 =	sadd.s32 $0x1, s1;
	s21 =	sshll.u32 s1, $0x7  }
0x7: {  	s22 =	sadd.s32 $0x2, s1;
	s12 =	sadd.s32 $0x3, s1;
	s29 =	sadd.s32 $0x4, s1  }
0x8: {  	s31 =	sadd.s32 $0x5, s1;
	s14 =	sadd.s32 $0x6, s1;
	_ =	strace $0x80000047  }
0x9: {  	s2 =	simm.s32 @!p1 $0xF44;
	s8 =	sand.u32 $0x8000, s7;
	s10 =	sshll.u32 s9, $0xC  }
0xa: {  	s7 =	sand.u32 $0x380, s21;
	s9 =	sshll.u32 s9, $0x7;
	s23 =	sshll.u32 s22, $0xC  }
0xb: {  	p1 =	sne.s32 @p0 s1, $0x0;
	s26 =	sshll.u32 s12, $0xC;
	s28 =	sshll.u32 s12, $0x7  }
0xc: {  	s30 =	sshll.u32 s29, $0xC;
	s12 =	sshll.u32 s31, $0xC;
	s13 =	sshll.u32 s31, $0x7  }
0xd: {  	s15 =	sshll.u32 s14, $0xC;
	s31 =	sadd.s32 $0xB, s1;
	s5 =	sadd.s32 s6, s3  }
0xe: {  	s10 =	sand.u32 $0x8000, s10;
	s11 =	sadd.s32 s8, s4;
	s9 =	sand.u32 $0x380, s9  }
0xf: {  	s6 =	sadd.s32 @p0 s3, s6;
	s24 =	sand.u32 $0x8000, s23;
	p1 =	por p1, !p0  }
0x10: {  	s8 =	sxor.u32 $0x8000, s8;
	s10 =	sadd.s32 s10, s4;
	s20 =	sadd.s32 s7, s11  }
0x11: {  	s11 =	simm.s32 @p0 $0x0;
	s25 =	sadd.s32 s24, s4;
	s8 =	sadd.s32 s8, s4  }
0x12: {  	[tilespmem:s11], [sflag:$0x2] =	stream.linear.gather @p0 [hbm4b:s6+s11], $0xF440, $0x38;
	[tilespmem:$0x14480] =	vst v63  }
0x13: {  	s19 =	sadd.s32 s9, s10;
	s9 =	sshll.u32 s22, $0x7;
	s10 =	simm.s32 @p0 $0x2  }
0x14: {  	s6 =	simm.s32 @!p1 $0x0;
	s22 =	sadd.s32 $0x7, s1;
	s9 =	sand.u32 $0x380, s9  }
0x15: {  	_ =	swait.ge @p0 [sflag:s10], $0xF440;
	s23 =	sshll.u32 s22, $0xC;
	s24 =	sshll.u32 s22, $0x7  }
0x16: {  	s22 =	sadd.s32 $0xC, s1;
	[sflag:s10] =	ssyncset.done @p0 $0x0;
	s21 =	sadd.s32 s9, s25  }
0x17: {  	s9 =	sand.u32 $0x8000, s26;
	s25 =	sadd.s32 $0x9, s1;
	[sflag:s10] =	ssyncadd.s32 @p0 $0xFFFF0BC0  }
0x18: {  	s10 =	sand.u32 $0x380, s28;
	s9 =	sadd.s32 s9, s4;
	s26 =	sshll.u32 s25, $0xC  }
0x19: {  	s28 =	sshll.u32 s25, $0x7;
	[smem:$0x0] =	sst @!p1 s6;
	s18 =	sadd.s32 s10, s9  }
0x1a: {  	s9 =	sshll.u32 s29, $0x7;
	s10 =	sand.u32 $0x8000, s30;
	s29 =	sadd.s32 $0xA, s1  }
0x1b: {  	[smem:$0x1] =	sst @!p1 s6;
	s9 =	sand.u32 $0x380, s9;
	s10 =	sadd.s32 s10, s4  }
0x1c: {  	s30 =	sshll.u32 s29, $0xC;
	[smem:$0x2] =	sst @!p1 s6;
	s17 =	sadd.s32 s9, s10  }
0x1d: {  	s9 =	sand.u32 $0x8000, s12;
	s10 =	sand.u32 $0x380, s13;
	s13 =	sadd.s32 s7, s8  }
0x1e: {  	s7 =	sand.u32 $0x8000, s26;
	s8 =	sand.u32 $0x380, s28;
	[smem:$0x3] =	sst @!p1 s6  }
0x1f: {  	s9 =	sadd.s32 s9, s4;
	s7 =	sadd.s32 s7, s4;
	[smem:$0x4] =	sst @!p1 s6  }
0x20: {  	s16 =	sadd.s32 s10, s9;
	s9 =	sshll.u32 s14, $0x7;
	s10 =	sand.u32 $0x8000, s15  }
0x21: {  	s12 =	sadd.s32 s8, s7;
	s7 =	sshll.u32 s29, $0x7;
	s8 =	sand.u32 $0x8000, s30  }
0x22: {  	[smem:$0x5] =	sst @!p1 s6;
	s9 =	sand.u32 $0x380, s9;
	s10 =	sadd.s32 s10, s4  }
0x23: {  	s7 =	sand.u32 $0x380, s7;
	s8 =	sadd.s32 s8, s4;
	[smem:$0x6] =	sst @!p1 s6  }
0x24: {  	s15 =	sadd.s32 s9, s10;
	s9 =	sand.u32 $0x8000, s23;
	s10 =	sand.u32 $0x380, s24  }
0x25: {  	s11 =	sadd.s32 s7, s8;
	s8 =	sshll.u32 s31, $0xC;
	s23 =	sshll.u32 s22, $0xC  }
0x26: {  	[smem:$0x7] =	sst @!p1 s6;
	s9 =	sadd.s32 s9, s4;
	s7 =	sand.u32 $0x8000, s8  }
0x27: {  	[smem:$0x8] =	sst @!p1 s6;
	s14 =	sadd.s32 s10, s9;
	s10 =	sshll.u32 s31, $0x7  }
0x28: {  	s7 =	sadd.s32 s7, s4;
	[smem:$0x9] =	sst @!p1 s6;
	s8 =	sand.u32 $0x380, s10  }
0x29: {  	s9 =	sadd.s32 @!p0 $0x1C9F8, s3;
	[smem:$0xA] =	sst @!p1 s6;
	s10 =	sadd.s32 s8, s7  }
0x2a: {  	s7 =	sshll.u32 s22, $0x7;
	s22 =	simm.s32 @!p0 $0x0;
	[smem:$0xB] =	sst @!p1 s6  }
0x2b: {  	[tilespmem:s22], [sflag:$0x2] =	stream.linear.gather @!p0 [hbm4b:s9+s22], $0xF280, $0x38;
	[tilespmem:$0x14480] =	vst v63  }
0x2c: {  	[smem:$0xC] =	sst @!p1 s6  }
0x2d: {  	[smem:$0xD] =	sst @!p1 s6  }
0x2e: {  	[smem:$0xE] =	sst @!p1 s6  }
0x2f: {  	[smem:$0xF] =	sst @!p1 s6  }
0x30: {  	[smem:$0x10] =	sst @!p1 s6  }
0x31: {  	[smem:$0x11] =	sst @!p1 s6  }
0x32: {  	[smem:$0x12] =	sst @!p1 s6  }
0x33: {  	[smem:$0x13] =	sst @!p1 s6  }
0x34: {  	[smem:$0x14] =	sst @!p1 s6  }
0x35: {  	[smem:$0x15] =	sst @!p1 s6  }
0x36: {  	[smem:$0x16] =	sst @!p1 s6  }
0x37: {  	[smem:$0x17] =	sst @!p1 s6  }
0x38: {  	[smem:$0x18] =	sst @!p1 s6  }
0x39: {  	[smem:$0x19] =	sst @!p1 s6  }
0x3a: {  	[smem:$0x1A] =	sst @!p1 s6  }
0x3b: {  	[smem:$0x1B] =	sst @!p1 s6  }
0x3c: {  	[smem:$0x1C] =	sst @!p1 s6  }
0x3d: {  	[smem:$0x1D] =	sst @!p1 s6  }
0x3e: {  	[smem:$0x1E] =	sst @!p1 s6  }
0x3f: {  	[smem:$0x1F] =	sst @!p1 s6  }
0x40: {  	s5 =	sadd.s32 $0x1EA00, s5;
	s29 =	sadd.s32 $0xE, s1;
	[smem:$0x20] =	sst @!p1 s6  }
0x41: {  	s24 =	sadd.s32 $0xD, s1;
	[smem:$0x21] =	sst @!p1 s6;
	s6 =	simm.s32 @!p0 $0x2  }
0x42: {  	s30 =	sshll.u32 s29, $0xC;
	s26 =	sshll.u32 s24, $0x7;
	_ =	swait.ge @!p0 [sflag:s6], $0xF280  }
0x43: {  	s28 =	sand.u32 $0x380, s26;
	s31 =	sadd.s32 $0xF, s1;
	[sflag:s6] =	ssyncset.done @!p0 $0x0  }
0x44: {  	v0 =	vimm.s32 $0x0;
	s3 =	sadd.s32 $0x3B3F8, s3;
	s22 =	simm.s32 $0xF4C0;
	[sflag:s6] =	ssyncadd.s32 @!p0 $0xFFFF0D80  }
0x45: {  	s8 =	sand.u32 $0x8000, s23;
	s23 =	sshll.u32 s24, $0xC;
	s24 =	sshll.u32 s31, $0xC;
	[tilespmem:s22+$0xFFFFFFC0] =	vst v0  }
0x46: {  	s7 =	sand.u32 $0x380, s7;
	s8 =	sadd.s32 s8, s4;
	s25 =	sand.u32 $0x8000, s23;
	[tilespmem:s22+$0x30] =	vst v0  }
0x47: {  	s23 =	sshll.u32 s29, $0x7;
	s24 =	sand.u32 $0x8000, s24;
	s9 =	sadd.s32 s7, s8;
	[tilespmem:s22+$0x20] =	vst v0  }
0x48: {  	s7 =	sadd.s32 s25, s4;
	s23 =	sand.u32 $0x380, s23;
	s24 =	sadd.s32 s24, s4;
	[tilespmem:s22+$0x10] =	vst v0  }
0x49: {  	s8 =	sadd.s32 s28, s7;
	s7 =	sshll.u32 s31, $0x7;
	s6 =	sand.u32 $0x8000, s30;
	[tilespmem:s22+$0x0] =	vst v0  }
0x4a: {  	s25 =	sand.u32 $0x380, s7;
	s6 =	sadd.s32 s6, s4;
	s4 =	sand.u32 $0xF68, s2;
	[tilespmem:s22+$0xFFFFFFF0] =	vst v0  }
0x4b: {  	[tilespmem:s22+$0xFFFFFFE0] =	vst v0;
	s7 =	sadd.s32 s23, s6;
	s6 =	sadd.s32 s25, s24;
	s23 =	simm.s32 $0x0  }
.LBB2_1:
0x4c: {  	s23 =	sadd.s32 $0x8, s23;
	[tilespmem:s22+$0xFFFFFFD0] =	vst v0;
	s22 =	sadd.s32 $0x80, s22  }
0x4d: {  	[tilespmem:s22+$0xFFFFFFC0] =	vst v0;
	p1 =	slt.u32 s23, $0xF8  }
0x4e: {  	[tilespmem:s22+$0x30] =	vst v0  }
.Ltmp0:
0x4f: {  	[tilespmem:s22+$0x20] =	vst v0;
	(pc) =	sbr.rel @p1 .LBB2_1-.Ltmp0, $4  }
0x50: {  	[tilespmem:s22+$0x10] =	vst v0  }
0x51: {  	[tilespmem:s22+$0x0] =	vst v0  }
0x52: {  	[tilespmem:s22+$0xFFFFFFF0] =	vst v0  }
0x53: {  	[tilespmem:s22+$0xFFFFFFE0] =	vst v0  }
0x54: {  	[tilespmem:s22+$0xFFFFFFD0] =	vst v0;
	s22 =	simm.s32 $0x124C0;
	v0 =	vimm.f32 $0.0e+00  }
0x55: {  	[tilespmem:s22+$0xFFFFFFC0] =	vst v0  }
0x56: {  	[tilespmem:s22+$0x30] =	vst v0  }
0x57: {  	[tilespmem:s22+$0x20] =	vst v0  }
0x58: {  	[tilespmem:s22+$0x10] =	vst v0  }
0x59: {  	[tilespmem:s22+$0x0] =	vst v0  }
0x5a: {  	[tilespmem:s22+$0xFFFFFFF0] =	vst v0  }
0x5b: {  	s23 =	simm.s32 $0x0;
	[tilespmem:s22+$0xFFFFFFE0] =	vst v0  }
.LBB2_3:
0x5c: {  	s23 =	sadd.s32 $0x8, s23;
	[tilespmem:s22+$0xFFFFFFD0] =	vst v0;
	s22 =	sadd.s32 $0x80, s22  }
0x5d: {  	[tilespmem:s22+$0xFFFFFFC0] =	vst v0;
	p1 =	slt.u32 s23, $0xF8  }
0x5e: {  	[tilespmem:s22+$0x30] =	vst v0  }
.Ltmp1:
0x5f: {  	[tilespmem:s22+$0x20] =	vst v0;
	(pc) =	sbr.rel @p1 .LBB2_3-.Ltmp1, $4  }
0x60: {  	[tilespmem:s22+$0x10] =	vst v0  }
0x61: {  	[tilespmem:s22+$0x0] =	vst v0  }
0x62: {  	[tilespmem:s22+$0xFFFFFFF0] =	vst v0  }
0x63: {  	[tilespmem:s22+$0xFFFFFFE0] =	vst v0  }
0x64: {  	[tilespmem:s22+$0xFFFFFFD0] =	vst v0;
	s23 =	simm.s32 $0x40  }
0x65: {  	v2 =	vld [tilespmem:s23+$0x30]  }
0x66: {  	v3 =	vld [tilespmem:s23+$0xFFFFFFD0]  }
0x67: {  	v4 =	vld [tilespmem:s23+$0xFFFFFFE0]  }
0x68: {  	v5 =	vld [tilespmem:s23+$0xFFFFFFF0]  }
0x69: {  	v6 =	vld [tilespmem:s23+$0x0]  }
0x6a: {  	v7 =	vld [tilespmem:s23+$0x10]  }
0x6b: {  	v2 =	vmul.f32 $2.560000000e+02, v2  }
0x6c: {  	v8 =	vld [tilespmem:s23+$0x20];
	v3 =	vmul.f32 $2.560000000e+02, v3  }
0x6d: {  	v9 =	vld [tilespmem:s23+$0xFFFFFFC0];
	v4 =	vmul.f32 $2.560000000e+02, v4;
	v2 =	vtrunc.f32 v2  }
0x6e: {  	v5 =	vmul.f32 $2.560000000e+02, v5;
	v2 =	vcvt.f32.s32 v2  }
0x6f: {  	v1 =	vlaneseq.u32;
	p1 =	sgt.u32 s4, $0x8;
	v6 =	vmul.f32 $2.560000000e+02, v6;
	v11 =	vmul.f32 $2.560000000e+02, v7  }
.Ltmp2:
0x70: {  	v10 =	vtrunc.f32 v3;
	v3 =	vtrunc.f32 v4;
	v2 =	vshll.u32 v2, $0x4;
	(pc) =	sbr.rel @!p1 .LBB2_6-.Ltmp2, $4  }
0x71: {  	v4 =	vtrunc.f32 v5;
	v5 =	vmul.f32 $2.560000000e+02, v8;
	v2 =	vor.u32 v1, v2  }
0x72: {  	v8 =	vmul.f32 $2.560000000e+02, v9;
	v7 =	vtrunc.f32 v6  }
0x73: {  	v6 =	vtrunc.f32 v11;
	v5 =	vtrunc.f32 v5  }
0x74: {  	v0 =	vimm.s32 $0x1;
	s22 =	simm.s32 $0xF480;
	s24 =	simm.s32 $0xC0;
	s23 =	simm.s32 $0x8;
	v9 =	vtrunc.f32 v8;
	v8 =	vcvt.f32.s32 v10  }
.LBB2_5:
0x75: {  	v10 =	vld [tilespmem:s24+$0x30];
	v9 =	vcvt.f32.s32 v9;
	v3 =	vcvt.f32.s32 v3  }
0x76: {  	s23 =	sadd.s32 $0x8, s23;
	v4 =	vcvt.f32.s32 v4;
	v7 =	vcvt.f32.s32 v7;
	v8 =	vshll.u32 v8, $0x4;
	[tilespmem:v2+s22+$0x0] =	vst.idx.add.s32.msk $0xffff, v0  }
0x77: {  	v6 =	vcvt.f32.s32 v6;
	v5 =	vcvt.f32.s32 v5;
	p1 =	slt.u32 s23, s4;
	v2 =	vld [tilespmem:s24+$0xFFFFFFD0];
	v9 =	vshll.u32 v9, $0x4  }
0x78: {  	v3 =	vshll.u32 v3, $0x4;
	v4 =	vshll.u32 v4, $0x4;
	v7 =	vshll.u32 v7, $0x4;
	v11 =	vld [tilespmem:s24+$0xFFFFFFE0]  }
0x79: {  	v6 =	vshll.u32 v6, $0x4;
	v5 =	vshll.u32 v5, $0x4;
	v9 =	vor.u32 v1, v9;
	v12 =	vld [tilespmem:s24+$0xFFFFFFF0]  }
0x7a: {  	v8 =	vor.u32 v1, v8;
	v14 =	vor.u32 v1, v3;
	v15 =	vor.u32 v1, v4;
	v13 =	vld [tilespmem:s24+$0x0]  }
0x7b: {  	v16 =	vor.u32 v1, v6;
	v3 =	vmul.f32 $2.560000000e+02, v10;
	v10 =	vor.u32 v1, v7;
	v4 =	vld [tilespmem:s24+$0x10]  }
0x7c: {  	v17 =	vor.u32 v1, v5;
	v2 =	vmul.f32 $2.560000000e+02, v2;
	v6 =	vld [tilespmem:s24+$0x20]  }
0x7d: {  	v3 =	vtrunc.f32 v3;
	v5 =	vld [tilespmem:s24+$0xFFFFFFC0];
	v7 =	vmul.f32 $2.560000000e+02, v11  }
0x7e: {  	v11 =	vmul.f32 $2.560000000e+02, v12;
	v12 =	vcvt.f32.s32 v3;
	[tilespmem:v9+s22+$0x0] =	vst.idx.add.s32.msk $0xffff, v0  }
0x7f: {  	v18 =	vtrunc.f32 v2;
	v9 =	vmul.f32 $2.560000000e+02, v13;
	[tilespmem:v8+s22+$0x0] =	vst.idx.add.s32.msk $0xffff, v0  }
.Ltmp3:
0x80: {  	v3 =	vtrunc.f32 v7;
	v8 =	vmul.f32 $2.560000000e+02, v4;
	v2 =	vshll.u32 v12, $0x4;
	[tilespmem:v14+s22+$0x0] =	vst.idx.add.s32.msk $0xffff, v0;
	(pc) =	sbr.rel @p1 .LBB2_5-.Ltmp3, $4  }
0x81: {  	v4 =	vtrunc.f32 v11;
	v11 =	vmul.f32 $2.560000000e+02, v6;
	v2 =	vor.u32 v1, v2;
	[tilespmem:v15+s22+$0x0] =	vst.idx.add.s32.msk $0xffff, v0  }
0x82: {  	v7 =	vtrunc.f32 v9;
	v12 =	vmul.f32 $2.560000000e+02, v5;
	[tilespmem:v10+s22+$0x0] =	vst.idx.add.s32.msk $0xffff, v0  }
0x83: {  	v6 =	vtrunc.f32 v8;
	v5 =	vtrunc.f32 v11;
	[tilespmem:v16+s22+$0x0] =	vst.idx.add.s32.msk $0xffff, v0  }
0x84: {  	s24 =	sadd.s32 $0x80, s24;
	v8 =	vcvt.f32.s32 v18;
	v9 =	vtrunc.f32 v12;
	[tilespmem:v17+s22+$0x0] =	vst.idx.add.s32.msk $0xffff, v0  }
.LBB2_6:
0x85: {  	v9 =	vcvt.f32.s32 v9  }
0x86: {  	v3 =	vcvt.f32.s32 v3;
	v8 =	vshll.u32 v8, $0x4  }
0x87: {  	v4 =	vcvt.f32.s32 v4;
	v9 =	vshll.u32 v9, $0x4;
	v8 =	vor.u32 v1, v8  }
0x88: {  	v7 =	vcvt.f32.s32 v7;
	v3 =	vshll.u32 v3, $0x4;
	v9 =	vor.u32 v1, v9  }
0x89: {  	v6 =	vcvt.f32.s32 v6;
	v4 =	vshll.u32 v4, $0x4;
	v3 =	vor.u32 v1, v3  }
0x8a: {  	v5 =	vcvt.f32.s32 v5;
	v7 =	vshll.u32 v7, $0x4;
	v4 =	vor.u32 v1, v4  }
0x8b: {  	[tilespmem:v2+s22+$0x0] =	vst.idx.add.s32.msk $0xffff, v0;
	v61 =	vshll.u32 v6, $0x4;
	v62 =	vor.u32 v1, v7  }
0x8c: {  	v5 =	vshll.u32 v5, $0x4;
	v2 =	vor.u32 v1, v61;
	[tilespmem:v8+s22+$0x0] =	vst.idx.add.s32.msk $0xffff, v0  }
0x8d: {  	p1 =	seq.s32 s4, s2;
	v63 =	vor.u32 v1, v5;
	[tilespmem:v9+s22+$0x0] =	vst.idx.add.s32.msk $0xffff, v0  }
.Ltmp4:
0x8e: {  	[tilespmem:v3+s22+$0x0] =	vst.idx.add.s32.msk $0xffff, v0;
	(pc) =	sbr.rel @p1 .LBB2_9-.Ltmp4, $4  }
0x8f: {  	[tilespmem:v4+s22+$0x0] =	vst.idx.add.s32.msk $0xffff, v0  }
0x90: {  	[tilespmem:v62+s22+$0x0] =	vst.idx.add.s32.msk $0xffff, v0  }
0x91: {  	[tilespmem:v2+s22+$0x0] =	vst.idx.add.s32.msk $0xffff, v0  }
0x92: {  	[tilespmem:v63+s22+$0x0] =	vst.idx.add.s32.msk $0xffff, v0  }
0x93: {  	s22 =	sshll.u32 s2, $0x4  }
0x94: {  	v0 =	vlaneseq.u32;
	v1 =	vimm.s32 $0x1;
	s23 =	simm.s32 $0xF480;
	s24 =	smov.u32 s4;
	s22 =	sand.u32 $0xFF80, s22  }
.LBB2_8:
0x95: {  	v2 =	vld [tilespmem:s22+$0x0];
	_ =	sdelay $0x4  }
0x96: {  	v2 =	vmul.f32 $2.560000000e+02, v2;
	_ =	sdelay $0x1  }
0x97: {  	v2 =	vtrunc.f32 v2  }
0x98: {  	v2 =	vcvt.f32.s32 v2;
	_ =	sdelay $0x1  }
0x99: {  	s24 =	sadd.s32 $0x1, s24;
	v2 =	vshll.u32 v2, $0x4  }
0x9a: {  	p2 =	slt.u32 s24, s2;
	v2 =	vor.u32 v0, v2  }
.Ltmp5:
0x9b: {  	_ = 	snop;
	(pc) =	sbr.rel @p2 .LBB2_8-.Ltmp5, $2  }
0x9c: {  	_ =	sdelay $0x2  }
0x9d: {  	s22 =	sadd.s32 $0x10, s22;
	[tilespmem:v2+s23+$0x0] =	vst.idx.add.s32.msk $0xffff, v1  }
.LBB2_9:
0x9e: {  	s22 =	simm.s32 $0x80  }
0x9f: {  	s23 =	simm.s32 $0x400;
	s24 =	simm.s32 $0xF480;
	s28 =	simm.s32 $0x2  }
0xa0: {  	[spmem:s20] =	stream.strided.scatter [tilespmem:s24], [sflag:$0x2], $0x1000, s23, s22, $0x38;
	[tilespmem:$0x14480] =	vst v63  }
0xa1: {  	_ =	swait.ge [sflag:s28], $0x1000  }
0xa2: {  	[sflag:s28] =	ssyncset.done $0x0  }
0xa3: {  	[sflag:s28] =	ssyncadd.s32 $0xFFFFF000  }
0xa4: {  	s29 =	simm.s32 $0x10480;
	s30 =	simm.s32 $0x1;
	[bflag:$0x0] =	sbarrier.arrive $0xFFFF  }
0xa5: {  	[tilespmem:s29], [sflag:$0x1] =	stream.strided.gather [spmem:s19], $0x1000, s23, s22, $0x38;
	[tilespmem:$0x14480] =	vst v63  }
0xa6: {  	_ =	swait.ge [sflag:s30], $0x1000  }
0xa7: {  	[sflag:s30] =	ssyncset.done $0x0  }
0xa8: {  	s31 =	simm.s32 $0x11480;
	s19 =	simm.s32 $0xF4C0;
	[sflag:s30] =	ssyncadd.s32 $0xFFFFF000  }
0xa9: {  	[tilespmem:s31], [sflag:$0x1] =	stream.strided.gather [spmem:s21], $0x1000, s23, s22, $0x38;
	[tilespmem:$0x14480] =	vst v63  }
0xaa: {  	s20 =	simm.s32 $0x104C0;
	v1 =	vld [tilespmem:s19+$0x30]  }
0xab: {  	v2 =	vld [tilespmem:s20+$0x30]  }
0xac: {  	v0 =	vld [tilespmem:s20+$0xFFFFFFC0]  }
0xad: {  	v3 =	vld [tilespmem:s19+$0xFFFFFFD0]  }
0xae: {  	v4 =	vld [tilespmem:s20+$0xFFFFFFD0]  }
0xaf: {  	v5 =	vld [tilespmem:s19+$0xFFFFFFE0]  }
0xb0: {  	v6 =	vld [tilespmem:s20+$0xFFFFFFE0]  }
0xb1: {  	v7 =	vld [tilespmem:s19+$0xFFFFFFF0]  }
0xb2: {  	v8 =	vld [tilespmem:s20+$0xFFFFFFF0]  }
0xb3: {  	v9 =	vld [tilespmem:s19+$0x0]  }
0xb4: {  	v10 =	vld [tilespmem:s20+$0x0]  }
0xb5: {  	v2 =	vadd.s32 v1, v2;
	v1 =	vld [tilespmem:s19+$0x10]  }
0xb6: {  	[tilespmem:s19+$0x30] =	vst v2;
	v2 =	vadd.s32 v3, v4;
	v3 =	vld [tilespmem:s20+$0x10]  }
0xb7: {  	v4 =	vadd.s32 v5, v6;
	[tilespmem:s19+$0xFFFFFFD0] =	vst v2;
	v2 =	vld [tilespmem:s19+$0x20]  }
0xb8: {  	v5 =	vadd.s32 v7, v8;
	[tilespmem:s19+$0xFFFFFFE0] =	vst v4;
	v4 =	vld [tilespmem:s20+$0x20]  }
0xb9: {  	s21 =	simm.s32 $0x0;
	s22 =	simm.s32 $0xF540;
	v6 =	vadd.s32 v9, v10;
	[tilespmem:s19+$0xFFFFFFF0] =	vst v5;
	v5 =	vld [tilespmem:s19+$0xFFFFFFC0]  }
.LBB2_10:
0xba: {  	v7 =	vld [tilespmem:s22+$0x30];
	[tilespmem:s19+$0x0] =	vst v6;
	s20 =	sadd.s32 $0x80, s20  }
0xbb: {  	s21 =	sadd.s32 $0x8, s21;
	v6 =	vld [tilespmem:s20+$0x30];
	v1 =	vadd.s32 v1, v3  }
0xbc: {  	p2 =	slt.u32 s21, $0xF8;
	v3 =	vld [tilespmem:s20+$0xFFFFFFC0];
	[tilespmem:s19+$0x10] =	vst v1  }
0xbd: {  	v1 =	vld [tilespmem:s22+$0xFFFFFFD0];
	v2 =	vadd.s32 v2, v4  }
0xbe: {  	v4 =	vld [tilespmem:s20+$0xFFFFFFD0];
	v0 =	vadd.s32 v5, v0;
	[tilespmem:s19+$0x20] =	vst v2  }
0xbf: {  	v2 =	vld [tilespmem:s22+$0xFFFFFFE0];
	[tilespmem:s19+$0xFFFFFFC0] =	vst v0;
	s19 =	smov.u32 s22  }
0xc0: {  	v5 =	vld [tilespmem:s20+$0xFFFFFFE0];
	v7 =	vadd.s32 v7, v6  }
0xc1: {  	v6 =	vld [tilespmem:s22+$0xFFFFFFF0];
	[tilespmem:s22+$0x30] =	vst v7;
	v0 =	vmov v3  }
0xc2: {  	v7 =	vld [tilespmem:s20+$0xFFFFFFF0]  }
0xc3: {  	v1 =	vadd.s32 v1, v4;
	v8 =	vld [tilespmem:s22+$0x0]  }
0xc4: {  	[tilespmem:s22+$0xFFFFFFD0] =	vst v1;
	v9 =	vld [tilespmem:s20+$0x0]  }
.Ltmp6:
0xc5: {  	v2 =	vadd.s32 v2, v5;
	v1 =	vld [tilespmem:s22+$0x10];
	(pc) =	sbr.rel @p2 .LBB2_10-.Ltmp6, $4  }
0xc6: {  	[tilespmem:s22+$0xFFFFFFE0] =	vst v2;
	v3 =	vld [tilespmem:s20+$0x10]  }
0xc7: {  	v4 =	vadd.s32 v6, v7;
	v2 =	vld [tilespmem:s22+$0x20]  }
0xc8: {  	[tilespmem:s22+$0xFFFFFFF0] =	vst v4;
	v4 =	vld [tilespmem:s20+$0x20]  }
0xc9: {  	s22 =	sadd.s32 $0x80, s22;
	v5 =	vld [tilespmem:s19+$0xFFFFFFC0];
	v6 =	vadd.s32 v8, v9  }
0xca: {  	_ =	sdelay $0x1  }
0xcb: {  	[tilespmem:s19+$0x0] =	vst v6;
	v1 =	vadd.s32 v1, v3  }
0xcc: {  	[tilespmem:s19+$0x10] =	vst v1;
	v1 =	vadd.s32 v2, v4  }
0xcd: {  	v0 =	vadd.s32 v5, v0;
	[tilespmem:s19+$0x20] =	vst v1  }
0xce: {  	s30 =	simm.s32 $0x1;
	[tilespmem:s19+$0xFFFFFFC0] =	vst v0  }
0xcf: {  	_ =	swait.ge [sflag:s30], $0x1000  }
0xd0: {  	s31 =	simm.s32 $0x80;
	[sflag:s30] =	ssyncset.done $0x0  }
0xd1: {  	s20 =	simm.s32 $0x400;
	s21 =	simm.s32 $0x10480;
	[sflag:s30] =	ssyncadd.s32 $0xFFFFF000  }
0xd2: {  	[tilespmem:s21], [sflag:$0x1] =	stream.strided.gather [spmem:s18], $0x1000, s20, s31, $0x38;
	[tilespmem:$0x14480] =	vst v63  }
0xd3: {  	s18 =	simm.s32 $0xF4C0  }
0xd4: {  	s19 =	simm.s32 $0x114C0;
	v1 =	vld [tilespmem:s18+$0x30]  }
0xd5: {  	v2 =	vld [tilespmem:s19+$0x30]  }
0xd6: {  	v0 =	vld [tilespmem:s19+$0xFFFFFFC0]  }
0xd7: {  	v3 =	vld [tilespmem:s18+$0xFFFFFFD0]  }
0xd8: {  	v4 =	vld [tilespmem:s19+$0xFFFFFFD0]  }
0xd9: {  	v5 =	vld [tilespmem:s18+$0xFFFFFFE0]  }
0xda: {  	v6 =	vld [tilespmem:s19+$0xFFFFFFE0]  }
0xdb: {  	v7 =	vld [tilespmem:s18+$0xFFFFFFF0]  }
0xdc: {  	v8 =	vld [tilespmem:s19+$0xFFFFFFF0]  }
0xdd: {  	v9 =	vld [tilespmem:s18+$0x0]  }
0xde: {  	v10 =	vld [tilespmem:s19+$0x0]  }
0xdf: {  	v2 =	vadd.s32 v1, v2;
	v1 =	vld [tilespmem:s18+$0x10]  }
0xe0: {  	[tilespmem:s18+$0x30] =	vst v2;
	v2 =	vadd.s32 v3, v4;
	v3 =	vld [tilespmem:s19+$0x10]  }
0xe1: {  	v4 =	vadd.s32 v5, v6;
	[tilespmem:s18+$0xFFFFFFD0] =	vst v2;
	v2 =	vld [tilespmem:s18+$0x20]  }
0xe2: {  	v5 =	vadd.s32 v7, v8;
	[tilespmem:s18+$0xFFFFFFE0] =	vst v4;
	v4 =	vld [tilespmem:s19+$0x20]  }
0xe3: {  	s20 =	simm.s32 $0x0;
	s21 =	simm.s32 $0xF540;
	v6 =	vadd.s32 v9, v10;
	[tilespmem:s18+$0xFFFFFFF0] =	vst v5;
	v5 =	vld [tilespmem:s18+$0xFFFFFFC0]  }
.LBB2_12:
0xe4: {  	v7 =	vld [tilespmem:s21+$0x30];
	[tilespmem:s18+$0x0] =	vst v6;
	s19 =	sadd.s32 $0x80, s19  }
0xe5: {  	s20 =	sadd.s32 $0x8, s20;
	v6 =	vld [tilespmem:s19+$0x30];
	v1 =	vadd.s32 v1, v3  }
0xe6: {  	p2 =	slt.u32 s20, $0xF8;
	v3 =	vld [tilespmem:s19+$0xFFFFFFC0];
	[tilespmem:s18+$0x10] =	vst v1  }
0xe7: {  	v1 =	vld [tilespmem:s21+$0xFFFFFFD0];
	v2 =	vadd.s32 v2, v4  }
0xe8: {  	v4 =	vld [tilespmem:s19+$0xFFFFFFD0];
	v0 =	vadd.s32 v5, v0;
	[tilespmem:s18+$0x20] =	vst v2  }
0xe9: {  	v2 =	vld [tilespmem:s21+$0xFFFFFFE0];
	[tilespmem:s18+$0xFFFFFFC0] =	vst v0;
	s18 =	smov.u32 s21  }
0xea: {  	v5 =	vld [tilespmem:s19+$0xFFFFFFE0];
	v7 =	vadd.s32 v7, v6  }
0xeb: {  	v6 =	vld [tilespmem:s21+$0xFFFFFFF0];
	[tilespmem:s21+$0x30] =	vst v7;
	v0 =	vmov v3  }
0xec: {  	v7 =	vld [tilespmem:s19+$0xFFFFFFF0]  }
0xed: {  	v1 =	vadd.s32 v1, v4;
	v8 =	vld [tilespmem:s21+$0x0]  }
0xee: {  	[tilespmem:s21+$0xFFFFFFD0] =	vst v1;
	v9 =	vld [tilespmem:s19+$0x0]  }
.Ltmp7:
0xef: {  	v2 =	vadd.s32 v2, v5;
	v1 =	vld [tilespmem:s21+$0x10];
	(pc) =	sbr.rel @p2 .LBB2_12-.Ltmp7, $4  }
0xf0: {  	[tilespmem:s21+$0xFFFFFFE0] =	vst v2;
	v3 =	vld [tilespmem:s19+$0x10]  }
0xf1: {  	v4 =	vadd.s32 v6, v7;
	v2 =	vld [tilespmem:s21+$0x20]  }
0xf2: {  	[tilespmem:s21+$0xFFFFFFF0] =	vst v4;
	v4 =	vld [tilespmem:s19+$0x20]  }
0xf3: {  	s21 =	sadd.s32 $0x80, s21;
	v5 =	vld [tilespmem:s18+$0xFFFFFFC0];
	v6 =	vadd.s32 v8, v9  }
0xf4: {  	_ =	sdelay $0x1  }
0xf5: {  	[tilespmem:s18+$0x0] =	vst v6;
	v1 =	vadd.s32 v1, v3  }
0xf6: {  	[tilespmem:s18+$0x10] =	vst v1;
	v1 =	vadd.s32 v2, v4  }
0xf7: {  	v0 =	vadd.s32 v5, v0;
	[tilespmem:s18+$0x20] =	vst v1  }
0xf8: {  	s30 =	simm.s32 $0x1;
	[tilespmem:s18+$0xFFFFFFC0] =	vst v0  }
0xf9: {  	_ =	swait.ge [sflag:s30], $0x1000  }
0xfa: {  	s31 =	simm.s32 $0x80;
	[sflag:s30] =	ssyncset.done $0x0  }
0xfb: {  	s19 =	simm.s32 $0x400;
	s20 =	simm.s32 $0x11480;
	[sflag:s30] =	ssyncadd.s32 $0xFFFFF000  }
0xfc: {  	[tilespmem:s20], [sflag:$0x1] =	stream.strided.gather [spmem:s17], $0x1000, s19, s31, $0x38;
	[tilespmem:$0x14480] =	vst v63  }
0xfd: {  	s17 =	simm.s32 $0xF4C0  }
0xfe: {  	s18 =	simm.s32 $0x104C0;
	v1 =	vld [tilespmem:s17+$0x30]  }
0xff: {  	v2 =	vld [tilespmem:s18+$0x30]  }
0x100: {  	v0 =	vld [tilespmem:s18+$0xFFFFFFC0]  }
0x101: {  	v3 =	vld [tilespmem:s17+$0xFFFFFFD0]  }
0x102: {  	v4 =	vld [tilespmem:s18+$0xFFFFFFD0]  }
0x103: {  	v5 =	vld [tilespmem:s17+$0xFFFFFFE0]  }
0x104: {  	v6 =	vld [tilespmem:s18+$0xFFFFFFE0]  }
0x105: {  	v7 =	vld [tilespmem:s17+$0xFFFFFFF0]  }
0x106: {  	v8 =	vld [tilespmem:s18+$0xFFFFFFF0]  }
0x107: {  	v9 =	vld [tilespmem:s17+$0x0]  }
0x108: {  	v10 =	vld [tilespmem:s18+$0x0]  }
0x109: {  	v2 =	vadd.s32 v1, v2;
	v1 =	vld [tilespmem:s17+$0x10]  }
0x10a: {  	[tilespmem:s17+$0x30] =	vst v2;
	v2 =	vadd.s32 v3, v4;
	v3 =	vld [tilespmem:s18+$0x10]  }
0x10b: {  	v4 =	vadd.s32 v5, v6;
	[tilespmem:s17+$0xFFFFFFD0] =	vst v2;
	v2 =	vld [tilespmem:s17+$0x20]  }
0x10c: {  	v5 =	vadd.s32 v7, v8;
	[tilespmem:s17+$0xFFFFFFE0] =	vst v4;
	v4 =	vld [tilespmem:s18+$0x20]  }
0x10d: {  	s19 =	simm.s32 $0x0;
	s20 =	simm.s32 $0xF540;
	v6 =	vadd.s32 v9, v10;
	[tilespmem:s17+$0xFFFFFFF0] =	vst v5;
	v5 =	vld [tilespmem:s17+$0xFFFFFFC0]  }
.LBB2_14:
0x10e: {  	v7 =	vld [tilespmem:s20+$0x30];
	[tilespmem:s17+$0x0] =	vst v6;
	s18 =	sadd.s32 $0x80, s18  }
0x10f: {  	s19 =	sadd.s32 $0x8, s19;
	v6 =	vld [tilespmem:s18+$0x30];
	v1 =	vadd.s32 v1, v3  }
0x110: {  	p2 =	slt.u32 s19, $0xF8;
	v3 =	vld [tilespmem:s18+$0xFFFFFFC0];
	[tilespmem:s17+$0x10] =	vst v1  }
0x111: {  	v1 =	vld [tilespmem:s20+$0xFFFFFFD0];
	v2 =	vadd.s32 v2, v4  }
0x112: {  	v4 =	vld [tilespmem:s18+$0xFFFFFFD0];
	v0 =	vadd.s32 v5, v0;
	[tilespmem:s17+$0x20] =	vst v2  }
0x113: {  	v2 =	vld [tilespmem:s20+$0xFFFFFFE0];
	[tilespmem:s17+$0xFFFFFFC0] =	vst v0;
	s17 =	smov.u32 s20  }
0x114: {  	v5 =	vld [tilespmem:s18+$0xFFFFFFE0];
	v7 =	vadd.s32 v7, v6  }
0x115: {  	v6 =	vld [tilespmem:s20+$0xFFFFFFF0];
	[tilespmem:s20+$0x30] =	vst v7;
	v0 =	vmov v3  }
0x116: {  	v7 =	vld [tilespmem:s18+$0xFFFFFFF0]  }
0x117: {  	v1 =	vadd.s32 v1, v4;
	v8 =	vld [tilespmem:s20+$0x0]  }
0x118: {  	[tilespmem:s20+$0xFFFFFFD0] =	vst v1;
	v9 =	vld [tilespmem:s18+$0x0]  }
.Ltmp8:
0x119: {  	v2 =	vadd.s32 v2, v5;
	v1 =	vld [tilespmem:s20+$0x10];
	(pc) =	sbr.rel @p2 .LBB2_14-.Ltmp8, $4  }
0x11a: {  	[tilespmem:s20+$0xFFFFFFE0] =	vst v2;
	v3 =	vld [tilespmem:s18+$0x10]  }
0x11b: {  	v4 =	vadd.s32 v6, v7;
	v2 =	vld [tilespmem:s20+$0x20]  }
0x11c: {  	[tilespmem:s20+$0xFFFFFFF0] =	vst v4;
	v4 =	vld [tilespmem:s18+$0x20]  }
0x11d: {  	s20 =	sadd.s32 $0x80, s20;
	v5 =	vld [tilespmem:s17+$0xFFFFFFC0];
	v6 =	vadd.s32 v8, v9  }
0x11e: {  	_ =	sdelay $0x1  }
0x11f: {  	[tilespmem:s17+$0x0] =	vst v6;
	v1 =	vadd.s32 v1, v3  }
0x120: {  	[tilespmem:s17+$0x10] =	vst v1;
	v1 =	vadd.s32 v2, v4  }
0x121: {  	v0 =	vadd.s32 v5, v0;
	[tilespmem:s17+$0x20] =	vst v1  }
0x122: {  	s30 =	simm.s32 $0x1;
	[tilespmem:s17+$0xFFFFFFC0] =	vst v0  }
0x123: {  	_ =	swait.ge [sflag:s30], $0x1000  }
0x124: {  	s31 =	simm.s32 $0x80;
	[sflag:s30] =	ssyncset.done $0x0  }
0x125: {  	s18 =	simm.s32 $0x400;
	s19 =	simm.s32 $0x10480;
	[sflag:s30] =	ssyncadd.s32 $0xFFFFF000  }
0x126: {  	[tilespmem:s19], [sflag:$0x1] =	stream.strided.gather [spmem:s16], $0x1000, s18, s31, $0x38;
	[tilespmem:$0x14480] =	vst v63  }
0x127: {  	s16 =	simm.s32 $0xF4C0  }
0x128: {  	s17 =	simm.s32 $0x114C0;
	v1 =	vld [tilespmem:s16+$0x30]  }
0x129: {  	v2 =	vld [tilespmem:s17+$0x30]  }
0x12a: {  	v0 =	vld [tilespmem:s17+$0xFFFFFFC0]  }
0x12b: {  	v3 =	vld [tilespmem:s16+$0xFFFFFFD0]  }
0x12c: {  	v4 =	vld [tilespmem:s17+$0xFFFFFFD0]  }
0x12d: {  	v5 =	vld [tilespmem:s16+$0xFFFFFFE0]  }
0x12e: {  	v6 =	vld [tilespmem:s17+$0xFFFFFFE0]  }
0x12f: {  	v7 =	vld [tilespmem:s16+$0xFFFFFFF0]  }
0x130: {  	v8 =	vld [tilespmem:s17+$0xFFFFFFF0]  }
0x131: {  	v9 =	vld [tilespmem:s16+$0x0]  }
0x132: {  	v10 =	vld [tilespmem:s17+$0x0]  }
0x133: {  	v2 =	vadd.s32 v1, v2;
	v1 =	vld [tilespmem:s16+$0x10]  }
0x134: {  	[tilespmem:s16+$0x30] =	vst v2;
	v2 =	vadd.s32 v3, v4;
	v3 =	vld [tilespmem:s17+$0x10]  }
0x135: {  	v4 =	vadd.s32 v5, v6;
	[tilespmem:s16+$0xFFFFFFD0] =	vst v2;
	v2 =	vld [tilespmem:s16+$0x20]  }
0x136: {  	v5 =	vadd.s32 v7, v8;
	[tilespmem:s16+$0xFFFFFFE0] =	vst v4;
	v4 =	vld [tilespmem:s17+$0x20]  }
0x137: {  	s18 =	simm.s32 $0x0;
	s19 =	simm.s32 $0xF540;
	v6 =	vadd.s32 v9, v10;
	[tilespmem:s16+$0xFFFFFFF0] =	vst v5;
	v5 =	vld [tilespmem:s16+$0xFFFFFFC0]  }
.LBB2_16:
0x138: {  	v7 =	vld [tilespmem:s19+$0x30];
	[tilespmem:s16+$0x0] =	vst v6;
	s17 =	sadd.s32 $0x80, s17  }
0x139: {  	s18 =	sadd.s32 $0x8, s18;
	v6 =	vld [tilespmem:s17+$0x30];
	v1 =	vadd.s32 v1, v3  }
0x13a: {  	p2 =	slt.u32 s18, $0xF8;
	v3 =	vld [tilespmem:s17+$0xFFFFFFC0];
	[tilespmem:s16+$0x10] =	vst v1  }
0x13b: {  	v1 =	vld [tilespmem:s19+$0xFFFFFFD0];
	v2 =	vadd.s32 v2, v4  }
0x13c: {  	v4 =	vld [tilespmem:s17+$0xFFFFFFD0];
	v0 =	vadd.s32 v5, v0;
	[tilespmem:s16+$0x20] =	vst v2  }
0x13d: {  	v2 =	vld [tilespmem:s19+$0xFFFFFFE0];
	[tilespmem:s16+$0xFFFFFFC0] =	vst v0;
	s16 =	smov.u32 s19  }
0x13e: {  	v5 =	vld [tilespmem:s17+$0xFFFFFFE0];
	v7 =	vadd.s32 v7, v6  }
0x13f: {  	v6 =	vld [tilespmem:s19+$0xFFFFFFF0];
	[tilespmem:s19+$0x30] =	vst v7;
	v0 =	vmov v3  }
0x140: {  	v7 =	vld [tilespmem:s17+$0xFFFFFFF0]  }
0x141: {  	v1 =	vadd.s32 v1, v4;
	v8 =	vld [tilespmem:s19+$0x0]  }
0x142: {  	[tilespmem:s19+$0xFFFFFFD0] =	vst v1;
	v9 =	vld [tilespmem:s17+$0x0]  }
.Ltmp9:
0x143: {  	v2 =	vadd.s32 v2, v5;
	v1 =	vld [tilespmem:s19+$0x10];
	(pc) =	sbr.rel @p2 .LBB2_16-.Ltmp9, $4  }
0x144: {  	[tilespmem:s19+$0xFFFFFFE0] =	vst v2;
	v3 =	vld [tilespmem:s17+$0x10]  }
0x145: {  	v4 =	vadd.s32 v6, v7;
	v2 =	vld [tilespmem:s19+$0x20]  }
0x146: {  	[tilespmem:s19+$0xFFFFFFF0] =	vst v4;
	v4 =	vld [tilespmem:s17+$0x20]  }
0x147: {  	s19 =	sadd.s32 $0x80, s19;
	v5 =	vld [tilespmem:s16+$0xFFFFFFC0];
	v6 =	vadd.s32 v8, v9  }
0x148: {  	_ =	sdelay $0x1  }
0x149: {  	[tilespmem:s16+$0x0] =	vst v6;
	v1 =	vadd.s32 v1, v3  }
0x14a: {  	[tilespmem:s16+$0x10] =	vst v1;
	v1 =	vadd.s32 v2, v4  }
0x14b: {  	v0 =	vadd.s32 v5, v0;
	[tilespmem:s16+$0x20] =	vst v1  }
0x14c: {  	s30 =	simm.s32 $0x1;
	[tilespmem:s16+$0xFFFFFFC0] =	vst v0  }
0x14d: {  	_ =	swait.ge [sflag:s30], $0x1000  }
0x14e: {  	s31 =	simm.s32 $0x80;
	[sflag:s30] =	ssyncset.done $0x0  }
0x14f: {  	s17 =	simm.s32 $0x400;
	s18 =	simm.s32 $0x11480;
	[sflag:s30] =	ssyncadd.s32 $0xFFFFF000  }
0x150: {  	[tilespmem:s18], [sflag:$0x1] =	stream.strided.gather [spmem:s15], $0x1000, s17, s31, $0x38;
	[tilespmem:$0x14480] =	vst v63  }
0x151: {  	s15 =	simm.s32 $0xF4C0  }
0x152: {  	s16 =	simm.s32 $0x104C0;
	v1 =	vld [tilespmem:s15+$0x30]  }
0x153: {  	v2 =	vld [tilespmem:s16+$0x30]  }
0x154: {  	v0 =	vld [tilespmem:s16+$0xFFFFFFC0]  }
0x155: {  	v3 =	vld [tilespmem:s15+$0xFFFFFFD0]  }
0x156: {  	v4 =	vld [tilespmem:s16+$0xFFFFFFD0]  }
0x157: {  	v5 =	vld [tilespmem:s15+$0xFFFFFFE0]  }
0x158: {  	v6 =	vld [tilespmem:s16+$0xFFFFFFE0]  }
0x159: {  	v7 =	vld [tilespmem:s15+$0xFFFFFFF0]  }
0x15a: {  	v8 =	vld [tilespmem:s16+$0xFFFFFFF0]  }
0x15b: {  	v9 =	vld [tilespmem:s15+$0x0]  }
0x15c: {  	v10 =	vld [tilespmem:s16+$0x0]  }
0x15d: {  	v2 =	vadd.s32 v1, v2;
	v1 =	vld [tilespmem:s15+$0x10]  }
0x15e: {  	[tilespmem:s15+$0x30] =	vst v2;
	v2 =	vadd.s32 v3, v4;
	v3 =	vld [tilespmem:s16+$0x10]  }
0x15f: {  	v4 =	vadd.s32 v5, v6;
	[tilespmem:s15+$0xFFFFFFD0] =	vst v2;
	v2 =	vld [tilespmem:s15+$0x20]  }
0x160: {  	v5 =	vadd.s32 v7, v8;
	[tilespmem:s15+$0xFFFFFFE0] =	vst v4;
	v4 =	vld [tilespmem:s16+$0x20]  }
0x161: {  	s17 =	simm.s32 $0x0;
	s18 =	simm.s32 $0xF540;
	v6 =	vadd.s32 v9, v10;
	[tilespmem:s15+$0xFFFFFFF0] =	vst v5;
	v5 =	vld [tilespmem:s15+$0xFFFFFFC0]  }
.LBB2_18:
0x162: {  	v7 =	vld [tilespmem:s18+$0x30];
	[tilespmem:s15+$0x0] =	vst v6;
	s16 =	sadd.s32 $0x80, s16  }
0x163: {  	s17 =	sadd.s32 $0x8, s17;
	v6 =	vld [tilespmem:s16+$0x30];
	v1 =	vadd.s32 v1, v3  }
0x164: {  	p2 =	slt.u32 s17, $0xF8;
	v3 =	vld [tilespmem:s16+$0xFFFFFFC0];
	[tilespmem:s15+$0x10] =	vst v1  }
0x165: {  	v1 =	vld [tilespmem:s18+$0xFFFFFFD0];
	v2 =	vadd.s32 v2, v4  }
0x166: {  	v4 =	vld [tilespmem:s16+$0xFFFFFFD0];
	v0 =	vadd.s32 v5, v0;
	[tilespmem:s15+$0x20] =	vst v2  }
0x167: {  	v2 =	vld [tilespmem:s18+$0xFFFFFFE0];
	[tilespmem:s15+$0xFFFFFFC0] =	vst v0;
	s15 =	smov.u32 s18  }
0x168: {  	v5 =	vld [tilespmem:s16+$0xFFFFFFE0];
	v7 =	vadd.s32 v7, v6  }
0x169: {  	v6 =	vld [tilespmem:s18+$0xFFFFFFF0];
	[tilespmem:s18+$0x30] =	vst v7;
	v0 =	vmov v3  }
0x16a: {  	v7 =	vld [tilespmem:s16+$0xFFFFFFF0]  }
0x16b: {  	v1 =	vadd.s32 v1, v4;
	v8 =	vld [tilespmem:s18+$0x0]  }
0x16c: {  	[tilespmem:s18+$0xFFFFFFD0] =	vst v1;
	v9 =	vld [tilespmem:s16+$0x0]  }
.Ltmp10:
0x16d: {  	v2 =	vadd.s32 v2, v5;
	v1 =	vld [tilespmem:s18+$0x10];
	(pc) =	sbr.rel @p2 .LBB2_18-.Ltmp10, $4  }
0x16e: {  	[tilespmem:s18+$0xFFFFFFE0] =	vst v2;
	v3 =	vld [tilespmem:s16+$0x10]  }
0x16f: {  	v4 =	vadd.s32 v6, v7;
	v2 =	vld [tilespmem:s18+$0x20]  }
0x170: {  	[tilespmem:s18+$0xFFFFFFF0] =	vst v4;
	v4 =	vld [tilespmem:s16+$0x20]  }
0x171: {  	s18 =	sadd.s32 $0x80, s18;
	v5 =	vld [tilespmem:s15+$0xFFFFFFC0];
	v6 =	vadd.s32 v8, v9  }
0x172: {  	_ =	sdelay $0x1  }
0x173: {  	[tilespmem:s15+$0x0] =	vst v6;
	v1 =	vadd.s32 v1, v3  }
0x174: {  	[tilespmem:s15+$0x10] =	vst v1;
	v1 =	vadd.s32 v2, v4  }
0x175: {  	v0 =	vadd.s32 v5, v0;
	[tilespmem:s15+$0x20] =	vst v1  }
0x176: {  	s30 =	simm.s32 $0x1;
	[tilespmem:s15+$0xFFFFFFC0] =	vst v0  }
0x177: {  	_ =	swait.ge [sflag:s30], $0x1000  }
0x178: {  	s31 =	simm.s32 $0x80;
	[sflag:s30] =	ssyncset.done $0x0  }
0x179: {  	s16 =	simm.s32 $0x400;
	s17 =	simm.s32 $0x10480;
	[sflag:s30] =	ssyncadd.s32 $0xFFFFF000  }
0x17a: {  	[tilespmem:s17], [sflag:$0x1] =	stream.strided.gather [spmem:s14], $0x1000, s16, s31, $0x38;
	[tilespmem:$0x14480] =	vst v63  }
0x17b: {  	s14 =	simm.s32 $0xF4C0  }
0x17c: {  	s15 =	simm.s32 $0x114C0;
	v1 =	vld [tilespmem:s14+$0x30]  }
0x17d: {  	v2 =	vld [tilespmem:s15+$0x30]  }
0x17e: {  	v0 =	vld [tilespmem:s15+$0xFFFFFFC0]  }
0x17f: {  	v3 =	vld [tilespmem:s14+$0xFFFFFFD0]  }
0x180: {  	v4 =	vld [tilespmem:s15+$0xFFFFFFD0]  }
0x181: {  	v5 =	vld [tilespmem:s14+$0xFFFFFFE0]  }
0x182: {  	v6 =	vld [tilespmem:s15+$0xFFFFFFE0]  }
0x183: {  	v7 =	vld [tilespmem:s14+$0xFFFFFFF0]  }
0x184: {  	v8 =	vld [tilespmem:s15+$0xFFFFFFF0]  }
0x185: {  	v9 =	vld [tilespmem:s14+$0x0]  }
0x186: {  	v10 =	vld [tilespmem:s15+$0x0]  }
0x187: {  	v2 =	vadd.s32 v1, v2;
	v1 =	vld [tilespmem:s14+$0x10]  }
0x188: {  	[tilespmem:s14+$0x30] =	vst v2;
	v2 =	vadd.s32 v3, v4;
	v3 =	vld [tilespmem:s15+$0x10]  }
0x189: {  	v4 =	vadd.s32 v5, v6;
	[tilespmem:s14+$0xFFFFFFD0] =	vst v2;
	v2 =	vld [tilespmem:s14+$0x20]  }
0x18a: {  	v5 =	vadd.s32 v7, v8;
	[tilespmem:s14+$0xFFFFFFE0] =	vst v4;
	v4 =	vld [tilespmem:s15+$0x20]  }
0x18b: {  	s16 =	simm.s32 $0x0;
	s17 =	simm.s32 $0xF540;
	v6 =	vadd.s32 v9, v10;
	[tilespmem:s14+$0xFFFFFFF0] =	vst v5;
	v5 =	vld [tilespmem:s14+$0xFFFFFFC0]  }
.LBB2_20:
0x18c: {  	v7 =	vld [tilespmem:s17+$0x30];
	[tilespmem:s14+$0x0] =	vst v6;
	s15 =	sadd.s32 $0x80, s15  }
0x18d: {  	s16 =	sadd.s32 $0x8, s16;
	v6 =	vld [tilespmem:s15+$0x30];
	v1 =	vadd.s32 v1, v3  }
0x18e: {  	p2 =	slt.u32 s16, $0xF8;
	v3 =	vld [tilespmem:s15+$0xFFFFFFC0];
	[tilespmem:s14+$0x10] =	vst v1  }
0x18f: {  	v1 =	vld [tilespmem:s17+$0xFFFFFFD0];
	v2 =	vadd.s32 v2, v4  }
0x190: {  	v4 =	vld [tilespmem:s15+$0xFFFFFFD0];
	v0 =	vadd.s32 v5, v0;
	[tilespmem:s14+$0x20] =	vst v2  }
0x191: {  	v2 =	vld [tilespmem:s17+$0xFFFFFFE0];
	[tilespmem:s14+$0xFFFFFFC0] =	vst v0;
	s14 =	smov.u32 s17  }
0x192: {  	v5 =	vld [tilespmem:s15+$0xFFFFFFE0];
	v7 =	vadd.s32 v7, v6  }
0x193: {  	v6 =	vld [tilespmem:s17+$0xFFFFFFF0];
	[tilespmem:s17+$0x30] =	vst v7;
	v0 =	vmov v3  }
0x194: {  	v7 =	vld [tilespmem:s15+$0xFFFFFFF0]  }
0x195: {  	v1 =	vadd.s32 v1, v4;
	v8 =	vld [tilespmem:s17+$0x0]  }
0x196: {  	[tilespmem:s17+$0xFFFFFFD0] =	vst v1;
	v9 =	vld [tilespmem:s15+$0x0]  }
.Ltmp11:
0x197: {  	v2 =	vadd.s32 v2, v5;
	v1 =	vld [tilespmem:s17+$0x10];
	(pc) =	sbr.rel @p2 .LBB2_20-.Ltmp11, $4  }
0x198: {  	[tilespmem:s17+$0xFFFFFFE0] =	vst v2;
	v3 =	vld [tilespmem:s15+$0x10]  }
0x199: {  	v4 =	vadd.s32 v6, v7;
	v2 =	vld [tilespmem:s17+$0x20]  }
0x19a: {  	[tilespmem:s17+$0xFFFFFFF0] =	vst v4;
	v4 =	vld [tilespmem:s15+$0x20]  }
0x19b: {  	s17 =	sadd.s32 $0x80, s17;
	v5 =	vld [tilespmem:s14+$0xFFFFFFC0];
	v6 =	vadd.s32 v8, v9  }
0x19c: {  	_ =	sdelay $0x1  }
0x19d: {  	[tilespmem:s14+$0x0] =	vst v6;
	v1 =	vadd.s32 v1, v3  }
0x19e: {  	[tilespmem:s14+$0x10] =	vst v1;
	v1 =	vadd.s32 v2, v4  }
0x19f: {  	v0 =	vadd.s32 v5, v0;
	[tilespmem:s14+$0x20] =	vst v1  }
0x1a0: {  	s30 =	simm.s32 $0x1;
	[tilespmem:s14+$0xFFFFFFC0] =	vst v0  }
0x1a1: {  	_ =	swait.ge [sflag:s30], $0x1000  }
0x1a2: {  	s31 =	simm.s32 $0x80;
	[sflag:s30] =	ssyncset.done $0x0  }
0x1a3: {  	s15 =	simm.s32 $0x400;
	s16 =	simm.s32 $0x11480;
	[sflag:s30] =	ssyncadd.s32 $0xFFFFF000  }
0x1a4: {  	[tilespmem:s16], [sflag:$0x1] =	stream.strided.gather [spmem:s13], $0x1000, s15, s31, $0x38;
	[tilespmem:$0x14480] =	vst v63  }
0x1a5: {  	s13 =	simm.s32 $0xF4C0  }
0x1a6: {  	s14 =	simm.s32 $0x104C0;
	v1 =	vld [tilespmem:s13+$0x30]  }
0x1a7: {  	v2 =	vld [tilespmem:s14+$0x30]  }
0x1a8: {  	v0 =	vld [tilespmem:s14+$0xFFFFFFC0]  }
0x1a9: {  	v3 =	vld [tilespmem:s13+$0xFFFFFFD0]  }
0x1aa: {  	v4 =	vld [tilespmem:s14+$0xFFFFFFD0]  }
0x1ab: {  	v5 =	vld [tilespmem:s13+$0xFFFFFFE0]  }
0x1ac: {  	v6 =	vld [tilespmem:s14+$0xFFFFFFE0]  }
0x1ad: {  	v7 =	vld [tilespmem:s13+$0xFFFFFFF0]  }
0x1ae: {  	v8 =	vld [tilespmem:s14+$0xFFFFFFF0]  }
0x1af: {  	v9 =	vld [tilespmem:s13+$0x0]  }
0x1b0: {  	v10 =	vld [tilespmem:s14+$0x0]  }
0x1b1: {  	v2 =	vadd.s32 v1, v2;
	v1 =	vld [tilespmem:s13+$0x10]  }
0x1b2: {  	[tilespmem:s13+$0x30] =	vst v2;
	v2 =	vadd.s32 v3, v4;
	v3 =	vld [tilespmem:s14+$0x10]  }
0x1b3: {  	v4 =	vadd.s32 v5, v6;
	[tilespmem:s13+$0xFFFFFFD0] =	vst v2;
	v2 =	vld [tilespmem:s13+$0x20]  }
0x1b4: {  	v5 =	vadd.s32 v7, v8;
	[tilespmem:s13+$0xFFFFFFE0] =	vst v4;
	v4 =	vld [tilespmem:s14+$0x20]  }
0x1b5: {  	s15 =	simm.s32 $0x0;
	s16 =	simm.s32 $0xF540;
	v6 =	vadd.s32 v9, v10;
	[tilespmem:s13+$0xFFFFFFF0] =	vst v5;
	v5 =	vld [tilespmem:s13+$0xFFFFFFC0]  }
.LBB2_22:
0x1b6: {  	v7 =	vld [tilespmem:s16+$0x30];
	[tilespmem:s13+$0x0] =	vst v6;
	s14 =	sadd.s32 $0x80, s14  }
0x1b7: {  	s15 =	sadd.s32 $0x8, s15;
	v6 =	vld [tilespmem:s14+$0x30];
	v1 =	vadd.s32 v1, v3  }
0x1b8: {  	p2 =	slt.u32 s15, $0xF8;
	v3 =	vld [tilespmem:s14+$0xFFFFFFC0];
	[tilespmem:s13+$0x10] =	vst v1  }
0x1b9: {  	v1 =	vld [tilespmem:s16+$0xFFFFFFD0];
	v2 =	vadd.s32 v2, v4  }
0x1ba: {  	v4 =	vld [tilespmem:s14+$0xFFFFFFD0];
	v0 =	vadd.s32 v5, v0;
	[tilespmem:s13+$0x20] =	vst v2  }
0x1bb: {  	v2 =	vld [tilespmem:s16+$0xFFFFFFE0];
	[tilespmem:s13+$0xFFFFFFC0] =	vst v0;
	s13 =	smov.u32 s16  }
0x1bc: {  	v5 =	vld [tilespmem:s14+$0xFFFFFFE0];
	v7 =	vadd.s32 v7, v6  }
0x1bd: {  	v6 =	vld [tilespmem:s16+$0xFFFFFFF0];
	[tilespmem:s16+$0x30] =	vst v7;
	v0 =	vmov v3  }
0x1be: {  	v7 =	vld [tilespmem:s14+$0xFFFFFFF0]  }
0x1bf: {  	v1 =	vadd.s32 v1, v4;
	v8 =	vld [tilespmem:s16+$0x0]  }
0x1c0: {  	[tilespmem:s16+$0xFFFFFFD0] =	vst v1;
	v9 =	vld [tilespmem:s14+$0x0]  }
.Ltmp12:
0x1c1: {  	v2 =	vadd.s32 v2, v5;
	v1 =	vld [tilespmem:s16+$0x10];
	(pc) =	sbr.rel @p2 .LBB2_22-.Ltmp12, $4  }
0x1c2: {  	[tilespmem:s16+$0xFFFFFFE0] =	vst v2;
	v3 =	vld [tilespmem:s14+$0x10]  }
0x1c3: {  	v4 =	vadd.s32 v6, v7;
	v2 =	vld [tilespmem:s16+$0x20]  }
0x1c4: {  	[tilespmem:s16+$0xFFFFFFF0] =	vst v4;
	v4 =	vld [tilespmem:s14+$0x20]  }
0x1c5: {  	s16 =	sadd.s32 $0x80, s16;
	v5 =	vld [tilespmem:s13+$0xFFFFFFC0];
	v6 =	vadd.s32 v8, v9  }
0x1c6: {  	_ =	sdelay $0x1  }
0x1c7: {  	[tilespmem:s13+$0x0] =	vst v6;
	v1 =	vadd.s32 v1, v3  }
0x1c8: {  	[tilespmem:s13+$0x10] =	vst v1;
	v1 =	vadd.s32 v2, v4  }
0x1c9: {  	v0 =	vadd.s32 v5, v0;
	[tilespmem:s13+$0x20] =	vst v1  }
0x1ca: {  	s30 =	simm.s32 $0x1;
	[tilespmem:s13+$0xFFFFFFC0] =	vst v0  }
0x1cb: {  	_ =	swait.ge [sflag:s30], $0x1000  }
0x1cc: {  	s31 =	simm.s32 $0x80;
	[sflag:s30] =	ssyncset.done $0x0  }
0x1cd: {  	s14 =	simm.s32 $0x400;
	s15 =	simm.s32 $0x10480;
	[sflag:s30] =	ssyncadd.s32 $0xFFFFF000  }
0x1ce: {  	[tilespmem:s15], [sflag:$0x1] =	stream.strided.gather [spmem:s12], $0x1000, s14, s31, $0x38;
	[tilespmem:$0x14480] =	vst v63  }
0x1cf: {  	s12 =	simm.s32 $0xF4C0  }
0x1d0: {  	s13 =	simm.s32 $0x114C0;
	v1 =	vld [tilespmem:s12+$0x30]  }
0x1d1: {  	v2 =	vld [tilespmem:s13+$0x30]  }
0x1d2: {  	v0 =	vld [tilespmem:s13+$0xFFFFFFC0]  }
0x1d3: {  	v3 =	vld [tilespmem:s12+$0xFFFFFFD0]  }
0x1d4: {  	v4 =	vld [tilespmem:s13+$0xFFFFFFD0]  }
0x1d5: {  	v5 =	vld [tilespmem:s12+$0xFFFFFFE0]  }
0x1d6: {  	v6 =	vld [tilespmem:s13+$0xFFFFFFE0]  }
0x1d7: {  	v7 =	vld [tilespmem:s12+$0xFFFFFFF0]  }
0x1d8: {  	v8 =	vld [tilespmem:s13+$0xFFFFFFF0]  }
0x1d9: {  	v9 =	vld [tilespmem:s12+$0x0]  }
0x1da: {  	v10 =	vld [tilespmem:s13+$0x0]  }
0x1db: {  	v2 =	vadd.s32 v1, v2;
	v1 =	vld [tilespmem:s12+$0x10]  }
0x1dc: {  	[tilespmem:s12+$0x30] =	vst v2;
	v2 =	vadd.s32 v3, v4;
	v3 =	vld [tilespmem:s13+$0x10]  }
0x1dd: {  	v4 =	vadd.s32 v5, v6;
	[tilespmem:s12+$0xFFFFFFD0] =	vst v2;
	v2 =	vld [tilespmem:s12+$0x20]  }
0x1de: {  	v5 =	vadd.s32 v7, v8;
	[tilespmem:s12+$0xFFFFFFE0] =	vst v4;
	v4 =	vld [tilespmem:s13+$0x20]  }
0x1df: {  	s14 =	simm.s32 $0x0;
	s15 =	simm.s32 $0xF540;
	v6 =	vadd.s32 v9, v10;
	[tilespmem:s12+$0xFFFFFFF0] =	vst v5;
	v5 =	vld [tilespmem:s12+$0xFFFFFFC0]  }
.LBB2_24:
0x1e0: {  	v7 =	vld [tilespmem:s15+$0x30];
	[tilespmem:s12+$0x0] =	vst v6;
	s13 =	sadd.s32 $0x80, s13  }
0x1e1: {  	s14 =	sadd.s32 $0x8, s14;
	v6 =	vld [tilespmem:s13+$0x30];
	v1 =	vadd.s32 v1, v3  }
0x1e2: {  	p2 =	slt.u32 s14, $0xF8;
	v3 =	vld [tilespmem:s13+$0xFFFFFFC0];
	[tilespmem:s12+$0x10] =	vst v1  }
0x1e3: {  	v1 =	vld [tilespmem:s15+$0xFFFFFFD0];
	v2 =	vadd.s32 v2, v4  }
0x1e4: {  	v4 =	vld [tilespmem:s13+$0xFFFFFFD0];
	v0 =	vadd.s32 v5, v0;
	[tilespmem:s12+$0x20] =	vst v2  }
0x1e5: {  	v2 =	vld [tilespmem:s15+$0xFFFFFFE0];
	[tilespmem:s12+$0xFFFFFFC0] =	vst v0;
	s12 =	smov.u32 s15  }
0x1e6: {  	v5 =	vld [tilespmem:s13+$0xFFFFFFE0];
	v7 =	vadd.s32 v7, v6  }
0x1e7: {  	v6 =	vld [tilespmem:s15+$0xFFFFFFF0];
	[tilespmem:s15+$0x30] =	vst v7;
	v0 =	vmov v3  }
0x1e8: {  	v7 =	vld [tilespmem:s13+$0xFFFFFFF0]  }
0x1e9: {  	v1 =	vadd.s32 v1, v4;
	v8 =	vld [tilespmem:s15+$0x0]  }
0x1ea: {  	[tilespmem:s15+$0xFFFFFFD0] =	vst v1;
	v9 =	vld [tilespmem:s13+$0x0]  }
.Ltmp13:
0x1eb: {  	v2 =	vadd.s32 v2, v5;
	v1 =	vld [tilespmem:s15+$0x10];
	(pc) =	sbr.rel @p2 .LBB2_24-.Ltmp13, $4  }
0x1ec: {  	[tilespmem:s15+$0xFFFFFFE0] =	vst v2;
	v3 =	vld [tilespmem:s13+$0x10]  }
0x1ed: {  	v4 =	vadd.s32 v6, v7;
	v2 =	vld [tilespmem:s15+$0x20]  }
0x1ee: {  	[tilespmem:s15+$0xFFFFFFF0] =	vst v4;
	v4 =	vld [tilespmem:s13+$0x20]  }
0x1ef: {  	s15 =	sadd.s32 $0x80, s15;
	v5 =	vld [tilespmem:s12+$0xFFFFFFC0];
	v6 =	vadd.s32 v8, v9  }
0x1f0: {  	_ =	sdelay $0x1  }
0x1f1: {  	[tilespmem:s12+$0x0] =	vst v6;
	v1 =	vadd.s32 v1, v3  }
0x1f2: {  	[tilespmem:s12+$0x10] =	vst v1;
	v1 =	vadd.s32 v2, v4  }
0x1f3: {  	v0 =	vadd.s32 v5, v0;
	[tilespmem:s12+$0x20] =	vst v1  }
0x1f4: {  	s30 =	simm.s32 $0x1;
	[tilespmem:s12+$0xFFFFFFC0] =	vst v0  }
0x1f5: {  	_ =	swait.ge [sflag:s30], $0x1000  }
0x1f6: {  	s31 =	simm.s32 $0x80;
	[sflag:s30] =	ssyncset.done $0x0  }
0x1f7: {  	s13 =	simm.s32 $0x400;
	s14 =	simm.s32 $0x11480;
	[sflag:s30] =	ssyncadd.s32 $0xFFFFF000  }
0x1f8: {  	[tilespmem:s14], [sflag:$0x1] =	stream.strided.gather [spmem:s11], $0x1000, s13, s31, $0x38;
	[tilespmem:$0x14480] =	vst v63  }
0x1f9: {  	s11 =	simm.s32 $0xF4C0  }
0x1fa: {  	s12 =	simm.s32 $0x104C0;
	v1 =	vld [tilespmem:s11+$0x30]  }
0x1fb: {  	v2 =	vld [tilespmem:s12+$0x30]  }
0x1fc: {  	v0 =	vld [tilespmem:s12+$0xFFFFFFC0]  }
0x1fd: {  	v3 =	vld [tilespmem:s11+$0xFFFFFFD0]  }
0x1fe: {  	v4 =	vld [tilespmem:s12+$0xFFFFFFD0]  }
0x1ff: {  	v5 =	vld [tilespmem:s11+$0xFFFFFFE0]  }
0x200: {  	v6 =	vld [tilespmem:s12+$0xFFFFFFE0]  }
0x201: {  	v7 =	vld [tilespmem:s11+$0xFFFFFFF0]  }
0x202: {  	v8 =	vld [tilespmem:s12+$0xFFFFFFF0]  }
0x203: {  	v9 =	vld [tilespmem:s11+$0x0]  }
0x204: {  	v10 =	vld [tilespmem:s12+$0x0]  }
0x205: {  	v2 =	vadd.s32 v1, v2;
	v1 =	vld [tilespmem:s11+$0x10]  }
0x206: {  	[tilespmem:s11+$0x30] =	vst v2;
	v2 =	vadd.s32 v3, v4;
	v3 =	vld [tilespmem:s12+$0x10]  }
0x207: {  	v4 =	vadd.s32 v5, v6;
	[tilespmem:s11+$0xFFFFFFD0] =	vst v2;
	v2 =	vld [tilespmem:s11+$0x20]  }
0x208: {  	v5 =	vadd.s32 v7, v8;
	[tilespmem:s11+$0xFFFFFFE0] =	vst v4;
	v4 =	vld [tilespmem:s12+$0x20]  }
0x209: {  	s13 =	simm.s32 $0x0;
	s14 =	simm.s32 $0xF540;
	v6 =	vadd.s32 v9, v10;
	[tilespmem:s11+$0xFFFFFFF0] =	vst v5;
	v5 =	vld [tilespmem:s11+$0xFFFFFFC0]  }
.LBB2_26:
0x20a: {  	v7 =	vld [tilespmem:s14+$0x30];
	[tilespmem:s11+$0x0] =	vst v6;
	s12 =	sadd.s32 $0x80, s12  }
0x20b: {  	s13 =	sadd.s32 $0x8, s13;
	v6 =	vld [tilespmem:s12+$0x30];
	v1 =	vadd.s32 v1, v3  }
0x20c: {  	p2 =	slt.u32 s13, $0xF8;
	v3 =	vld [tilespmem:s12+$0xFFFFFFC0];
	[tilespmem:s11+$0x10] =	vst v1  }
0x20d: {  	v1 =	vld [tilespmem:s14+$0xFFFFFFD0];
	v2 =	vadd.s32 v2, v4  }
0x20e: {  	v4 =	vld [tilespmem:s12+$0xFFFFFFD0];
	v0 =	vadd.s32 v5, v0;
	[tilespmem:s11+$0x20] =	vst v2  }
0x20f: {  	v2 =	vld [tilespmem:s14+$0xFFFFFFE0];
	[tilespmem:s11+$0xFFFFFFC0] =	vst v0;
	s11 =	smov.u32 s14  }
0x210: {  	v5 =	vld [tilespmem:s12+$0xFFFFFFE0];
	v7 =	vadd.s32 v7, v6  }
0x211: {  	v6 =	vld [tilespmem:s14+$0xFFFFFFF0];
	[tilespmem:s14+$0x30] =	vst v7;
	v0 =	vmov v3  }
0x212: {  	v7 =	vld [tilespmem:s12+$0xFFFFFFF0]  }
0x213: {  	v1 =	vadd.s32 v1, v4;
	v8 =	vld [tilespmem:s14+$0x0]  }
0x214: {  	[tilespmem:s14+$0xFFFFFFD0] =	vst v1;
	v9 =	vld [tilespmem:s12+$0x0]  }
.Ltmp14:
0x215: {  	v2 =	vadd.s32 v2, v5;
	v1 =	vld [tilespmem:s14+$0x10];
	(pc) =	sbr.rel @p2 .LBB2_26-.Ltmp14, $4  }
0x216: {  	[tilespmem:s14+$0xFFFFFFE0] =	vst v2;
	v3 =	vld [tilespmem:s12+$0x10]  }
0x217: {  	v4 =	vadd.s32 v6, v7;
	v2 =	vld [tilespmem:s14+$0x20]  }
0x218: {  	[tilespmem:s14+$0xFFFFFFF0] =	vst v4;
	v4 =	vld [tilespmem:s12+$0x20]  }
0x219: {  	s14 =	sadd.s32 $0x80, s14;
	v5 =	vld [tilespmem:s11+$0xFFFFFFC0];
	v6 =	vadd.s32 v8, v9  }
0x21a: {  	_ =	sdelay $0x1  }
0x21b: {  	[tilespmem:s11+$0x0] =	vst v6;
	v1 =	vadd.s32 v1, v3  }
0x21c: {  	[tilespmem:s11+$0x10] =	vst v1;
	v1 =	vadd.s32 v2, v4  }
0x21d: {  	v0 =	vadd.s32 v5, v0;
	[tilespmem:s11+$0x20] =	vst v1  }
0x21e: {  	s30 =	simm.s32 $0x1;
	[tilespmem:s11+$0xFFFFFFC0] =	vst v0  }
0x21f: {  	_ =	swait.ge [sflag:s30], $0x1000  }
0x220: {  	s31 =	simm.s32 $0x80;
	[sflag:s30] =	ssyncset.done $0x0  }
0x221: {  	s12 =	simm.s32 $0x400;
	s13 =	simm.s32 $0x10480;
	[sflag:s30] =	ssyncadd.s32 $0xFFFFF000  }
0x222: {  	[tilespmem:s13], [sflag:$0x1] =	stream.strided.gather [spmem:s10], $0x1000, s12, s31, $0x38;
	[tilespmem:$0x14480] =	vst v63  }
0x223: {  	s10 =	simm.s32 $0xF4C0  }
0x224: {  	s11 =	simm.s32 $0x114C0;
	v1 =	vld [tilespmem:s10+$0x30]  }
0x225: {  	v2 =	vld [tilespmem:s11+$0x30]  }
0x226: {  	v0 =	vld [tilespmem:s11+$0xFFFFFFC0]  }
0x227: {  	v3 =	vld [tilespmem:s10+$0xFFFFFFD0]  }
0x228: {  	v4 =	vld [tilespmem:s11+$0xFFFFFFD0]  }
0x229: {  	v5 =	vld [tilespmem:s10+$0xFFFFFFE0]  }
0x22a: {  	v6 =	vld [tilespmem:s11+$0xFFFFFFE0]  }
0x22b: {  	v7 =	vld [tilespmem:s10+$0xFFFFFFF0]  }
0x22c: {  	v8 =	vld [tilespmem:s11+$0xFFFFFFF0]  }
0x22d: {  	v9 =	vld [tilespmem:s10+$0x0]  }
0x22e: {  	v10 =	vld [tilespmem:s11+$0x0]  }
0x22f: {  	v2 =	vadd.s32 v1, v2;
	v1 =	vld [tilespmem:s10+$0x10]  }
0x230: {  	[tilespmem:s10+$0x30] =	vst v2;
	v2 =	vadd.s32 v3, v4;
	v3 =	vld [tilespmem:s11+$0x10]  }
0x231: {  	v4 =	vadd.s32 v5, v6;
	[tilespmem:s10+$0xFFFFFFD0] =	vst v2;
	v2 =	vld [tilespmem:s10+$0x20]  }
0x232: {  	v5 =	vadd.s32 v7, v8;
	[tilespmem:s10+$0xFFFFFFE0] =	vst v4;
	v4 =	vld [tilespmem:s11+$0x20]  }
0x233: {  	s12 =	simm.s32 $0x0;
	s13 =	simm.s32 $0xF540;
	v6 =	vadd.s32 v9, v10;
	[tilespmem:s10+$0xFFFFFFF0] =	vst v5;
	v5 =	vld [tilespmem:s10+$0xFFFFFFC0]  }
.LBB2_28:
0x234: {  	v7 =	vld [tilespmem:s13+$0x30];
	[tilespmem:s10+$0x0] =	vst v6;
	s11 =	sadd.s32 $0x80, s11  }
0x235: {  	s12 =	sadd.s32 $0x8, s12;
	v6 =	vld [tilespmem:s11+$0x30];
	v1 =	vadd.s32 v1, v3  }
0x236: {  	p2 =	slt.u32 s12, $0xF8;
	v3 =	vld [tilespmem:s11+$0xFFFFFFC0];
	[tilespmem:s10+$0x10] =	vst v1  }
0x237: {  	v1 =	vld [tilespmem:s13+$0xFFFFFFD0];
	v2 =	vadd.s32 v2, v4  }
0x238: {  	v4 =	vld [tilespmem:s11+$0xFFFFFFD0];
	v0 =	vadd.s32 v5, v0;
	[tilespmem:s10+$0x20] =	vst v2  }
0x239: {  	v2 =	vld [tilespmem:s13+$0xFFFFFFE0];
	[tilespmem:s10+$0xFFFFFFC0] =	vst v0;
	s10 =	smov.u32 s13  }
0x23a: {  	v5 =	vld [tilespmem:s11+$0xFFFFFFE0];
	v7 =	vadd.s32 v7, v6  }
0x23b: {  	v6 =	vld [tilespmem:s13+$0xFFFFFFF0];
	[tilespmem:s13+$0x30] =	vst v7;
	v0 =	vmov v3  }
0x23c: {  	v7 =	vld [tilespmem:s11+$0xFFFFFFF0]  }
0x23d: {  	v1 =	vadd.s32 v1, v4;
	v8 =	vld [tilespmem:s13+$0x0]  }
0x23e: {  	[tilespmem:s13+$0xFFFFFFD0] =	vst v1;
	v9 =	vld [tilespmem:s11+$0x0]  }
.Ltmp15:
0x23f: {  	v2 =	vadd.s32 v2, v5;
	v1 =	vld [tilespmem:s13+$0x10];
	(pc) =	sbr.rel @p2 .LBB2_28-.Ltmp15, $4  }
0x240: {  	[tilespmem:s13+$0xFFFFFFE0] =	vst v2;
	v3 =	vld [tilespmem:s11+$0x10]  }
0x241: {  	v4 =	vadd.s32 v6, v7;
	v2 =	vld [tilespmem:s13+$0x20]  }
0x242: {  	[tilespmem:s13+$0xFFFFFFF0] =	vst v4;
	v4 =	vld [tilespmem:s11+$0x20]  }
0x243: {  	s13 =	sadd.s32 $0x80, s13;
	v5 =	vld [tilespmem:s10+$0xFFFFFFC0];
	v6 =	vadd.s32 v8, v9  }
0x244: {  	_ =	sdelay $0x1  }
0x245: {  	[tilespmem:s10+$0x0] =	vst v6;
	v1 =	vadd.s32 v1, v3  }
0x246: {  	[tilespmem:s10+$0x10] =	vst v1;
	v1 =	vadd.s32 v2, v4  }
0x247: {  	v0 =	vadd.s32 v5, v0;
	[tilespmem:s10+$0x20] =	vst v1  }
0x248: {  	s30 =	simm.s32 $0x1;
	[tilespmem:s10+$0xFFFFFFC0] =	vst v0  }
0x249: {  	_ =	swait.ge [sflag:s30], $0x1000  }
0x24a: {  	s31 =	simm.s32 $0x80;
	[sflag:s30] =	ssyncset.done $0x0  }
0x24b: {  	s11 =	simm.s32 $0x400;
	s12 =	simm.s32 $0x11480;
	[sflag:s30] =	ssyncadd.s32 $0xFFFFF000  }
0x24c: {  	[tilespmem:s12], [sflag:$0x1] =	stream.strided.gather [spmem:s9], $0x1000, s11, s31, $0x38;
	[tilespmem:$0x14480] =	vst v63  }
0x24d: {  	s9 =	simm.s32 $0xF4C0  }
0x24e: {  	s10 =	simm.s32 $0x104C0;
	v1 =	vld [tilespmem:s9+$0x30]  }
0x24f: {  	v2 =	vld [tilespmem:s10+$0x30]  }
0x250: {  	v0 =	vld [tilespmem:s10+$0xFFFFFFC0]  }
0x251: {  	v3 =	vld [tilespmem:s9+$0xFFFFFFD0]  }
0x252: {  	v4 =	vld [tilespmem:s10+$0xFFFFFFD0]  }
0x253: {  	v5 =	vld [tilespmem:s9+$0xFFFFFFE0]  }
0x254: {  	v6 =	vld [tilespmem:s10+$0xFFFFFFE0]  }
0x255: {  	v7 =	vld [tilespmem:s9+$0xFFFFFFF0]  }
0x256: {  	v8 =	vld [tilespmem:s10+$0xFFFFFFF0]  }
0x257: {  	v9 =	vld [tilespmem:s9+$0x0]  }
0x258: {  	v10 =	vld [tilespmem:s10+$0x0]  }
0x259: {  	v2 =	vadd.s32 v1, v2;
	v1 =	vld [tilespmem:s9+$0x10]  }
0x25a: {  	[tilespmem:s9+$0x30] =	vst v2;
	v2 =	vadd.s32 v3, v4;
	v3 =	vld [tilespmem:s10+$0x10]  }
0x25b: {  	v4 =	vadd.s32 v5, v6;
	[tilespmem:s9+$0xFFFFFFD0] =	vst v2;
	v2 =	vld [tilespmem:s9+$0x20]  }
0x25c: {  	v5 =	vadd.s32 v7, v8;
	[tilespmem:s9+$0xFFFFFFE0] =	vst v4;
	v4 =	vld [tilespmem:s10+$0x20]  }
0x25d: {  	s11 =	simm.s32 $0x0;
	s12 =	simm.s32 $0xF540;
	v6 =	vadd.s32 v9, v10;
	[tilespmem:s9+$0xFFFFFFF0] =	vst v5;
	v5 =	vld [tilespmem:s9+$0xFFFFFFC0]  }
.LBB2_30:
0x25e: {  	v7 =	vld [tilespmem:s12+$0x30];
	[tilespmem:s9+$0x0] =	vst v6;
	s10 =	sadd.s32 $0x80, s10  }
0x25f: {  	s11 =	sadd.s32 $0x8, s11;
	v6 =	vld [tilespmem:s10+$0x30];
	v1 =	vadd.s32 v1, v3  }
0x260: {  	p2 =	slt.u32 s11, $0xF8;
	v3 =	vld [tilespmem:s10+$0xFFFFFFC0];
	[tilespmem:s9+$0x10] =	vst v1  }
0x261: {  	v1 =	vld [tilespmem:s12+$0xFFFFFFD0];
	v2 =	vadd.s32 v2, v4  }
0x262: {  	v4 =	vld [tilespmem:s10+$0xFFFFFFD0];
	v0 =	vadd.s32 v5, v0;
	[tilespmem:s9+$0x20] =	vst v2  }
0x263: {  	v2 =	vld [tilespmem:s12+$0xFFFFFFE0];
	[tilespmem:s9+$0xFFFFFFC0] =	vst v0;
	s9 =	smov.u32 s12  }
0x264: {  	v5 =	vld [tilespmem:s10+$0xFFFFFFE0];
	v7 =	vadd.s32 v7, v6  }
0x265: {  	v6 =	vld [tilespmem:s12+$0xFFFFFFF0];
	[tilespmem:s12+$0x30] =	vst v7;
	v0 =	vmov v3  }
0x266: {  	v7 =	vld [tilespmem:s10+$0xFFFFFFF0]  }
0x267: {  	v1 =	vadd.s32 v1, v4;
	v8 =	vld [tilespmem:s12+$0x0]  }
0x268: {  	[tilespmem:s12+$0xFFFFFFD0] =	vst v1;
	v9 =	vld [tilespmem:s10+$0x0]  }
.Ltmp16:
0x269: {  	v2 =	vadd.s32 v2, v5;
	v1 =	vld [tilespmem:s12+$0x10];
	(pc) =	sbr.rel @p2 .LBB2_30-.Ltmp16, $4  }
0x26a: {  	[tilespmem:s12+$0xFFFFFFE0] =	vst v2;
	v3 =	vld [tilespmem:s10+$0x10]  }
0x26b: {  	v4 =	vadd.s32 v6, v7;
	v2 =	vld [tilespmem:s12+$0x20]  }
0x26c: {  	[tilespmem:s12+$0xFFFFFFF0] =	vst v4;
	v4 =	vld [tilespmem:s10+$0x20]  }
0x26d: {  	s12 =	sadd.s32 $0x80, s12;
	v5 =	vld [tilespmem:s9+$0xFFFFFFC0];
	v6 =	vadd.s32 v8, v9  }
0x26e: {  	_ =	sdelay $0x1  }
0x26f: {  	[tilespmem:s9+$0x0] =	vst v6;
	v1 =	vadd.s32 v1, v3  }
0x270: {  	[tilespmem:s9+$0x10] =	vst v1;
	v1 =	vadd.s32 v2, v4  }
0x271: {  	v0 =	vadd.s32 v5, v0;
	[tilespmem:s9+$0x20] =	vst v1  }
0x272: {  	s30 =	simm.s32 $0x1;
	[tilespmem:s9+$0xFFFFFFC0] =	vst v0  }
0x273: {  	_ =	swait.ge [sflag:s30], $0x1000  }
0x274: {  	s31 =	simm.s32 $0x80;
	[sflag:s30] =	ssyncset.done $0x0  }
0x275: {  	s10 =	simm.s32 $0x400;
	s11 =	simm.s32 $0x10480;
	[sflag:s30] =	ssyncadd.s32 $0xFFFFF000  }
0x276: {  	[tilespmem:s11], [sflag:$0x1] =	stream.strided.gather [spmem:s8], $0x1000, s10, s31, $0x38;
	[tilespmem:$0x14480] =	vst v63  }
0x277: {  	s8 =	simm.s32 $0xF4C0  }
0x278: {  	s9 =	simm.s32 $0x114C0;
	v1 =	vld [tilespmem:s8+$0x30]  }
0x279: {  	v2 =	vld [tilespmem:s9+$0x30]  }
0x27a: {  	v0 =	vld [tilespmem:s9+$0xFFFFFFC0]  }
0x27b: {  	v3 =	vld [tilespmem:s8+$0xFFFFFFD0]  }
0x27c: {  	v4 =	vld [tilespmem:s9+$0xFFFFFFD0]  }
0x27d: {  	v5 =	vld [tilespmem:s8+$0xFFFFFFE0]  }
0x27e: {  	v6 =	vld [tilespmem:s9+$0xFFFFFFE0]  }
0x27f: {  	v7 =	vld [tilespmem:s8+$0xFFFFFFF0]  }
0x280: {  	v8 =	vld [tilespmem:s9+$0xFFFFFFF0]  }
0x281: {  	v9 =	vld [tilespmem:s8+$0x0]  }
0x282: {  	v10 =	vld [tilespmem:s9+$0x0]  }
0x283: {  	v2 =	vadd.s32 v1, v2;
	v1 =	vld [tilespmem:s8+$0x10]  }
0x284: {  	[tilespmem:s8+$0x30] =	vst v2;
	v2 =	vadd.s32 v3, v4;
	v3 =	vld [tilespmem:s9+$0x10]  }
0x285: {  	v4 =	vadd.s32 v5, v6;
	[tilespmem:s8+$0xFFFFFFD0] =	vst v2;
	v2 =	vld [tilespmem:s8+$0x20]  }
0x286: {  	v5 =	vadd.s32 v7, v8;
	[tilespmem:s8+$0xFFFFFFE0] =	vst v4;
	v4 =	vld [tilespmem:s9+$0x20]  }
0x287: {  	s10 =	simm.s32 $0x0;
	s11 =	simm.s32 $0xF540;
	v6 =	vadd.s32 v9, v10;
	[tilespmem:s8+$0xFFFFFFF0] =	vst v5;
	v5 =	vld [tilespmem:s8+$0xFFFFFFC0]  }
.LBB2_32:
0x288: {  	v7 =	vld [tilespmem:s11+$0x30];
	[tilespmem:s8+$0x0] =	vst v6;
	s9 =	sadd.s32 $0x80, s9  }
0x289: {  	s10 =	sadd.s32 $0x8, s10;
	v6 =	vld [tilespmem:s9+$0x30];
	v1 =	vadd.s32 v1, v3  }
0x28a: {  	p2 =	slt.u32 s10, $0xF8;
	v3 =	vld [tilespmem:s9+$0xFFFFFFC0];
	[tilespmem:s8+$0x10] =	vst v1  }
0x28b: {  	v1 =	vld [tilespmem:s11+$0xFFFFFFD0];
	v2 =	vadd.s32 v2, v4  }
0x28c: {  	v4 =	vld [tilespmem:s9+$0xFFFFFFD0];
	v0 =	vadd.s32 v5, v0;
	[tilespmem:s8+$0x20] =	vst v2  }
0x28d: {  	v2 =	vld [tilespmem:s11+$0xFFFFFFE0];
	[tilespmem:s8+$0xFFFFFFC0] =	vst v0;
	s8 =	smov.u32 s11  }
0x28e: {  	v5 =	vld [tilespmem:s9+$0xFFFFFFE0];
	v7 =	vadd.s32 v7, v6  }
0x28f: {  	v6 =	vld [tilespmem:s11+$0xFFFFFFF0];
	[tilespmem:s11+$0x30] =	vst v7;
	v0 =	vmov v3  }
0x290: {  	v7 =	vld [tilespmem:s9+$0xFFFFFFF0]  }
0x291: {  	v1 =	vadd.s32 v1, v4;
	v8 =	vld [tilespmem:s11+$0x0]  }
0x292: {  	[tilespmem:s11+$0xFFFFFFD0] =	vst v1;
	v9 =	vld [tilespmem:s9+$0x0]  }
.Ltmp17:
0x293: {  	v2 =	vadd.s32 v2, v5;
	v1 =	vld [tilespmem:s11+$0x10];
	(pc) =	sbr.rel @p2 .LBB2_32-.Ltmp17, $4  }
0x294: {  	[tilespmem:s11+$0xFFFFFFE0] =	vst v2;
	v3 =	vld [tilespmem:s9+$0x10]  }
0x295: {  	v4 =	vadd.s32 v6, v7;
	v2 =	vld [tilespmem:s11+$0x20]  }
0x296: {  	[tilespmem:s11+$0xFFFFFFF0] =	vst v4;
	v4 =	vld [tilespmem:s9+$0x20]  }
0x297: {  	s11 =	sadd.s32 $0x80, s11;
	v5 =	vld [tilespmem:s8+$0xFFFFFFC0];
	v6 =	vadd.s32 v8, v9  }
0x298: {  	_ =	sdelay $0x1  }
0x299: {  	[tilespmem:s8+$0x0] =	vst v6;
	v1 =	vadd.s32 v1, v3  }
0x29a: {  	[tilespmem:s8+$0x10] =	vst v1;
	v1 =	vadd.s32 v2, v4  }
0x29b: {  	v0 =	vadd.s32 v5, v0;
	[tilespmem:s8+$0x20] =	vst v1  }
0x29c: {  	s30 =	simm.s32 $0x1;
	[tilespmem:s8+$0xFFFFFFC0] =	vst v0  }
0x29d: {  	_ =	swait.ge [sflag:s30], $0x1000  }
0x29e: {  	s31 =	simm.s32 $0x80;
	[sflag:s30] =	ssyncset.done $0x0  }
0x29f: {  	s9 =	simm.s32 $0x400;
	s10 =	simm.s32 $0x11480;
	[sflag:s30] =	ssyncadd.s32 $0xFFFFF000  }
0x2a0: {  	[tilespmem:s10], [sflag:$0x1] =	stream.strided.gather [spmem:s7], $0x1000, s9, s31, $0x38;
	[tilespmem:$0x14480] =	vst v63  }
0x2a1: {  	s7 =	simm.s32 $0xF4C0  }
0x2a2: {  	s8 =	simm.s32 $0x104C0;
	v1 =	vld [tilespmem:s7+$0x30]  }
0x2a3: {  	v2 =	vld [tilespmem:s8+$0x30]  }
0x2a4: {  	v0 =	vld [tilespmem:s8+$0xFFFFFFC0]  }
0x2a5: {  	v3 =	vld [tilespmem:s7+$0xFFFFFFD0]  }
0x2a6: {  	v4 =	vld [tilespmem:s8+$0xFFFFFFD0]  }
0x2a7: {  	v5 =	vld [tilespmem:s7+$0xFFFFFFE0]  }
0x2a8: {  	v6 =	vld [tilespmem:s8+$0xFFFFFFE0]  }
0x2a9: {  	v7 =	vld [tilespmem:s7+$0xFFFFFFF0]  }
0x2aa: {  	v8 =	vld [tilespmem:s8+$0xFFFFFFF0]  }
0x2ab: {  	v9 =	vld [tilespmem:s7+$0x0]  }
0x2ac: {  	v10 =	vld [tilespmem:s8+$0x0]  }
0x2ad: {  	v2 =	vadd.s32 v1, v2;
	v1 =	vld [tilespmem:s7+$0x10]  }
0x2ae: {  	[tilespmem:s7+$0x30] =	vst v2;
	v2 =	vadd.s32 v3, v4;
	v3 =	vld [tilespmem:s8+$0x10]  }
0x2af: {  	v4 =	vadd.s32 v5, v6;
	[tilespmem:s7+$0xFFFFFFD0] =	vst v2;
	v2 =	vld [tilespmem:s7+$0x20]  }
0x2b0: {  	v5 =	vadd.s32 v7, v8;
	[tilespmem:s7+$0xFFFFFFE0] =	vst v4;
	v4 =	vld [tilespmem:s8+$0x20]  }
0x2b1: {  	s9 =	simm.s32 $0x0;
	s10 =	simm.s32 $0xF540;
	v6 =	vadd.s32 v9, v10;
	[tilespmem:s7+$0xFFFFFFF0] =	vst v5;
	v5 =	vld [tilespmem:s7+$0xFFFFFFC0]  }
.LBB2_34:
0x2b2: {  	v7 =	vld [tilespmem:s10+$0x30];
	[tilespmem:s7+$0x0] =	vst v6;
	s8 =	sadd.s32 $0x80, s8  }
0x2b3: {  	s9 =	sadd.s32 $0x8, s9;
	v6 =	vld [tilespmem:s8+$0x30];
	v1 =	vadd.s32 v1, v3  }
0x2b4: {  	p2 =	slt.u32 s9, $0xF8;
	v3 =	vld [tilespmem:s8+$0xFFFFFFC0];
	[tilespmem:s7+$0x10] =	vst v1  }
0x2b5: {  	v1 =	vld [tilespmem:s10+$0xFFFFFFD0];
	v2 =	vadd.s32 v2, v4  }
0x2b6: {  	v4 =	vld [tilespmem:s8+$0xFFFFFFD0];
	v0 =	vadd.s32 v5, v0;
	[tilespmem:s7+$0x20] =	vst v2  }
0x2b7: {  	v2 =	vld [tilespmem:s10+$0xFFFFFFE0];
	[tilespmem:s7+$0xFFFFFFC0] =	vst v0;
	s7 =	smov.u32 s10  }
0x2b8: {  	v5 =	vld [tilespmem:s8+$0xFFFFFFE0];
	v7 =	vadd.s32 v7, v6  }
0x2b9: {  	v6 =	vld [tilespmem:s10+$0xFFFFFFF0];
	[tilespmem:s10+$0x30] =	vst v7;
	v0 =	vmov v3  }
0x2ba: {  	v7 =	vld [tilespmem:s8+$0xFFFFFFF0]  }
0x2bb: {  	v1 =	vadd.s32 v1, v4;
	v8 =	vld [tilespmem:s10+$0x0]  }
0x2bc: {  	[tilespmem:s10+$0xFFFFFFD0] =	vst v1;
	v9 =	vld [tilespmem:s8+$0x0]  }
.Ltmp18:
0x2bd: {  	v2 =	vadd.s32 v2, v5;
	v1 =	vld [tilespmem:s10+$0x10];
	(pc) =	sbr.rel @p2 .LBB2_34-.Ltmp18, $4  }
0x2be: {  	[tilespmem:s10+$0xFFFFFFE0] =	vst v2;
	v3 =	vld [tilespmem:s8+$0x10]  }
0x2bf: {  	v4 =	vadd.s32 v6, v7;
	v2 =	vld [tilespmem:s10+$0x20]  }
0x2c0: {  	[tilespmem:s10+$0xFFFFFFF0] =	vst v4;
	v4 =	vld [tilespmem:s8+$0x20]  }
0x2c1: {  	s10 =	sadd.s32 $0x80, s10;
	v5 =	vld [tilespmem:s7+$0xFFFFFFC0];
	v6 =	vadd.s32 v8, v9  }
0x2c2: {  	_ =	sdelay $0x1  }
0x2c3: {  	[tilespmem:s7+$0x0] =	vst v6;
	v1 =	vadd.s32 v1, v3  }
0x2c4: {  	[tilespmem:s7+$0x10] =	vst v1;
	v1 =	vadd.s32 v2, v4  }
0x2c5: {  	v0 =	vadd.s32 v5, v0;
	[tilespmem:s7+$0x20] =	vst v1  }
0x2c6: {  	s30 =	simm.s32 $0x1;
	[tilespmem:s7+$0xFFFFFFC0] =	vst v0  }
0x2c7: {  	_ =	swait.ge [sflag:s30], $0x1000  }
0x2c8: {  	s31 =	simm.s32 $0x80;
	[sflag:s30] =	ssyncset.done $0x0  }
0x2c9: {  	s8 =	simm.s32 $0x400;
	s9 =	simm.s32 $0x10480;
	[sflag:s30] =	ssyncadd.s32 $0xFFFFF000  }
0x2ca: {  	[tilespmem:s9], [sflag:$0x1] =	stream.strided.gather [spmem:s6], $0x1000, s8, s31, $0x38;
	[tilespmem:$0x14480] =	vst v63  }
0x2cb: {  	s6 =	simm.s32 $0xF4C0  }
0x2cc: {  	s7 =	simm.s32 $0x114C0;
	v1 =	vld [tilespmem:s6+$0x30]  }
0x2cd: {  	v2 =	vld [tilespmem:s7+$0x30]  }
0x2ce: {  	v0 =	vld [tilespmem:s7+$0xFFFFFFC0]  }
0x2cf: {  	v3 =	vld [tilespmem:s6+$0xFFFFFFD0]  }
0x2d0: {  	v4 =	vld [tilespmem:s7+$0xFFFFFFD0]  }
0x2d1: {  	v5 =	vld [tilespmem:s6+$0xFFFFFFE0]  }
0x2d2: {  	v6 =	vld [tilespmem:s7+$0xFFFFFFE0]  }
0x2d3: {  	v7 =	vld [tilespmem:s6+$0xFFFFFFF0]  }
0x2d4: {  	v8 =	vld [tilespmem:s7+$0xFFFFFFF0]  }
0x2d5: {  	v9 =	vld [tilespmem:s6+$0x0]  }
0x2d6: {  	v10 =	vld [tilespmem:s7+$0x0]  }
0x2d7: {  	v2 =	vadd.s32 v1, v2;
	v1 =	vld [tilespmem:s6+$0x10]  }
0x2d8: {  	[tilespmem:s6+$0x30] =	vst v2;
	v2 =	vadd.s32 v3, v4;
	v3 =	vld [tilespmem:s7+$0x10]  }
0x2d9: {  	v4 =	vadd.s32 v5, v6;
	[tilespmem:s6+$0xFFFFFFD0] =	vst v2;
	v2 =	vld [tilespmem:s6+$0x20]  }
0x2da: {  	v5 =	vadd.s32 v7, v8;
	[tilespmem:s6+$0xFFFFFFE0] =	vst v4;
	v4 =	vld [tilespmem:s7+$0x20]  }
0x2db: {  	s8 =	simm.s32 $0x0;
	s9 =	simm.s32 $0xF540;
	v6 =	vadd.s32 v9, v10;
	[tilespmem:s6+$0xFFFFFFF0] =	vst v5;
	v5 =	vld [tilespmem:s6+$0xFFFFFFC0]  }
.LBB2_36:
0x2dc: {  	v7 =	vld [tilespmem:s9+$0x30];
	[tilespmem:s6+$0x0] =	vst v6;
	s7 =	sadd.s32 $0x80, s7  }
0x2dd: {  	s8 =	sadd.s32 $0x8, s8;
	v6 =	vld [tilespmem:s7+$0x30];
	v1 =	vadd.s32 v1, v3  }
0x2de: {  	p2 =	slt.u32 s8, $0xF8;
	v3 =	vld [tilespmem:s7+$0xFFFFFFC0];
	[tilespmem:s6+$0x10] =	vst v1  }
0x2df: {  	v1 =	vld [tilespmem:s9+$0xFFFFFFD0];
	v2 =	vadd.s32 v2, v4  }
0x2e0: {  	v4 =	vld [tilespmem:s7+$0xFFFFFFD0];
	v0 =	vadd.s32 v5, v0;
	[tilespmem:s6+$0x20] =	vst v2  }
0x2e1: {  	v2 =	vld [tilespmem:s9+$0xFFFFFFE0];
	[tilespmem:s6+$0xFFFFFFC0] =	vst v0;
	s6 =	smov.u32 s9  }
0x2e2: {  	v5 =	vld [tilespmem:s7+$0xFFFFFFE0];
	v7 =	vadd.s32 v7, v6  }
0x2e3: {  	v6 =	vld [tilespmem:s9+$0xFFFFFFF0];
	[tilespmem:s9+$0x30] =	vst v7;
	v0 =	vmov v3  }
0x2e4: {  	v7 =	vld [tilespmem:s7+$0xFFFFFFF0]  }
0x2e5: {  	v1 =	vadd.s32 v1, v4;
	v8 =	vld [tilespmem:s9+$0x0]  }
0x2e6: {  	[tilespmem:s9+$0xFFFFFFD0] =	vst v1;
	v9 =	vld [tilespmem:s7+$0x0]  }
.Ltmp19:
0x2e7: {  	v2 =	vadd.s32 v2, v5;
	v1 =	vld [tilespmem:s9+$0x10];
	(pc) =	sbr.rel @p2 .LBB2_36-.Ltmp19, $4  }
0x2e8: {  	[tilespmem:s9+$0xFFFFFFE0] =	vst v2;
	v3 =	vld [tilespmem:s7+$0x10]  }
0x2e9: {  	v4 =	vadd.s32 v6, v7;
	v2 =	vld [tilespmem:s9+$0x20]  }
0x2ea: {  	[tilespmem:s9+$0xFFFFFFF0] =	vst v4;
	v4 =	vld [tilespmem:s7+$0x20]  }
0x2eb: {  	s9 =	sadd.s32 $0x80, s9;
	v5 =	vld [tilespmem:s6+$0xFFFFFFC0];
	v6 =	vadd.s32 v8, v9  }
0x2ec: {  	_ =	sdelay $0x1  }
0x2ed: {  	[tilespmem:s6+$0x0] =	vst v6;
	v1 =	vadd.s32 v1, v3  }
0x2ee: {  	[tilespmem:s6+$0x10] =	vst v1;
	v1 =	vadd.s32 v2, v4  }
0x2ef: {  	v0 =	vadd.s32 v5, v0;
	[tilespmem:s6+$0x20] =	vst v1  }
0x2f0: {  	s31 =	simm.s32 $0x1;
	[tilespmem:s6+$0xFFFFFFC0] =	vst v0  }
0x2f1: {  	_ =	swait.ge [sflag:s31], $0x1000  }
0x2f2: {  	[sflag:s31] =	ssyncset.done $0x0  }
0x2f3: {  	s6 =	simm.s32 $0xF4C0;
	[sflag:s31] =	ssyncadd.s32 $0xFFFFF000  }
0x2f4: {  	s7 =	simm.s32 $0x104C0;
	v1 =	vld [tilespmem:s6+$0x30]  }
0x2f5: {  	v2 =	vld [tilespmem:s7+$0x30]  }
0x2f6: {  	v0 =	vld [tilespmem:s7+$0xFFFFFFC0]  }
0x2f7: {  	v3 =	vld [tilespmem:s6+$0xFFFFFFD0]  }
0x2f8: {  	v4 =	vld [tilespmem:s7+$0xFFFFFFD0]  }
0x2f9: {  	v5 =	vld [tilespmem:s6+$0xFFFFFFE0]  }
0x2fa: {  	v6 =	vld [tilespmem:s7+$0xFFFFFFE0]  }
0x2fb: {  	v7 =	vld [tilespmem:s6+$0xFFFFFFF0]  }
0x2fc: {  	v8 =	vld [tilespmem:s7+$0xFFFFFFF0]  }
0x2fd: {  	v9 =	vld [tilespmem:s6+$0x0]  }
0x2fe: {  	v10 =	vld [tilespmem:s7+$0x0]  }
0x2ff: {  	v2 =	vadd.s32 v1, v2;
	v1 =	vld [tilespmem:s6+$0x10]  }
0x300: {  	[tilespmem:s6+$0x30] =	vst v2;
	v2 =	vadd.s32 v3, v4;
	v3 =	vld [tilespmem:s7+$0x10]  }
0x301: {  	v4 =	vadd.s32 v5, v6;
	[tilespmem:s6+$0xFFFFFFD0] =	vst v2;
	v2 =	vld [tilespmem:s6+$0x20]  }
0x302: {  	v5 =	vadd.s32 v7, v8;
	[tilespmem:s6+$0xFFFFFFE0] =	vst v4;
	v4 =	vld [tilespmem:s7+$0x20]  }
0x303: {  	s8 =	simm.s32 $0x0;
	s9 =	simm.s32 $0xF540;
	v6 =	vadd.s32 v9, v10;
	[tilespmem:s6+$0xFFFFFFF0] =	vst v5;
	v5 =	vld [tilespmem:s6+$0xFFFFFFC0]  }
.LBB2_38:
0x304: {  	v7 =	vld [tilespmem:s9+$0x30];
	[tilespmem:s6+$0x0] =	vst v6;
	s7 =	sadd.s32 $0x80, s7  }
0x305: {  	s8 =	sadd.s32 $0x8, s8;
	v6 =	vld [tilespmem:s7+$0x30];
	v1 =	vadd.s32 v1, v3  }
0x306: {  	p2 =	slt.u32 s8, $0xF8;
	v3 =	vld [tilespmem:s7+$0xFFFFFFC0];
	[tilespmem:s6+$0x10] =	vst v1  }
0x307: {  	v1 =	vld [tilespmem:s9+$0xFFFFFFD0];
	v2 =	vadd.s32 v2, v4  }
0x308: {  	v4 =	vld [tilespmem:s7+$0xFFFFFFD0];
	v0 =	vadd.s32 v5, v0;
	[tilespmem:s6+$0x20] =	vst v2  }
0x309: {  	v2 =	vld [tilespmem:s9+$0xFFFFFFE0];
	[tilespmem:s6+$0xFFFFFFC0] =	vst v0;
	s6 =	smov.u32 s9  }
0x30a: {  	v5 =	vld [tilespmem:s7+$0xFFFFFFE0];
	v7 =	vadd.s32 v7, v6  }
0x30b: {  	v6 =	vld [tilespmem:s9+$0xFFFFFFF0];
	[tilespmem:s9+$0x30] =	vst v7;
	v0 =	vmov v3  }
0x30c: {  	v7 =	vld [tilespmem:s7+$0xFFFFFFF0]  }
0x30d: {  	v1 =	vadd.s32 v1, v4;
	v8 =	vld [tilespmem:s9+$0x0]  }
0x30e: {  	[tilespmem:s9+$0xFFFFFFD0] =	vst v1;
	v9 =	vld [tilespmem:s7+$0x0]  }
.Ltmp20:
0x30f: {  	v2 =	vadd.s32 v2, v5;
	v1 =	vld [tilespmem:s9+$0x10];
	(pc) =	sbr.rel @p2 .LBB2_38-.Ltmp20, $4  }
0x310: {  	[tilespmem:s9+$0xFFFFFFE0] =	vst v2;
	v3 =	vld [tilespmem:s7+$0x10]  }
0x311: {  	v4 =	vadd.s32 v6, v7;
	v2 =	vld [tilespmem:s9+$0x20]  }
0x312: {  	[tilespmem:s9+$0xFFFFFFF0] =	vst v4;
	v4 =	vld [tilespmem:s7+$0x20]  }
0x313: {  	s9 =	sadd.s32 $0x80, s9;
	v5 =	vld [tilespmem:s6+$0xFFFFFFC0];
	v6 =	vadd.s32 v8, v9  }
0x314: {  	_ =	sdelay $0x1  }
0x315: {  	[tilespmem:s6+$0x0] =	vst v6;
	v1 =	vadd.s32 v1, v3  }
0x316: {  	[tilespmem:s6+$0x10] =	vst v1;
	v1 =	vadd.s32 v2, v4  }
0x317: {  	v0 =	vadd.s32 v5, v0;
	[tilespmem:s6+$0x20] =	vst v1  }
0x318: {  	s28 =	simm.s32 $0x10470;
	[tilespmem:s6+$0xFFFFFFC0] =	vst v0  }
0x319: {  	v0 =	vld [tilespmem:s28+$0x0]  }
0x31a: {  	v1 =	vld [tilespmem:s28+$0xFFFFFFF0]  }
0x31b: {  	v2 =	vld [tilespmem:s28+$0xFFFFFFE0]  }
0x31c: {  	v3 =	vld [tilespmem:s28+$0xFFFFFFD0];
	_ =	sdelay $0x1  }
0x31d: {  	(xrf0) =	vadd.scan.msk.s32 $0xffff, v0  }
0x31e: {  	(xrf0) =	vadd.scan.msk.s32 $0xffff, v1  }
0x31f: {  	(xrf0) =	vadd.scan.msk.s32 $0xffff, v2  }
0x320: {  	(xrf0) =	vadd.scan.msk.s32 $0xffff, v3;
	_ =	sdelay $0x2  }
0x321: {  	v0, _, _ =	vpop (xrf0)  }
0x322: {  	(v2sf) =	vpush v0, $0xF;
	v0, _, _ =	vpop (xrf0)  }
0x323: {  	(v2sf) =	vpush v0, $0xF;
	v0, _, _ =	vpop (xrf0)  }
0x324: {  	s29 =	simm.s32 $0x10430;
	(v2sf) =	vpush v0, $0xF;
	v0, _, _ =	vpop (xrf0)  }
0x325: {  	(v2sf) =	vpush v0, $0xF;
	v0 =	vld [tilespmem:s29+$0x0]  }
0x326: {  	v1 =	vld [tilespmem:s29+$0xFFFFFFF0];
	_ =	sdelay $0x1  }
0x327: {  	v2 =	vld [tilespmem:s29+$0xFFFFFFE0]  }
0x328: {  	s10 =	simm.s32 $0x103F0;
	v3 =	vld [tilespmem:s29+$0xFFFFFFD0]  }
0x329: {  	v63 =	vld [tilespmem:s10+$0x0];
	(xrf0) =	vadd.scan.msk.s32 $0xffff, v0  }
0x32a: {  	v0 =	vld [tilespmem:s10+$0xFFFFFFF0];
	(xrf0) =	vadd.scan.msk.s32 $0xffff, v1;
	_ =	sdelay $0x1  }
0x32b: {  	(xrf0) =	vadd.scan.msk.s32 $0xffff, v2  }
0x32c: {  	(xrf0) =	vadd.scan.msk.s32 $0xffff, v3  }
0x32d: {  	(xrf0) =	vadd.scan.msk.s32 $0xffff, v63  }
0x32e: {  	(xrf0) =	vadd.scan.msk.s32 $0xffff, v0;
	v0, _, _ =	vpop (xrf0)  }
0x32f: {  	s12 =	simm.s32 $0xFF;
	s9 =	simm.s32 $0x8;
	s7 =	spop (v2sf);
	v3, _, _ =	vpop (xrf0);
	(v2sf) =	vpush v0, $0xF  }
0x330: {  	s8 =	simm.s32 $0xFB;
	p2 =	por $0x1, $0x1;
	s30 =	spop (v2sf);
	(v2sf) =	vpush v3, $0xF  }
0x331: {  	s16 =	simm.s32 $0xFE;
	s6 =	simm.s32 $0x0;
	s13 =	sadd.s32 $0x0, s7;
	v0, _, _ =	vpop (xrf0)  }
0x332: {  	v1 =	vld [tilespmem:s10+$0xFFFFFFE0];
	s7 =	simm.s32 $0x0;
	p3 =	sgt.s32 s13, $0x1D4BF;
	s31 =	spop (v2sf);
	(v2sf) =	vpush v0, $0xF  }
0x333: {  	s14 =	sadd.s32 s30, s13;
	p5 =	slt.s32 s13, $0x1D4C0;
	v0, _, _ =	vpop (xrf0);
	p3 =	por !p2, !p3  }
0x334: {  	p4 =	sgt.s32 s14, $0x1D4BF;
	p2 =	slt.s32 s14, $0x1D4C0;
	s15 =	spop (v2sf);
	(v2sf) =	vpush v0, $0xF  }
0x335: {  	v2 =	vld [tilespmem:s10+$0xFFFFFFD0];
	s11 =	sadd.s32 s31, s14;
	p3 =	por !p3, !p3;
	p4 =	por !p5, !p4  }
0x336: {  	p6 =	sgt.s32 s11, $0x1D4BF;
	s10 =	sadd.s32 s15, s11;
	s7 =	smov.u32 @p3 s12  }
0x337: {  	(xrf0) =	vadd.scan.msk.s32 $0xffff, v1;
	s6 =	smov.u32 @p3 s6;
	p3 =	por !p4, !p4;
	p2 =	por !p2, !p6  }
0x338: {  	p4 =	slt.s32 s11, $0x1D4C0;
	s12 =	simm.s32 $0xFD;
	p5 =	sgt.s32 s10, $0x1D4BF  }
0x339: {  	s7 =	smov.u32 @p3 s16;
	s6 =	smov.u32 @p3 s13;
	p2 =	por !p2, !p2  }
0x33a: {  	(xrf0) =	vadd.scan.msk.s32 $0xffff, v2;
	v0, _, _ =	vpop (xrf0);
	p6 =	por !p4, !p5;
	s13 =	simm.s32 $0xFC;
	s7 =	smov.u32 @p2 s12  }
0x33b: {  	(v2sf) =	vpush v0, $0xF;
	v0, _, _ =	vpop (xrf0);
	s6 =	smov.u32 @p2 s14;
	s12 =	simm.s32 $0x103B0;
	p3 =	por !p6, !p6  }
.LBB2_40:
0x33c: {  	s9 =	sadd.s32 $0x4, s9  }
0x33d: {  	v1 =	vld [tilespmem:s12+$0x0];
	(v2sf) =	vpush v0, $0xF;
	v0, _, _ =	vpop (xrf0);
	s7 =	smov.u32 @p3 s13;
	s6 =	smov.u32 @p3 s11;
	s13 =	smov.u32 s8  }
0x33e: {  	s8 =	sadd.s32 $0xFFFFFFFC, s8;
	v2 =	vld [tilespmem:s12+$0xFFFFFFF0];
	p2 =	slt.u32 s9, $0xFC;
	(v2sf) =	vpush v0, $0xF;
	s11 =	spop (v2sf)  }
0x33f: {  	p3 =	slt.s32 s10, $0x1D4C0;
	s14 =	sadd.s32 s10, s11;
	s11 =	spop (v2sf)  }
0x340: {  	s17 =	sadd.s32 $0xFFFFFFFF, s13;
	v0 =	vld [tilespmem:s12+$0xFFFFFFE0];
	v3, _, _ =	vpop (xrf0);
	p4 =	sgt.s32 s14, $0x1D4BF;
	s15 =	sadd.s32 s11, s14  }
0x341: {  	(v2sf) =	vpush v3, $0xF;
	s11 =	spop (v2sf);
	p6 =	slt.s32 s14, $0x1D4C0;
	p4 =	por !p3, !p4  }
0x342: {  	v3 =	vld [tilespmem:s12+$0xFFFFFFD0];
	p5 =	sgt.s32 s15, $0x1D4BF;
	p3 =	slt.s32 s15, $0x1D4C0;
	s11 =	sadd.s32 s11, s15  }
0x343: {  	(xrf0) =	vadd.scan.msk.s32 $0xffff, v1;
	p4 =	por !p4, !p4;
	s16 =	spop (v2sf);
	p5 =	por !p6, !p5  }
0x344: {  	(xrf0) =	vadd.scan.msk.s32 $0xffff, v2;
	s7 =	smov.u32 @p4 s13;
	s6 =	smov.u32 @p4 s10;
	p4 =	por !p5, !p5  }
0x345: {  	(xrf0) =	vadd.scan.msk.s32 $0xffff, v0;
	s7 =	smov.u32 @p4 s17  }
.Ltmp21:
0x346: {  	s6 =	smov.u32 @p4 s14;
	p4 =	sgt.s32 s11, $0x1D4BF;
	(pc) =	sbr.rel @p2 .LBB2_40-.Ltmp21, $4  }
0x347: {  	s10 =	sadd.s32 s16, s11;
	p3 =	por !p3, !p4;
	p4 =	slt.s32 s11, $0x1D4C0;
	(xrf0) =	vadd.scan.msk.s32 $0xffff, v3  }
0x348: {  	s14 =	sadd.s32 $0xFFFFFFFE, s13;
	p5 =	sgt.s32 s10, $0x1D4BF;
	p3 =	por !p3, !p3  }
0x349: {  	s7 =	smov.u32 @p3 s14;
	s6 =	smov.u32 @p3 s15;
	p3 =	por !p4, !p5;
	v0, _, _ =	vpop (xrf0)  }
0x34a: {  	s12 =	sadd.s32 $0xFFFFFFC0, s12;
	s13 =	sadd.s32 $0xFFFFFFFD, s13;
	p3 =	por !p3, !p3;
	(v2sf) =	vpush v0, $0xF;
	v0, _, _ =	vpop (xrf0)  }
0x34b: {  	(v2sf) =	vpush v0, $0xF;
	v0, _, _ =	vpop (xrf0)  }
0x34c: {  	s7 =	smov.u32 @p3 s13;
	s6 =	smov.u32 @p3 s11;
	(v2sf) =	vpush v0, $0xF  }
0x34d: {  	s9 =	sadd.s32 $0xFFFFFFFC, s8;
	s15 =	spop (v2sf);
	p2 =	slt.s32 s10, $0x1D4C0  }
0x34e: {  	s23 =	simm.s32 $0x40;
	s11 =	sadd.s32 s10, s15;
	s12 =	spop (v2sf);
	v0, _, _ =	vpop (xrf0)  }
0x34f: {  	s15 =	sadd.s32 $0xFFFFFFFF, s8;
	p5 =	sgt.s32 s11, $0x1D4BF;
	s12 =	sadd.s32 s12, s11;
	(v2sf) =	vpush v0, $0xF  }
0x350: {  	s16 =	spop (v2sf);
	p2 =	por !p2, !p5;
	p6 =	sgt.s32 s12, $0x1D4BF  }
0x351: {  	p4 =	slt.s32 s12, $0x1D4C0;
	p5 =	slt.s32 s11, $0x1D4C0;
	s13 =	sadd.s32 s16, s12  }
0x352: {  	p2 =	por !p2, !p2;
	p3 =	por !p5, !p6;
	s14 =	spop (v2sf)  }
0x353: {  	s7 =	smov.u32 @p2 s8;
	s6 =	smov.u32 @p2 s10;
	p2 =	por !p3, !p3  }
0x354: {  	p3 =	sgt.s32 s13, $0x1D4BF;
	s7 =	smov.u32 @p2 s15;
	s6 =	smov.u32 @p2 s11  }
0x355: {  	p2 =	por !p4, !p3;
	s10 =	sadd.s32 s14, s13;
	p4 =	slt.s32 s13, $0x1D4C0  }
0x356: {  	s11 =	sadd.s32 $0xFFFFFFFE, s8;
	s8 =	sadd.s32 $0xFFFFFFFD, s8;
	p5 =	sgt.s32 s10, $0x1D4BF  }
0x357: {  	s14 =	sadd.s32 $0xFFFFFFFF, s9;
	p2 =	por !p2, !p2;
	p6 =	por !p4, !p5  }
0x358: {  	s7 =	smov.u32 @p2 s11;
	s6 =	smov.u32 @p2 s12;
	p2 =	por !p6, !p6  }
0x359: {  	p3 =	slt.s32 s10, $0x1D4C0;
	s7 =	smov.u32 @p2 s8;
	s17 =	spop (v2sf)  }
0x35a: {  	s6 =	smov.u32 @p2 s13;
	s8 =	sadd.s32 s10, s17;
	s18 =	spop (v2sf)  }
0x35b: {  	p4 =	sgt.s32 s8, $0x1D4BF;
	s11 =	sadd.s32 s18, s8;
	s19 =	spop (v2sf)  }
0x35c: {  	v1 =	vld [tilespmem:s23+$0xFFFFFFC0];
	p6 =	slt.s32 s8, $0x1D4C0;
	p2 =	por !p3, !p4;
	p5 =	sgt.s32 s11, $0x1D4BF  }
0x35d: {  	p4 =	slt.s32 s11, $0x1D4C0;
	s12 =	sadd.s32 s19, s11;
	p2 =	por !p2, !p2  }
0x35e: {  	s20 =	spop (v2sf);
	p3 =	por !p6, !p5;
	s7 =	smov.u32 @p2 s9  }
0x35f: {  	p3 =	por !p3, !p3;
	s6 =	smov.u32 @p2 s10;
	s21 =	sadd.s32 s20, s12  }
0x360: {  	s7 =	smov.u32 @p3 s14;
	s6 =	smov.u32 @p3 s8;
	p3 =	sgt.s32 s12, $0x1D4BF  }
0x361: {  	v2 =	vmul.f32 $2.560000000e+02, v1;
	p5 =	slt.s32 s12, $0x1D4C0;
	p6 =	sgt.s32 s21, $0x1D4BF;
	p2 =	por !p4, !p3  }
0x362: {  	s8 =	sadd.s32 $0xFFFFFFFE, s9;
	p3 =	por !p5, !p6;
	p2 =	por !p2, !p2  }
0x363: {  	v2 =	vtrunc.f32 v2;
	p3 =	por !p3, !p3;
	s7 =	smov.u32 @p2 s8;
	s8 =	sadd.s32 $0xFFFFFFFD, s9  }
0x364: {  	vm0 =	vmxor vm0, vm0;
	v2 =	vcvt.f32.s32 v2;
	s7 =	smov.u32 @p3 s8  }
0x365: {  	vm1 =	vmmov vm0;
	s6 =	smov.u32 @p2 s11;
	p2 =	por $0x1, $0x1;
	v0 =	vmov s7  }
0x366: {  	vm1 =	vmneg @p2 vm1;
	vm2 =	veq.s32 v0, v2  }
0x367: {  	vm1 =	vmand vm1, vm2  }
0x368: {  	v2 =	vmpcnt.ones.xlane vm1;
	_ =	sdelay $0x1  }
0x369: {  	(v2sf) =	vpush v2, $0x0;
	_ =	sdelay $0x7  }
0x36a: {  	v2 =	vld [tilespmem:s23+$0xFFFFFFD0];
	_ =	sdelay $0x4  }
0x36b: {  	v3 =	vmul.f32 $2.560000000e+02, v2;
	_ =	sdelay $0x1  }
0x36c: {  	v3 =	vtrunc.f32 v3;
	s24 =	spop (v2sf)  }
0x36d: {  	v3 =	vcvt.f32.s32 v3;
	s10 =	sadd.s32 $0x0, s24  }
0x36e: {  	vm2 =	vmmov vm0;
	p2 =	slt.s32 s10, $0xFE0  }
0x36f: {  	vm3 =	veq.s32 v0, v3;
	vm2 =	vmneg @p2 vm2  }
0x370: {  	vm2 =	vmand vm3, vm2  }
0x371: {  	v3 =	vmpcnt.ones.xlane vm2;
	_ =	sdelay $0x1  }
0x372: {  	(v2sf) =	vpush v3, $0x0;
	_ =	sdelay $0x7  }
0x373: {  	v3 =	vld [tilespmem:s23+$0xFFFFFFE0];
	_ =	sdelay $0x4  }
0x374: {  	v4 =	vmul.f32 $2.560000000e+02, v3;
	_ =	sdelay $0x1  }
0x375: {  	v4 =	vtrunc.f32 v4;
	s25 =	spop (v2sf)  }
0x376: {  	v4 =	vcvt.f32.s32 v4;
	s11 =	sadd.s32 s10, s25  }
0x377: {  	vm3 =	vmmov vm0;
	p2 =	slt.s32 s11, $0xFE0  }
0x378: {  	vm4 =	veq.s32 v0, v4;
	vm3 =	vmneg @p2 vm3  }
0x379: {  	vm3 =	vmand vm4, vm3  }
0x37a: {  	v54 =	vmpcnt.ones.xlane vm3;
	_ =	sdelay $0x1  }
0x37b: {  	(v2sf) =	vpush v54, $0x0;
	_ =	sdelay $0x7  }
0x37c: {  	v55 =	vld [tilespmem:s23+$0xFFFFFFF0];
	_ =	sdelay $0x4  }
0x37d: {  	v5 =	vmul.f32 $2.560000000e+02, v55;
	_ =	sdelay $0x1  }
0x37e: {  	v5 =	vtrunc.f32 v5;
	s26 =	spop (v2sf)  }
0x37f: {  	v5 =	vcvt.f32.s32 v5;
	s6 =	smov.u32 @p3 s12;
	s12 =	sadd.s32 s11, s26  }
0x380: {  	vm4 =	vmmov vm0;
	p2 =	slt.s32 s12, $0xFE0  }
0x381: {  	vm5 =	veq.s32 v0, v5;
	vm4 =	vmneg @p2 vm4  }
0x382: {  	vm4 =	vmand vm5, vm4  }
0x383: {  	v56 =	vmpcnt.ones.xlane vm4;
	_ =	sdelay $0x1  }
0x384: {  	(v2sf) =	vpush v56, $0x0;
	_ =	sdelay $0x7  }
0x385: {  	v57 =	vld [tilespmem:s23+$0x0];
	_ =	sdelay $0x4  }
0x386: {  	v6 =	vmul.f32 $2.560000000e+02, v57;
	_ =	sdelay $0x1  }
0x387: {  	v6 =	vtrunc.f32 v6;
	s28 =	spop (v2sf)  }
0x388: {  	v6 =	vcvt.f32.s32 v6;
	s13 =	sadd.s32 s12, s28  }
0x389: {  	vm5 =	vmmov vm0;
	p2 =	slt.s32 s13, $0xFE0  }
0x38a: {  	vm6 =	veq.s32 v0, v6;
	vm5 =	vmneg @p2 vm5  }
0x38b: {  	vm5 =	vmand vm6, vm5  }
0x38c: {  	v58 =	vmpcnt.ones.xlane vm5;
	_ =	sdelay $0x1  }
0x38d: {  	(v2sf) =	vpush v58, $0x0;
	_ =	sdelay $0x7  }
0x38e: {  	v59 =	vld [tilespmem:s23+$0x10];
	_ =	sdelay $0x4  }
0x38f: {  	v7 =	vmul.f32 $2.560000000e+02, v59;
	_ =	sdelay $0x1  }
0x390: {  	v7 =	vtrunc.f32 v7;
	s29 =	spop (v2sf)  }
0x391: {  	v7 =	vcvt.f32.s32 v7;
	s14 =	sadd.s32 s13, s29  }
0x392: {  	vm6 =	vmmov vm0;
	p2 =	slt.s32 s14, $0xFE0  }
0x393: {  	vm7 =	veq.s32 v0, v7;
	vm6 =	vmneg @p2 vm6  }
0x394: {  	vm6 =	vmand vm7, vm6  }
0x395: {  	v60 =	vmpcnt.ones.xlane vm6;
	_ =	sdelay $0x1  }
0x396: {  	(v2sf) =	vpush v60, $0x0;
	_ =	sdelay $0x7  }
0x397: {  	v61 =	vld [tilespmem:s23+$0x20];
	_ =	sdelay $0x4  }
0x398: {  	v8 =	vmul.f32 $2.560000000e+02, v61;
	_ =	sdelay $0x1  }
0x399: {  	v8 =	vtrunc.f32 v8;
	s30 =	spop (v2sf)  }
0x39a: {  	v8 =	vcvt.f32.s32 v8;
	s15 =	sadd.s32 s14, s30  }
0x39b: {  	vm7 =	vmmov vm0;
	p2 =	slt.s32 s15, $0xFE0  }
0x39c: {  	vm8 =	veq.s32 v0, v8;
	vm7 =	vmneg @p2 vm7  }
0x39d: {  	vm7 =	vmand vm8, vm7  }
0x39e: {  	v62 =	vmpcnt.ones.xlane vm7;
	_ =	sdelay $0x1  }
0x39f: {  	(v2sf) =	vpush v62, $0x0;
	_ =	sdelay $0x7  }
0x3a0: {  	v63 =	vld [tilespmem:s23+$0x30];
	_ =	sdelay $0x4  }
0x3a1: {  	v9 =	vmul.f32 $2.560000000e+02, v63  }
0x3a2: {  	s22 =	simm.s32 $0x0  }
0x3a3: {  	[tilespmem:s22+$0x12480] =	vst.msk vm1, v1;
	v1 =	vtrunc.f32 v9;
	s31 =	spop (v2sf)  }
0x3a4: {  	v1 =	vcvt.f32.s32 v1;
	[tilespmem:s10+$0x12480] =	vst.msk vm2, v2;
	s10 =	sadd.s32 s15, s31  }
0x3a5: {  	vm1 =	vmmov vm0;
	p2 =	slt.s32 s10, $0xFE0  }
0x3a6: {  	vm2 =	veq.s32 v0, v1;
	vm1 =	vmneg @p2 vm1  }
0x3a7: {  	vm1 =	vmand vm2, vm1  }
0x3a8: {  	v1 =	vmpcnt.ones.xlane vm1;
	_ =	sdelay $0x1  }
0x3a9: {  	(v2sf) =	vpush v1, $0x0;
	_ =	sdelay $0x1  }
0x3aa: {  	[tilespmem:s11+$0x12480] =	vst.msk vm3, v3;
	p2 =	sgt.u32 s4, $0x8  }
.Ltmp22:
0x3ab: {  	[tilespmem:s12+$0x12480] =	vst.msk vm4, v55;
	(pc) =	sbr.rel @!p2 .LBB2_43-.Ltmp22, $4  }
0x3ac: {  	[tilespmem:s13+$0x12480] =	vst.msk vm5, v57  }
0x3ad: {  	[tilespmem:s14+$0x12480] =	vst.msk vm6, v59  }
0x3ae: {  	[tilespmem:s15+$0x12480] =	vst.msk vm7, v61  }
0x3af: {  	s9 =	simm.s32 $0xC0;
	s8 =	simm.s32 $0x8;
	[tilespmem:s10+$0x12480] =	vst.msk vm1, v63  }
.LBB2_42:
0x3b0: {  	v1 =	vld [tilespmem:s9+$0xFFFFFFC0];
	s8 =	sadd.s32 $0x8, s8  }
0x3b1: {  	p2 =	slt.u32 s8, s4;
	_ =	sdelay $0x3  }
0x3b2: {  	v2 =	vmul.f32 $2.560000000e+02, v1;
	_ =	sdelay $0x1  }
0x3b3: {  	v2 =	vtrunc.f32 v2;
	s11 =	spop (v2sf)  }
0x3b4: {  	v2 =	vcvt.f32.s32 v2;
	s10 =	sadd.s32 s10, s11  }
0x3b5: {  	vm2 =	vmmov vm0;
	p3 =	slt.s32 s10, $0xFE0  }
0x3b6: {  	vm1 =	veq.s32 v0, v2;
	vm2 =	vmneg @p3 vm2  }
0x3b7: {  	vm1 =	vmand vm2, vm1  }
0x3b8: {  	[tilespmem:s10+$0x12480] =	vst.msk vm1, v1;
	v1 =	vmpcnt.ones.xlane vm1;
	_ =	sdelay $0x1  }
0x3b9: {  	(v2sf) =	vpush v1, $0x0;
	_ =	sdelay $0x7  }
0x3ba: {  	v1 =	vld [tilespmem:s9+$0xFFFFFFD0];
	_ =	sdelay $0x4  }
0x3bb: {  	v2 =	vmul.f32 $2.560000000e+02, v1;
	_ =	sdelay $0x1  }
0x3bc: {  	v2 =	vtrunc.f32 v2;
	s11 =	spop (v2sf)  }
0x3bd: {  	s10 =	sadd.s32 s10, s11;
	v2 =	vcvt.f32.s32 v2  }
0x3be: {  	vm2 =	vmmov vm0;
	p3 =	slt.s32 s10, $0xFE0  }
0x3bf: {  	vm1 =	veq.s32 v0, v2;
	vm2 =	vmneg @p3 vm2  }
0x3c0: {  	vm1 =	vmand vm1, vm2  }
0x3c1: {  	[tilespmem:s10+$0x12480] =	vst.msk vm1, v1;
	v1 =	vmpcnt.ones.xlane vm1;
	_ =	sdelay $0x1  }
0x3c2: {  	(v2sf) =	vpush v1, $0x0;
	_ =	sdelay $0x7  }
0x3c3: {  	v1 =	vld [tilespmem:s9+$0xFFFFFFE0];
	_ =	sdelay $0x4  }
0x3c4: {  	v2 =	vmul.f32 $2.560000000e+02, v1;
	_ =	sdelay $0x1  }
0x3c5: {  	v2 =	vtrunc.f32 v2;
	s11 =	spop (v2sf)  }
0x3c6: {  	s10 =	sadd.s32 s10, s11;
	v2 =	vcvt.f32.s32 v2  }
0x3c7: {  	vm2 =	vmmov vm0;
	p3 =	slt.s32 s10, $0xFE0  }
0x3c8: {  	vm1 =	veq.s32 v0, v2;
	vm2 =	vmneg @p3 vm2  }
0x3c9: {  	vm1 =	vmand vm1, vm2  }
0x3ca: {  	[tilespmem:s10+$0x12480] =	vst.msk vm1, v1;
	v1 =	vmpcnt.ones.xlane vm1;
	_ =	sdelay $0x1  }
0x3cb: {  	(v2sf) =	vpush v1, $0x0;
	_ =	sdelay $0x7  }
0x3cc: {  	v1 =	vld [tilespmem:s9+$0xFFFFFFF0];
	_ =	sdelay $0x4  }
0x3cd: {  	v2 =	vmul.f32 $2.560000000e+02, v1;
	_ =	sdelay $0x1  }
0x3ce: {  	v2 =	vtrunc.f32 v2;
	s11 =	spop (v2sf)  }
0x3cf: {  	s10 =	sadd.s32 s10, s11;
	v2 =	vcvt.f32.s32 v2  }
0x3d0: {  	vm2 =	vmmov vm0;
	p3 =	slt.s32 s10, $0xFE0  }
0x3d1: {  	vm1 =	veq.s32 v0, v2;
	vm2 =	vmneg @p3 vm2  }
0x3d2: {  	vm1 =	vmand vm1, vm2  }
0x3d3: {  	[tilespmem:s10+$0x12480] =	vst.msk vm1, v1;
	v1 =	vmpcnt.ones.xlane vm1;
	_ =	sdelay $0x1  }
0x3d4: {  	(v2sf) =	vpush v1, $0x0;
	_ =	sdelay $0x7  }
0x3d5: {  	v1 =	vld [tilespmem:s9+$0x0];
	_ =	sdelay $0x4  }
0x3d6: {  	v2 =	vmul.f32 $2.560000000e+02, v1;
	_ =	sdelay $0x1  }
0x3d7: {  	v2 =	vtrunc.f32 v2;
	s11 =	spop (v2sf)  }
0x3d8: {  	s10 =	sadd.s32 s10, s11;
	v2 =	vcvt.f32.s32 v2  }
0x3d9: {  	vm2 =	vmmov vm0;
	p3 =	slt.s32 s10, $0xFE0  }
0x3da: {  	vm1 =	veq.s32 v0, v2;
	vm2 =	vmneg @p3 vm2  }
0x3db: {  	vm1 =	vmand vm1, vm2  }
0x3dc: {  	[tilespmem:s10+$0x12480] =	vst.msk vm1, v1;
	v1 =	vmpcnt.ones.xlane vm1;
	_ =	sdelay $0x1  }
0x3dd: {  	(v2sf) =	vpush v1, $0x0;
	_ =	sdelay $0x7  }
0x3de: {  	v1 =	vld [tilespmem:s9+$0x10];
	_ =	sdelay $0x4  }
0x3df: {  	v2 =	vmul.f32 $2.560000000e+02, v1;
	_ =	sdelay $0x1  }
0x3e0: {  	v2 =	vtrunc.f32 v2;
	s11 =	spop (v2sf)  }
0x3e1: {  	s10 =	sadd.s32 s10, s11;
	v2 =	vcvt.f32.s32 v2  }
0x3e2: {  	vm2 =	vmmov vm0;
	p3 =	slt.s32 s10, $0xFE0  }
0x3e3: {  	vm1 =	veq.s32 v0, v2;
	vm2 =	vmneg @p3 vm2  }
0x3e4: {  	vm1 =	vmand vm1, vm2  }
0x3e5: {  	[tilespmem:s10+$0x12480] =	vst.msk vm1, v1;
	v1 =	vmpcnt.ones.xlane vm1;
	_ =	sdelay $0x1  }
0x3e6: {  	(v2sf) =	vpush v1, $0x0;
	_ =	sdelay $0x7  }
0x3e7: {  	v1 =	vld [tilespmem:s9+$0x20];
	_ =	sdelay $0x4  }
0x3e8: {  	v2 =	vmul.f32 $2.560000000e+02, v1;
	_ =	sdelay $0x1  }
0x3e9: {  	v2 =	vtrunc.f32 v2;
	s11 =	spop (v2sf)  }
0x3ea: {  	s10 =	sadd.s32 s10, s11;
	v2 =	vcvt.f32.s32 v2  }
0x3eb: {  	vm2 =	vmmov vm0;
	p3 =	slt.s32 s10, $0xFE0  }
0x3ec: {  	vm1 =	veq.s32 v0, v2;
	vm2 =	vmneg @p3 vm2  }
0x3ed: {  	vm1 =	vmand vm1, vm2  }
0x3ee: {  	[tilespmem:s10+$0x12480] =	vst.msk vm1, v1;
	v1 =	vmpcnt.ones.xlane vm1;
	_ =	sdelay $0x1  }
0x3ef: {  	(v2sf) =	vpush v1, $0x0;
	_ =	sdelay $0x7  }
0x3f0: {  	v1 =	vld [tilespmem:s9+$0x30];
	_ =	sdelay $0x4  }
0x3f1: {  	v2 =	vmul.f32 $2.560000000e+02, v1;
	_ =	sdelay $0x1  }
0x3f2: {  	v2 =	vtrunc.f32 v2;
	s11 =	spop (v2sf)  }
0x3f3: {  	s10 =	sadd.s32 s10, s11;
	v2 =	vcvt.f32.s32 v2  }
0x3f4: {  	vm2 =	vmmov vm0;
	p3 =	slt.s32 s10, $0xFE0  }
0x3f5: {  	vm1 =	veq.s32 v0, v2;
	vm2 =	vmneg @p3 vm2  }
0x3f6: {  	vm1 =	vmand vm1, vm2  }
0x3f7: {  	[tilespmem:s10+$0x12480] =	vst.msk vm1, v1;
	v1 =	vmpcnt.ones.xlane vm1;
	_ =	sdelay $0x1  }
0x3f8: {  	(v2sf) =	vpush v1, $0x0;
	_ =	sdelay $0x2  }
.Ltmp23:
0x3f9: {  	(pc) =	sbr.rel @p2 .LBB2_42-.Ltmp23, $2  }
0x3fa: {  	_ =	sdelay $0x2  }
0x3fb: {  	s9 =	sadd.s32 $0x80, s9  }
.LBB2_43:
0x3fc: {  	_ =	sdelay $0x3  }
.Ltmp24:
0x3fd: {  	_ = 	snop;
	(pc) =	sbr.rel @p1 .LBB2_46-.Ltmp24, $3  }
0x3fe: {  	_ =	sdelay $0x1  }
0x3ff: {  	s8 =	spop (v2sf)  }
0x400: {  	s9 =	sadd.s32 s10, s8  }
0x401: {  	s8 =	sshll.u32 s2, $0x4  }
0x402: {  	s10 =	smov.u32 s4;
	s8 =	sand.u32 $0xFF80, s8  }
.LBB2_45:
0x403: {  	v1 =	vld [tilespmem:s8+$0x0];
	_ =	sdelay $0x4  }
0x404: {  	v2 =	vmul.f32 $2.560000000e+02, v1;
	_ =	sdelay $0x1  }
0x405: {  	v2 =	vtrunc.f32 v2  }
0x406: {  	v2 =	vcvt.f32.s32 v2  }
0x407: {  	p2 =	slt.s32 s9, $0xFE0;
	vm1 =	vmmov vm0  }
0x408: {  	vm1 =	vmneg @p2 vm1;
	vm2 =	veq.s32 v0, v2  }
0x409: {  	vm1 =	vmand vm1, vm2  }
0x40a: {  	v2 =	vmpcnt.ones.xlane vm1;
	_ =	sdelay $0x1  }
0x40b: {  	(v2sf) =	vpush v2, $0x0;
	_ =	sdelay $0x9  }
0x40c: {  	s10 =	sadd.s32 $0x1, s10  }
0x40d: {  	p2 =	slt.u32 s10, s2  }
.Ltmp25:
0x40e: {  	_ = 	snop;
	(pc) =	sbr.rel @p2 .LBB2_45-.Ltmp25, $3  }
0x40f: {  	_ =	sdelay $0x1  }
0x410: {  	s11 =	spop (v2sf)  }
0x411: {  	s8 =	sadd.s32 $0x10, s8;
	[tilespmem:s9+$0x12480] =	vst.msk vm1, v1;
	s9 =	sadd.s32 s9, s11  }
.LBB2_46:
0x412: {  	s8 =	scvt.s32.f32 s7;
	s10 =	sadd.s32 $0x1, s7  }
0x413: {  	s10 =	scvt.s32.f32 s10  }
0x414: {  	s8 =	smul.f32 $3.906250000e-03, s8  }
0x415: {  	p2 =	sgt.s32 s7, $0x0;
	s7 =	smul.f32 $3.906250000e-03, s10  }
0x416: {  	s8 =	simm.s32 @!p2 $0x0  }
0x417: {  	s10 =	ssub.s32 s7, s8  }
0x418: {  	s10 =	scvt.s32.f32 s10;
	_ =	sdelay $0x1  }
0x419: {  	p2 =	slt.u32 s10, $0x3F800000  }
.Ltmp26:
0x41a: {  	_ = 	snop;
	(pc) =	sbr.rel @p2 .LBB2_47-.Ltmp26, $1  }
0x41b: {  	_ =	sdelay $0x3  }
0x41c: {  	s9 =	sadd.s32 $0xF, s9  }
0x41d: {  	s6 =	ssub.s32 $0x1D4C0, s6;
	s11 =	sand.u32 $0xF, s9  }
0x41e: {  	s12 =	sshra.s32 s9, $0x1F;
	p2 =	slt.s32 s9, $0x1;
	p3 =	sne.s32 s11, $0x0  }
.Ltmp27:
0x41f: {  	s31 =	sshrl.u32 s12, $0x1C;
	p2 =	por !p2, !p3;
	(pc) =	sbr.rel .LBB2_49-.Ltmp27, $4  }
0x420: {  	s11 =	simm.s32 $0x1;
	s9 =	sadd.s32 s31, s9;
	p2 =	por !p2, !p2  }
0x421: {  	s10 =	sshrl.u32 s10, $0x17;
	s9 =	sshra.s32 s9, $0x4;
	s11 =	simm.s32 @!p2 $0x0  }
0x422: {  	s13 =	simm.s32 $0x0;
	s10 =	sadd.s32 $0xFFFFFF81, s10;
	s9 =	ssub.s32 s9, s11  }
0x423: {  	s12 =	simm.s32 $0x3;
	s11 =	simm.s32 $0x2;
	p2 =	slt.s32 s9, $0x1  }
.LBB2_52:
0x424: {  	v1 =	vmpcnt.ones.xlane vm0;
	_ =	sdelay $0x1  }
0x425: {  	v0 =	vadd.s32 v0, v1  }
.LBB2_53:
0x426: {  	(v2sf) =	vpush v0, $0x0;
	_ =	sdelay $0xe  }
0x427: {  	[sflag:s11] =	ssyncset.done $0x0;
	s15 =	spop (v2sf)  }
0x428: {  	[smem:s13], [sflag:$0x2] =	smem.add.s32 s15  }
0x429: {  	_ =	swait.done [sflag:s11]  }
0x42a: {  	[sflag:s11] =	ssyncset.s32 $0x0  }
0x42b: {  	[sflag:s11] =	ssyncset.done $0x0  }
0x42c: {  	[bflag:$0x0] =	sbarrier.arrive $0xFFFF  }
0x42d: {  	[sflag:s12] =	ssyncset.done $0x0  }
0x42e: {  	[smem:s13], [sflag:$0x3] =	smem.add.s32 $0x0  }
0x42f: {  	_ =	swait.done [sflag:s12]  }
0x430: {  	p4 =	sne.s32 s13, s10;
	s31 =	ssyncread [sflag:$0x3]  }
.Ltmp28:
0x431: {  	_ = 	snop;
	(pc) =	sbr.rel @!p4 .LBB2_54-.Ltmp28, $4  }
0x432: {  	_ = 	snop  }
0x433: {  	s16 =	sadd.s32 $0x1, s13;
	s15 =	smov.u32 s14;
	p3 =	slt.s32 s31, s6  }
0x434: {  	s13 =	smov.u32 s16;
	[sflag:s12] =	ssyncset.s32 $0x0;
	s15 =	smov.u32 @p3 s8  }
0x435: {  	[sflag:s12] =	ssyncset.done $0x0;
	s7 =	smov.u32 @p3 s14;
	s8 =	smov.u32 s15  }
.LBB2_49:
0x436: {  	s14 =	sadd.s32 s8, s7  }
0x437: {  	s15 =	sand.u32 $0x1, s14  }
.Ltmp29:
0x438: {  	p3 =	slt.s32 s14, $0x1;
	p4 =	seq.s32 s15, $0x1;
	(pc) =	sbr.rel @p2 .LBB2_53-.Ltmp29, $4  }
0x439: {  	s31 =	sshrl.u32 s14, $0x1F;
	p3 =	por !p3, !p4  }
0x43a: {  	s14 =	sadd.s32 s31, s14;
	s15 =	simm.s32 $0x1;
	p3 =	por !p3, !p3  }
0x43b: {  	s14 =	sshra.s32 s14, $0x1;
	s15 =	simm.s32 @!p3 $0x0  }
0x43c: {  	v0 =	vimm.s32 $0x0;
	s14 =	ssub.s32 s14, s15  }
0x43d: {  	s15 =	simm.s32 $0x12480  }
0x43e: {  	p3 =	sne.s32 s9, $0x1;
	v2 =	vld [tilespmem:s15+$0x0]  }
.Ltmp30:
0x43f: {  	_ = 	snop;
	(pc) =	sbr.rel @!p3 .LBB2_52-.Ltmp30, $3  }
0x440: {  	v1 =	vmov s14  }
0x441: {  	v1 =	vbroadcast v1, $0x0;
	_ =	sdelay $0x1  }
0x442: {  	s16 =	simm.s32 $0x12490;
	s15 =	sadd.s32 $0xFFFFFFFF, s9;
	vm0 =	vge.f32 v2, v1  }
.LBB2_51:
0x443: {  	v2 =	vld [tilespmem:s16+$0x0];
	p3 =	sne.s32 s15, $0x1;
	s15 =	sadd.s32 $0xFFFFFFFF, s15;
	v3 =	vmpcnt.ones.xlane vm0  }
.Ltmp31:
0x444: {  	(pc) =	sbr.rel @p3 .LBB2_51-.Ltmp31, $2  }
0x445: {  	v0 =	vadd.s32 v0, v3;
	_ =	sdelay $0x2  }
0x446: {  	s16 =	sadd.s32 $0x10, s16;
	vm0 =	vge.f32 v2, v1  }
.Ltmp32:
0x447: {  	_ = 	snop;
	(pc) =	sbr.rel .LBB2_52-.Ltmp32, $1  }
0x448: {  	_ =	sdelay $0x3  }
.LBB2_47:
0x449: {  	s15 =	smov.u32 s8  }
.LBB2_54:
0x44a: {  	s6 =	smul.f32 $2.500000000e-01, s15;
	_ =	sdelay $0x1  }
0x44b: {  	v0 =	vmov s6;
	s6 =	simm.s32 $0x40  }
0x44c: {  	v3 =	vld [tilespmem:s6+$0x30]  }
0x44d: {  	v5 =	vld [tilespmem:s6+$0xFFFFFFD0]  }
0x44e: {  	p3 =	sgt.u32 s4, $0x8;
	v7 =	vld [tilespmem:s6+$0xFFFFFFE0]  }
.Ltmp33:
0x44f: {  	v6 =	vld [tilespmem:s6+$0xFFFFFFF0];
	(pc) =	sbr.rel @!p3 .LBB2_55-.Ltmp33, $4  }
0x450: {  	v4 =	vld [tilespmem:s6+$0x0]  }
0x451: {  	v2 =	vld [tilespmem:s6+$0x10];
	v9 =	vmul.f32 $2.500000000e-01, v3  }
0x452: {  	v1 =	vimm.f32 $0.0e+00;
	v3 =	vld [tilespmem:s6+$0x20]  }
0x453: {  	s7 =	simm.s32 $0xC0;
	p2 =	por $0x0, $0x0;
	v8 =	vmul.f32 $2.500000000e-01, v5;
	v5 =	vld [tilespmem:s6+$0xFFFFFFC0];
	v7 =	vmul.f32 $2.500000000e-01, v7;
	vm0 =	vge.f32 v9, v0  }
0x454: {  	_ = 	snop  }
0x455: {  	v9 =	vld [tilespmem:s7+$0x30];
	v6 =	vmul.f32 $2.500000000e-01, v6;
	vm1 =	vge.f32 v8, v0;
	v8 =	vsel vm0, $0x3F800000, v1  }
0x456: {  	v10 =	vld [tilespmem:s7+$0xFFFFFFD0];
	vm0 =	vge.f32 v7, v0;
	v4 =	vmul.f32 $2.500000000e-01, v4;
	v11 =	vsel vm1, $0x3F800000, v1;
	[tilespmem:s6+$0x30] =	vst v8  }
0x457: {  	p3 =	sgt.u32 s4, $0x10;
	v7 =	vld [tilespmem:s7+$0xFFFFFFE0];
	v8 =	vsel vm0, $0x3F800000, v1;
	vm0 =	vge.f32 v6, v0;
	v2 =	vmul.f32 $2.500000000e-01, v2;
	[tilespmem:s6+$0xFFFFFFD0] =	vst v11  }
.Ltmp34:
0x458: {  	v6 =	vld [tilespmem:s7+$0xFFFFFFF0];
	[tilespmem:s6+$0xFFFFFFE0] =	vst v8;
	v8 =	vsel vm0, $0x3F800000, v1;
	vm0 =	vge.f32 v4, v0;
	v3 =	vmul.f32 $2.500000000e-01, v3;
	(pc) =	sbr.rel @!p3 .LBB2_61-.Ltmp34, $4  }
0x459: {  	v4 =	vld [tilespmem:s7+$0x0];
	v5 =	vmul.f32 $2.500000000e-01, v5;
	[tilespmem:s6+$0xFFFFFFF0] =	vst v8;
	v8 =	vsel vm0, $0x3F800000, v1;
	vm0 =	vge.f32 v2, v0  }
0x45a: {  	v2 =	vld [tilespmem:s7+$0x10];
	v9 =	vmul.f32 $2.500000000e-01, v9;
	[tilespmem:s6+$0x0] =	vst v8;
	v11 =	vsel vm0, $0x3F800000, v1;
	vm0 =	vge.f32 v3, v0  }
0x45b: {  	v8 =	vmul.f32 $2.500000000e-01, v10;
	v3 =	vld [tilespmem:s7+$0x20];
	vm1 =	vge.f32 v5, v0;
	[tilespmem:s6+$0x10] =	vst v11;
	v10 =	vsel vm0, $0x3F800000, v1  }
0x45c: {  	s8 =	simm.s32 $0x10;
	s9 =	simm.s32 $0x140;
	p2 =	por $0x1, $0x1;
	v5 =	vld [tilespmem:s7+$0xFFFFFFC0];
	v7 =	vmul.f32 $2.500000000e-01, v7;
	vm0 =	vge.f32 v9, v0;
	v9 =	vsel vm1, $0x3F800000, v1;
	[tilespmem:s6+$0x20] =	vst v10  }
.LBB2_62:
0x45d: {  	v10 =	vld [tilespmem:s9+$0x30];
	s8 =	sadd.s32 $0x8, s8;
	vm1 =	vge.f32 v8, v0;
	v6 =	vmul.f32 $2.500000000e-01, v6;
	v8 =	vsel vm0, $0x3F800000, v1;
	[tilespmem:s6+$0xFFFFFFC0] =	vst v9;
	s6 =	smov.u32 s7;
	s7 =	smov.u32 s9  }
0x45e: {  	v9 =	vld [tilespmem:s9+$0xFFFFFFD0];
	p3 =	slt.u32 s8, s4;
	v11 =	vsel vm1, $0x3F800000, v1;
	vm0 =	vge.f32 v7, v0;
	v4 =	vmul.f32 $2.500000000e-01, v4;
	[tilespmem:s6+$0x30] =	vst v8  }
0x45f: {  	v7 =	vld [tilespmem:s9+$0xFFFFFFE0];
	[tilespmem:s6+$0xFFFFFFD0] =	vst v11;
	v8 =	vsel vm0, $0x3F800000, v1;
	vm0 =	vge.f32 v6, v0;
	v2 =	vmul.f32 $2.500000000e-01, v2  }
.Ltmp35:
0x460: {  	v6 =	vld [tilespmem:s9+$0xFFFFFFF0];
	[tilespmem:s6+$0xFFFFFFE0] =	vst v8;
	v8 =	vsel vm0, $0x3F800000, v1;
	vm0 =	vge.f32 v4, v0;
	v3 =	vmul.f32 $2.500000000e-01, v3;
	(pc) =	sbr.rel @p3 .LBB2_62-.Ltmp35, $4  }
0x461: {  	v4 =	vld [tilespmem:s9+$0x0];
	v5 =	vmul.f32 $2.500000000e-01, v5;
	[tilespmem:s6+$0xFFFFFFF0] =	vst v8;
	v8 =	vsel vm0, $0x3F800000, v1;
	vm0 =	vge.f32 v2, v0  }
0x462: {  	v2 =	vld [tilespmem:s9+$0x10];
	v10 =	vmul.f32 $2.500000000e-01, v10;
	[tilespmem:s6+$0x0] =	vst v8;
	v11 =	vsel vm0, $0x3F800000, v1;
	vm0 =	vge.f32 v3, v0  }
0x463: {  	v8 =	vmul.f32 $2.500000000e-01, v9;
	v3 =	vld [tilespmem:s9+$0x20];
	vm1 =	vge.f32 v5, v0;
	[tilespmem:s6+$0x10] =	vst v11;
	v11 =	vsel vm0, $0x3F800000, v1  }
0x464: {  	s9 =	sadd.s32 $0x80, s9;
	v5 =	vld [tilespmem:s7+$0xFFFFFFC0];
	v7 =	vmul.f32 $2.500000000e-01, v7;
	vm0 =	vge.f32 v10, v0;
	v9 =	vsel vm1, $0x3F800000, v1;
	[tilespmem:s6+$0x20] =	vst v11  }
0x465: {  	s8 =	smov.u32 s6;
	s6 =	smov.u32 s7  }
.LBB2_64:
0x466: {  	vm1 =	vge.f32 v8, v0;
	v6 =	vmul.f32 $2.500000000e-01, v6;
	v60 =	vsel vm0, $0x3F800000, v1;
	[tilespmem:s8+$0xFFFFFFC0] =	vst @p2 v9  }
0x467: {  	vm10 =	vge.f32 v7, v0;
	v4 =	vmul.f32 $2.500000000e-01, v4;
	v61 =	vsel vm1, $0x3F800000, v1;
	[tilespmem:s6+$0x30] =	vst v60  }
0x468: {  	v7 =	vsel vm10, $0x3F800000, v1;
	v2 =	vmul.f32 $2.500000000e-01, v2;
	[tilespmem:s6+$0xFFFFFFD0] =	vst v61;
	vm11 =	vge.f32 v6, v0  }
0x469: {  	[tilespmem:s6+$0xFFFFFFE0] =	vst v7;
	vm12 =	vge.f32 v4, v0;
	v3 =	vmul.f32 $2.500000000e-01, v3;
	v6 =	vsel vm11, $0x3F800000, v1  }
0x46a: {  	v62 =	vmul.f32 $2.500000000e-01, v5;
	v63 =	vsel vm12, $0x3F800000, v1;
	vm13 =	vge.f32 v2, v0;
	[tilespmem:s6+$0xFFFFFFF0] =	vst v6  }
0x46b: {  	[tilespmem:s6+$0x0] =	vst v63;
	v2 =	vsel vm13, $0x3F800000, v1;
	vm14 =	vge.f32 v3, v0  }
0x46c: {  	vm15 =	vge.f32 v62, v0;
	[tilespmem:s6+$0x10] =	vst v2;
	v2 =	vsel vm14, $0x3F800000, v1  }
0x46d: {  	v1 =	vsel vm15, $0x3F800000, v1;
	[tilespmem:s6+$0x20] =	vst v2  }
0x46e: {  	[tilespmem:s6+$0xFFFFFFC0] =	vst v1  }
.Ltmp36:
0x46f: {  	(pc) =	sbr.rel @p1 .LBB2_59-.Ltmp36, $1  }
0x470: {  	_ =	sdelay $0x3  }
0x471: {  	s6 =	sshll.u32 s2, $0x4  }
0x472: {  	v1 =	vimm.f32 $0.0e+00;
	s6 =	sand.u32 $0xFF80, s6  }
.LBB2_58:
0x473: {  	v2 =	vld [tilespmem:s6+$0x0];
	_ =	sdelay $0x2  }
0x474: {  	s4 =	sadd.s32 $0x1, s4  }
0x475: {  	p1 =	slt.u32 s4, s2  }
.Ltmp37:
0x476: {  	v2 =	vmul.f32 $2.500000000e-01, v2;
	(pc) =	sbr.rel @p1 .LBB2_58-.Ltmp37, $4  }
0x477: {  	_ = 	snop  }
0x478: {  	vm0 =	vge.f32 v2, v0  }
0x479: {  	v2 =	vsel vm0, $0x3F800000, v1  }
0x47a: {  	[tilespmem:s6+$0x0] =	vst v2;
	s6 =	sadd.s32 $0x10, s6  }
.LBB2_59:
0x47b: {  	s2 =	simm.s32 @p0 $0x0  }
0x47c: {  	[hbm4b:s5+s2] =	stream.linear.scatter @p0 [tilespmem:s2], [sflag:$0x2], $0xF440, $0x38;
	[tilespmem:$0x14480] =	vst v63  }
0x47d: {  	s2 =	simm.s32 @p0 $0x2  }
0x47e: {  	_ =	swait.ge @p0 [sflag:s2], $0xF440  }
0x47f: {  	[sflag:s2] =	ssyncset.done @p0 $0x0  }
0x480: {  	[sflag:s2] =	ssyncadd.s32 @p0 $0xFFFF0BC0;
	s2 =	simm.s32 @!p0 $0x0  }
0x481: {  	[hbm4b:s3+s2] =	stream.linear.scatter @!p0 [tilespmem:s2], [sflag:$0x2], $0xF280, $0x38;
	[tilespmem:$0x14480] =	vst v63  }
0x482: {  	s2 =	simm.s32 @!p0 $0x2  }
0x483: {  	_ =	swait.ge @!p0 [sflag:s2], $0xF280  }
0x484: {  	[sflag:s2] =	ssyncset.done @!p0 $0x0  }
0x485: {  	[sflag:s2] =	ssyncadd.s32 @!p0 $0xFFFF0D80  }
0x486: {  	_ =	sfence.sel $0x180000  }
0x487: {  	[bflag:$0x0] =	sbarrier.arrive $0xFFFF  }
0x488: {  	p0 =	sne.s32 s1, $0x0;
	_ =	strace $0x90000047  }
0x489: {  	s0 =	sadd.s32 @!p0 $0x100000, s0;
	[bflag:$0x2] =	sbarrier.arrive $0xFFFF  }
0x48a: {  	[sflag:s0] =	ssyncadd.tile.s32 @!p0 $0x1;
	_ =	shalt  }
.LBB2_55:
.Ltmp38:
0x48b: {  	(pc) =	sbr.rel .LBB2_64-.Ltmp38, $2  }
0x48c: {  	_ =	sdelay $0x2  }
0x48d: {  	_ = 	snop  }
.LBB2_61:
.Ltmp39:
0x48e: {  	(pc) =	sbr.rel .LBB2_64-.Ltmp39, $2  }
0x48f: {  	_ =	sdelay $0x2  }
0x490: {  	s8 =	simm.s32 $0x40;
	s6 =	simm.s32 $0xC0  }
.Lfunc_end2:
_tile_overlayer_lowered:
.L_overlay_start_2:
0x491: {  	(tag) =	ssettag $0x2  }
0x492: {  	s0 =	rddreg [dreg:$0x0];
	s2 =	stileid.u32  }
0x493: {  	s1 =	rddreg [dreg:$0x1];
	p0 =	sne.s32 s2, $0x0  }
0x494: {  	s3 =	rddreg [dreg:$0x2];
	[bflag:$0x3] =	sbarrier.arrive $0xFFFF;
	s2 =	simm.s32 @!p0 $0x1C02  }
0x495: {  	[timem:s3], [sflag:s2] =	dma.local @!p0 [hbm:s0], s1  }
0x496: {  	s0 =	simm.s32 @!p0 $0x2  }
0x497: {  	_ =	swait.ge @!p0 [sflag:s0], s1  }
0x498: {  	s1 =	ssub.s32 @!p0 $0x0, s1;
	[sflag:s0] =	ssyncset.done @!p0 $0x0  }
0x499: {  	[sflag:s0] =	ssyncadd.s32 @!p0 s1  }
0x49a: {  	[bflag:$0x3] =	sbarrier.arrive $0xFFFF  }
0x49b: {  	_ =	shalt  }

</sc_bundles>
